<compile_context>
chip_gen: v7x
topology: tpu7x:2x2x1
jax: 0.10.2.dev20260603
libtpu: 0.0.44.dev20260713+nightly
codegen_flags: <defaults>
</compile_context>

<pallas_src>
import jax
import jax.numpy as jnp
from jax import lax
from jax.experimental import pallas as pl
from jax.experimental.pallas import tpu as pltpu
from jax.experimental.pallas import tpu_sc as plsc

N_PAT = 10000
N_COND = 10000
D = 128
E = 320000
EPS = 1e-06

NC = 2
NS = 16
NW = NC * NS
L = 16

EW = E // NW
C = 80
NCHUNK = EW // C
G = C // L
ACC = 4


def _vf(x):
    return jnp.full((L,), x, dtype=jnp.float32)


def _vi(x):
    return jnp.full((L,), x, dtype=jnp.int32)


def _rsqrt(p):
    xi = plsc.bitcast(p, jnp.int32)
    yi = _vi(0x5F3759DF) - (xi >> 1)
    y = plsc.bitcast(yi, jnp.float32)
    half_p = _vf(0.5) * p
    for _ in range(3):
        y = y * (_vf(1.5) - half_p * y * y)
    return y


def _sc_body(pat_hbm, cond_hbm, src_hbm, dst_hbm, sb_hbm, out_hbm,
             src_v, dst_v, pat_rows, cond_rows, out_v, sb_v, sem_a, sem_b):
    wid = lax.axis_index("s") * NC + lax.axis_index("c")
    wbase = pl.multiple_of(wid * EW, EW)

    pltpu.sync_copy(src_hbm.at[pl.ds(wbase, EW)], src_v)
    pltpu.sync_copy(dst_hbm.at[pl.ds(wbase, EW)], dst_v)
    pltpu.sync_copy(sb_hbm, sb_v)
    scale_vec = sb_v[pl.ds(0, L)]
    bias_vec = sb_v[pl.ds(L, L)]

    riota = lax.iota(jnp.int32, L)

    def issue(chunk, parity):
        coff = pl.multiple_of(chunk * C, 8)
        poff = pl.multiple_of(parity * C, 8)
        pltpu.async_copy(pat_hbm.at[src_v.at[pl.ds(coff, C)]],
                         pat_rows.at[pl.ds(poff, C)], sem_a)
        pltpu.async_copy(cond_hbm.at[dst_v.at[pl.ds(coff, C)]],
                         cond_rows.at[pl.ds(poff, C)], sem_b)

    def drain(parity):
        poff = pl.multiple_of(parity * C, 8)
        pltpu.make_async_copy(pat_hbm.at[src_v.at[pl.ds(0, C)]],
                              pat_rows.at[pl.ds(poff, C)], sem_a).wait()
        pltpu.make_async_copy(cond_hbm.at[dst_v.at[pl.ds(0, C)]],
                              cond_rows.at[pl.ds(poff, C)], sem_b).wait()

    issue(0, 0)

    def chunk_body(i, carry):
        parity = i % 2
        drain(parity)

        @pl.when(i < NCHUNK - 1)
        def _():
            issue(i + 1, 1 - parity)

        def group_body(g, carry2):
            row = jnp.full((L,), parity * C + g * L, dtype=jnp.int32) + riota

            dots = [_vf(0.0)] * ACC
            aas = [_vf(0.0)] * ACC
            bbs = [_vf(0.0)] * ACC
            for j in range(L):
                rot = (riota + _vi(j)) & _vi(L - 1)
                for m in range(D // L):
                    u = (j * (D // L) + m) % ACC
                    col = rot + _vi(L * m)
                    a = plsc.load_gather(pat_rows, [row, col])
                    b = plsc.load_gather(cond_rows, [row, col])
                    dots[u] = dots[u] + a * b
                    aas[u] = aas[u] + a * a
                    bbs[u] = bbs[u] + b * b
            dot = (dots[0] + dots[1]) + (dots[2] + dots[3])
            aa = (aas[0] + aas[1]) + (aas[2] + aas[3])
            bb = (bbs[0] + bbs[1]) + (bbs[2] + bbs[3])

            p = aa * bb
            sqrt_p = p * _rsqrt(p)
            denom = jnp.maximum(sqrt_p, _vf(EPS))
            sim = dot / denom
            ooff = pl.multiple_of(i * C + g * L, 8)
            out_v[pl.ds(ooff, L)] = sim * scale_vec + bias_vec
            return carry2

        lax.fori_loop(0, G, group_body, 0)
        return carry

    lax.fori_loop(0, NCHUNK, chunk_body, 0)
    pltpu.sync_copy(out_v, out_hbm.at[pl.ds(wbase, EW)])


@jax.jit
def _run(patient_embeds, condition_embeds, src_idx, dst_idx, sb):
    mesh = plsc.VectorSubcoreMesh(core_axis_name="c", subcore_axis_name="s",
                                  num_cores=NC, num_subcores=NS)
    f = pl.kernel(
        _sc_body,
        out_type=jax.ShapeDtypeStruct((E,), jnp.float32),
        mesh=mesh,
        compiler_params=pltpu.CompilerParams(needs_layout_passes=False),
        scratch_types=[
            pltpu.VMEM((EW,), jnp.int32),
            pltpu.VMEM((EW,), jnp.int32),
            pltpu.VMEM((2 * C, D), jnp.float32),
            pltpu.VMEM((2 * C, D), jnp.float32),
            pltpu.VMEM((EW,), jnp.float32),
            pltpu.VMEM((2 * L,), jnp.float32),
            pltpu.SemaphoreType.DMA,
            pltpu.SemaphoreType.DMA,
        ],
    )
    return f(patient_embeds, condition_embeds, src_idx, dst_idx, sb)


def kernel(patient_embeds, condition_embeds, edge_index, scale, bias):
    src_idx = edge_index[0]
    dst_idx = edge_index[1]
    sb = jnp.concatenate([
        jnp.broadcast_to(scale.astype(jnp.float32), (L,)),
        jnp.broadcast_to(bias.astype(jnp.float32)[0], (L,)),
    ])
    return _run(patient_embeds, condition_embeds, src_idx, dst_idx, sb)

# --- scband reference (transcript-rebuilt; emitter-appended) ---
"""Pipeline reference for scband-cosine-link-predictor-59219009077460 (READ-ONLY COPY).

The authoritative reference and input builder live on the scoring server;
editing this copy changes nothing except your own understanding.
"""

import jax, jax.numpy as jnp
import numpy as np

N_PAT = 10000
N_COND = 10000
D = 128
E = 320000
EPS = 1e-06


def setup_inputs(seed: int = 0) -> dict:
    key = jax.random.key(seed)
    k1, k2, k3 = jax.random.split(key, 3)
    patient_embeds = jax.random.normal(k1, (N_PAT, D), dtype=jnp.float32)
    condition_embeds = jax.random.normal(k2, (N_COND, D), dtype=jnp.float32)
    edge_index = jax.random.randint(k3, (2, E), 0, N_PAT, dtype=jnp.int32)
    scale = jnp.array(1.0, dtype=jnp.float32)
    bias = jnp.zeros((1,), dtype=jnp.float32)
    return {
        "patient_embeds": patient_embeds,
        "condition_embeds": condition_embeds,
        "edge_index": edge_index,
        "scale": scale,
        "bias": bias,
    }


def reference(patient_embeds, condition_embeds, edge_index, scale, bias):
    # Gather endpoint embeddings per edge (SparseCore-style gather)
    src = jnp.take(patient_embeds, edge_index[0], axis=0)   # [E, D]
    dst = jnp.take(condition_embeds, edge_index[1], axis=0)  # [E, D]
    # Cosine similarity along feature dim (torch nn.CosineSimilarity(dim=1, eps=1e-6))
    dot = jnp.sum(src * dst, axis=1)
    n_src = jnp.sqrt(jnp.sum(src * src, axis=1))
    n_dst = jnp.sqrt(jnp.sum(dst * dst, axis=1))
    sim = dot / jnp.maximum(n_src * n_dst, EPS)
    return sim * scale + bias  # [E]

if __name__ == "__main__":
    import jax
    _d = setup_inputs()
    print(jax.jit(kernel)(*tuple(_d.values())))

</pallas_src>

<mosaic_0001>
#map = affine_map<(d0, d1) -> (0, 0)>
#map1 = affine_map<(d0, d1) -> (0)>
module attributes {stable_mosaic.version = 14 : i64} {
  func.func @_sc_body(%arg0: i32, %arg1: i32, %arg2: memref<10000x128xf32, #tpu.memory_space<hbm>>, %arg3: memref<10000x128xf32, #tpu.memory_space<hbm>>, %arg4: memref<320000xi32, #tpu.memory_space<hbm>>, %arg5: memref<320000xi32, #tpu.memory_space<hbm>>, %arg6: memref<32xf32, #tpu.memory_space<hbm>>, %arg7: memref<320000xf32, #tpu.memory_space<hbm>>, %arg8: memref<10000xi32, #tpu.memory_space<vmem>>, %arg9: memref<10000xi32, #tpu.memory_space<vmem>>, %arg10: memref<160x128xf32, #tpu.memory_space<vmem>>, %arg11: memref<160x128xf32, #tpu.memory_space<vmem>>, %arg12: memref<10000xf32, #tpu.memory_space<vmem>>, %arg13: memref<32xf32, #tpu.memory_space<vmem>>, %arg14: memref<!tpu.dma_semaphore, #tpu.memory_space<semaphore_mem>>, %arg15: memref<!tpu.dma_semaphore, #tpu.memory_space<semaphore_mem>>) attributes {dimension_semantics = [#tpu.dimension_semantics<core_parallel>, #tpu.dimension_semantics<subcore_parallel>], iteration_bounds = array<i64: 2, 16>, scalar_prefetch = 0 : i64, scratch_operands = 8 : i64, tpu.core_type = #tpu.core_type<sc_vector_subcore>, window_params = [{transform_indices = #map}, {transform_indices = #map}, {transform_indices = #map1}, {transform_indices = #map1}, {transform_indices = #map1}, {transform_indices = #map1}]} {
    %mul3A = arith.constant 2 : i32
    %mul3A_0 = arith.muli %arg1, %mul3A : i32
    %add3A = arith.addi %mul3A_0, %arg0 : i32
    %mul3A_1 = arith.constant 10000 : i32
    %mul3A_2 = arith.muli %add3A, %mul3A_1 : i32
    %multiple_of3A = tpu.assume_multiple %mul3A_2, 10000 : i32
    "tpu.region"() ({
      %run_scoped3A = tpu.sem_alloc : memref<!tpu.dma_semaphore, #tpu.memory_space<semaphore_mem>>
      %dma_start3A_26 = tpu.memref_slice %arg4[%multiple_of3A] : memref<320000xi32, #tpu.memory_space<hbm>> -> memref<10000xi32, #tpu.memory_space<hbm>>
      %dma_start3A_27 = tpu.memref_slice %arg4[%multiple_of3A] : memref<320000xi32, #tpu.memory_space<hbm>> -> memref<10000xi32, #tpu.memory_space<hbm>>
      tpu.enqueue_dma source(%dma_start3A_27 : memref<10000xi32, #tpu.memory_space<hbm>>) target(%arg8 : memref<10000xi32, #tpu.memory_space<vmem>>) target_semaphore(%run_scoped3A : memref<!tpu.dma_semaphore, #tpu.memory_space<semaphore_mem>>)
      %dma_wait3A = tpu.memref_slice %arg4[%multiple_of3A] : memref<320000xi32, #tpu.memory_space<hbm>> -> memref<10000xi32, #tpu.memory_space<hbm>>
      %dma_wait3A_28 = tpu.memref_slice %arg4[%multiple_of3A] : memref<320000xi32, #tpu.memory_space<hbm>> -> memref<10000xi32, #tpu.memory_space<hbm>>
      tpu.wait_dma2 semaphore(%run_scoped3A : memref<!tpu.dma_semaphore, #tpu.memory_space<semaphore_mem>>) src(%dma_wait3A_28 : memref<10000xi32, #tpu.memory_space<hbm>>) dst(%arg8 : memref<10000xi32, #tpu.memory_space<vmem>>)
      tpu.yield
    }) : () -> ()
    "tpu.region"() ({
      %run_scoped3A = tpu.sem_alloc : memref<!tpu.dma_semaphore, #tpu.memory_space<semaphore_mem>>
      %dma_start3A_26 = tpu.memref_slice %arg5[%multiple_of3A] : memref<320000xi32, #tpu.memory_space<hbm>> -> memref<10000xi32, #tpu.memory_space<hbm>>
      %dma_start3A_27 = tpu.memref_slice %arg5[%multiple_of3A] : memref<320000xi32, #tpu.memory_space<hbm>> -> memref<10000xi32, #tpu.memory_space<hbm>>
      tpu.enqueue_dma source(%dma_start3A_27 : memref<10000xi32, #tpu.memory_space<hbm>>) target(%arg9 : memref<10000xi32, #tpu.memory_space<vmem>>) target_semaphore(%run_scoped3A : memref<!tpu.dma_semaphore, #tpu.memory_space<semaphore_mem>>)
      %dma_wait3A = tpu.memref_slice %arg5[%multiple_of3A] : memref<320000xi32, #tpu.memory_space<hbm>> -> memref<10000xi32, #tpu.memory_space<hbm>>
      %dma_wait3A_28 = tpu.memref_slice %arg5[%multiple_of3A] : memref<320000xi32, #tpu.memory_space<hbm>> -> memref<10000xi32, #tpu.memory_space<hbm>>
      tpu.wait_dma2 semaphore(%run_scoped3A : memref<!tpu.dma_semaphore, #tpu.memory_space<semaphore_mem>>) src(%dma_wait3A_28 : memref<10000xi32, #tpu.memory_space<hbm>>) dst(%arg9 : memref<10000xi32, #tpu.memory_space<vmem>>)
      tpu.yield
    }) : () -> ()
    "tpu.region"() ({
      %run_scoped3A = tpu.sem_alloc : memref<!tpu.dma_semaphore, #tpu.memory_space<semaphore_mem>>
      tpu.enqueue_dma source(%arg6 : memref<32xf32, #tpu.memory_space<hbm>>) target(%arg13 : memref<32xf32, #tpu.memory_space<vmem>>) target_semaphore(%run_scoped3A : memref<!tpu.dma_semaphore, #tpu.memory_space<semaphore_mem>>)
      tpu.wait_dma2 semaphore(%run_scoped3A : memref<!tpu.dma_semaphore, #tpu.memory_space<semaphore_mem>>) src(%arg6 : memref<32xf32, #tpu.memory_space<hbm>>) dst(%arg13 : memref<32xf32, #tpu.memory_space<vmem>>)
      tpu.yield
    }) : () -> ()
    %get3A = arith.constant 0 : index
    %get3A_3 = tpu.vector_load %arg13[%get3A] {strides = array<i32>} : memref<32xf32, #tpu.memory_space<vmem>>, vector<16xf32>,
    %get3A_4 = arith.constant 16 : index
    %get3A_5 = tpu.vector_load %arg13[%get3A_4] {strides = array<i32>} : memref<32xf32, #tpu.memory_space<vmem>>, vector<16xf32>,
    %iota3A = tpu.iota {dimensions = array<i32: 0>} : vector<16xi32>
    %multiple_of3A_6 = arith.constant 0 : i32
    %multiple_of3A_7 = tpu.assume_multiple %multiple_of3A_6, 8 : i32
    %multiple_of3A_8 = arith.constant 0 : i32
    %multiple_of3A_9 = tpu.assume_multiple %multiple_of3A_8, 8 : i32
    %dma_start3A = arith.constant 0 : i32
    %dma_start3A_10 = tpu.memref_slice %arg10[%multiple_of3A_9, %dma_start3A] : memref<160x128xf32, #tpu.memory_space<vmem>> -> memref<80x128xf32, #tpu.memory_space<vmem>>
    %dma_start3A_11 = tpu.memref_slice %arg8[%multiple_of3A_7] : memref<10000xi32, #tpu.memory_space<vmem>> -> memref<80xi32, #tpu.memory_space<vmem>>
    %dma_start3A_12 = arith.constant 0 : i32
    %dma_start3A_13 = arith.constant 0 : i32
    %dma_start3A_14 = tpu.memref_slice %arg2[%dma_start3A_12, %dma_start3A_13] : memref<10000x128xf32, #tpu.memory_space<hbm>> -> memref<10000x128xf32, #tpu.memory_space<hbm>>
    tpu.enqueue_indirect_dma source(%dma_start3A_14 : memref<10000x128xf32, #tpu.memory_space<hbm>>) target(%dma_start3A_10 : memref<80x128xf32, #tpu.memory_space<vmem>>) offsets(%dma_start3A_11 : memref<80xi32, #tpu.memory_space<vmem>>) semaphore(%arg14 : memref<!tpu.dma_semaphore, #tpu.memory_space<semaphore_mem>>)
    %dma_start3A_15 = arith.constant 0 : i32
    %dma_start3A_16 = tpu.memref_slice %arg11[%multiple_of3A_9, %dma_start3A_15] : memref<160x128xf32, #tpu.memory_space<vmem>> -> memref<80x128xf32, #tpu.memory_space<vmem>>
    %dma_start3A_17 = tpu.memref_slice %arg9[%multiple_of3A_7] : memref<10000xi32, #tpu.memory_space<vmem>> -> memref<80xi32, #tpu.memory_space<vmem>>
    %dma_start3A_18 = arith.constant 0 : i32
    %dma_start3A_19 = arith.constant 0 : i32
    %dma_start3A_20 = tpu.memref_slice %arg3[%dma_start3A_18, %dma_start3A_19] : memref<10000x128xf32, #tpu.memory_space<hbm>> -> memref<10000x128xf32, #tpu.memory_space<hbm>>
    tpu.enqueue_indirect_dma source(%dma_start3A_20 : memref<10000x128xf32, #tpu.memory_space<hbm>>) target(%dma_start3A_16 : memref<80x128xf32, #tpu.memory_space<vmem>>) offsets(%dma_start3A_17 : memref<80xi32, #tpu.memory_space<vmem>>) semaphore(%arg15 : memref<!tpu.dma_semaphore, #tpu.memory_space<semaphore_mem>>)
    %scan3A = arith.constant 0 : i32
    %scan3A_21 = arith.constant 0 : i32
    %scan3A_22 = arith.constant 125 : i32
    %scan3A_23 = arith.addi %scan3A_21, %scan3A_22 : i32
    %scan3A_24 = arith.constant 1 : i32
    scf.for %scan3A_26 = %scan3A_21 to %scan3A_23 step %scan3A_24  : i32 {
      %jit3A = arith.constant 2 : i32
      %eq3A = arith.constant 0 : i32
      %eq3A_27 = arith.cmpi eq, %jit3A, %eq3A : i32
      %jit3A_28 = arith.constant 1 : i32
      %select_n3A = arith.select %eq3A_27, %jit3A_28, %jit3A : i32
      %rem3A = arith.remsi %scan3A_26, %select_n3A : i32
      %ne3A = arith.constant 0 : i32
      %ne3A_29 = arith.cmpi ne, %rem3A, %ne3A : i32
      %lt3A = arith.constant 0 : i32
      %lt3A_30 = arith.cmpi slt, %rem3A, %lt3A : i32
      %lt3A_31 = arith.constant 0 : i32
      %lt3A_32 = arith.cmpi slt, %select_n3A, %lt3A_31 : i32
      %ne3A_33 = arith.xori %lt3A_30, %lt3A_32 : i1
      %and3A = arith.andi %ne3A_33, %ne3A_29 : i1
      %add3A_34 = arith.addi %rem3A, %select_n3A : i32
      %select_n3A_35 = arith.select %and3A, %add3A_34, %rem3A : i32
      %mul3A_36 = arith.constant 80 : i32
      %mul3A_37 = arith.muli %select_n3A_35, %mul3A_36 : i32
      %multiple_of3A_38 = tpu.assume_multiple %mul3A_37, 8 : i32
      %dma_wait3A = arith.constant 0 : i32
      %dma_wait3A_39 = tpu.memref_slice %arg10[%multiple_of3A_38, %dma_wait3A] : memref<160x128xf32, #tpu.memory_space<vmem>> -> memref<80x128xf32, #tpu.memory_space<vmem>>
      %dma_wait3A_40 = arith.constant 0 : i32
      %dma_wait3A_41 = tpu.memref_slice %arg8[%dma_wait3A_40] : memref<10000xi32, #tpu.memory_space<vmem>> -> memref<80xi32, #tpu.memory_space<vmem>>
      %dma_wait3A_42 = arith.constant 0 : i32
      %dma_wait3A_43 = arith.constant 0 : i32
      %dma_wait3A_44 = tpu.memref_slice %arg2[%dma_wait3A_42, %dma_wait3A_43] : memref<10000x128xf32, #tpu.memory_space<hbm>> -> memref<10000x128xf32, #tpu.memory_space<hbm>>
      tpu.wait_indirect_dma semaphore(%arg14 : memref<!tpu.dma_semaphore, #tpu.memory_space<semaphore_mem>>) src(%dma_wait3A_44 : memref<10000x128xf32, #tpu.memory_space<hbm>>) dst(%dma_wait3A_39 : memref<80x128xf32, #tpu.memory_space<vmem>>)
      %dma_wait3A_45 = arith.constant 0 : i32
      %dma_wait3A_46 = tpu.memref_slice %arg11[%multiple_of3A_38, %dma_wait3A_45] : memref<160x128xf32, #tpu.memory_space<vmem>> -> memref<80x128xf32, #tpu.memory_space<vmem>>
      %dma_wait3A_47 = arith.constant 0 : i32
      %dma_wait3A_48 = tpu.memref_slice %arg9[%dma_wait3A_47] : memref<10000xi32, #tpu.memory_space<vmem>> -> memref<80xi32, #tpu.memory_space<vmem>>
      %dma_wait3A_49 = arith.constant 0 : i32
      %dma_wait3A_50 = arith.constant 0 : i32
      %dma_wait3A_51 = tpu.memref_slice %arg3[%dma_wait3A_49, %dma_wait3A_50] : memref<10000x128xf32, #tpu.memory_space<hbm>> -> memref<10000x128xf32, #tpu.memory_space<hbm>>
      tpu.wait_indirect_dma semaphore(%arg15 : memref<!tpu.dma_semaphore, #tpu.memory_space<semaphore_mem>>) src(%dma_wait3A_51 : memref<10000x128xf32, #tpu.memory_space<hbm>>) dst(%dma_wait3A_46 : memref<80x128xf32, #tpu.memory_space<vmem>>)
      %lt3A_52 = arith.constant 124 : i32
      %lt3A_53 = arith.cmpi slt, %scan3A_26, %lt3A_52 : i32
      %convert_element_type3A = arith.extui %lt3A_53 : i1 to i32
      %cond3A = arith.constant 0 : i32
      %cond3A_54 = arith.cmpi ne, %convert_element_type3A, %cond3A : i32
      scf.if %cond3A_54 {
        %add3A_61 = arith.constant 1 : i32
        %add3A_62 = arith.addi %scan3A_26, %add3A_61 : i32
        %sub3A = arith.constant 1 : i32
        %sub3A_63 = arith.subi %sub3A, %select_n3A_35 : i32
        %mul3A_64 = arith.constant 80 : i32
        %mul3A_65 = arith.muli %add3A_62, %mul3A_64 : i32
        %multiple_of3A_66 = tpu.assume_multiple %mul3A_65, 8 : i32
        %mul3A_67 = arith.constant 80 : i32
        %mul3A_68 = arith.muli %sub3A_63, %mul3A_67 : i32
        %multiple_of3A_69 = tpu.assume_multiple %mul3A_68, 8 : i32
        %dma_start3A_70 = arith.constant 0 : i32
        %dma_start3A_71 = tpu.memref_slice %arg10[%multiple_of3A_69, %dma_start3A_70] : memref<160x128xf32, #tpu.memory_space<vmem>> -> memref<80x128xf32, #tpu.memory_space<vmem>>
        %dma_start3A_72 = tpu.memref_slice %arg8[%multiple_of3A_66] : memref<10000xi32, #tpu.memory_space<vmem>> -> memref<80xi32, #tpu.memory_space<vmem>>
        %dma_start3A_73 = arith.constant 0 : i32
        %dma_start3A_74 = arith.constant 0 : i32
        %dma_start3A_75 = tpu.memref_slice %arg2[%dma_start3A_73, %dma_start3A_74] : memref<10000x128xf32, #tpu.memory_space<hbm>> -> memref<10000x128xf32, #tpu.memory_space<hbm>>
        tpu.enqueue_indirect_dma source(%dma_start3A_75 : memref<10000x128xf32, #tpu.memory_space<hbm>>) target(%dma_start3A_71 : memref<80x128xf32, #tpu.memory_space<vmem>>) offsets(%dma_start3A_72 : memref<80xi32, #tpu.memory_space<vmem>>) semaphore(%arg14 : memref<!tpu.dma_semaphore, #tpu.memory_space<semaphore_mem>>)
        %dma_start3A_76 = arith.constant 0 : i32
        %dma_start3A_77 = tpu.memref_slice %arg11[%multiple_of3A_69, %dma_start3A_76] : memref<160x128xf32, #tpu.memory_space<vmem>> -> memref<80x128xf32, #tpu.memory_space<vmem>>
        %dma_start3A_78 = tpu.memref_slice %arg9[%multiple_of3A_66] : memref<10000xi32, #tpu.memory_space<vmem>> -> memref<80xi32, #tpu.memory_space<vmem>>
        %dma_start3A_79 = arith.constant 0 : i32
        %dma_start3A_80 = arith.constant 0 : i32
        %dma_start3A_81 = tpu.memref_slice %arg3[%dma_start3A_79, %dma_start3A_80] : memref<10000x128xf32, #tpu.memory_space<hbm>> -> memref<10000x128xf32, #tpu.memory_space<hbm>>
        tpu.enqueue_indirect_dma source(%dma_start3A_81 : memref<10000x128xf32, #tpu.memory_space<hbm>>) target(%dma_start3A_77 : memref<80x128xf32, #tpu.memory_space<vmem>>) offsets(%dma_start3A_78 : memref<80xi32, #tpu.memory_space<vmem>>) semaphore(%arg15 : memref<!tpu.dma_semaphore, #tpu.memory_space<semaphore_mem>>)
      } else {
      }
      %scan3A_55 = arith.constant 0 : i32
      %scan3A_56 = arith.constant 0 : i32
      %scan3A_57 = arith.constant 5 : i32
      %scan3A_58 = arith.addi %scan3A_56, %scan3A_57 : i32
      %scan3A_59 = arith.constant 1 : i32
      scf.for %scan3A_61 = %scan3A_56 to %scan3A_58 step %scan3A_59  : i32 {
        %mul3A_62 = arith.constant 80 : i32
        %mul3A_63 = arith.muli %select_n3A_35, %mul3A_62 : i32
        %mul3A_64 = arith.constant 16 : i32
        %mul3A_65 = arith.muli %scan3A_61, %mul3A_64 : i32
        %add3A_66 = arith.addi %mul3A_63, %mul3A_65 : i32
        %broadcast_in_dim3A = vector.broadcast %add3A_66 : i32 to vector<16xi32>
        %add3A_67 = arith.addi %broadcast_in_dim3A, %iota3A : vector<16xi32>
        %broadcast_in_dim3A_68 = arith.constant 0.000000e+00 : f32
        %broadcast_in_dim3A_69 = vector.broadcast %broadcast_in_dim3A_68 : f32 to vector<16xf32>
        %broadcast_in_dim3A_70 = arith.constant 0.000000e+00 : f32
        %broadcast_in_dim3A_71 = vector.broadcast %broadcast_in_dim3A_70 : f32 to vector<16xf32>
        %broadcast_in_dim3A_72 = arith.constant 0.000000e+00 : f32
        %broadcast_in_dim3A_73 = vector.broadcast %broadcast_in_dim3A_72 : f32 to vector<16xf32>
        %broadcast_in_dim3A_74 = arith.constant 0 : i32
        %broadcast_in_dim3A_75 = vector.broadcast %broadcast_in_dim3A_74 : i32 to vector<16xi32>
        %add3A_76 = arith.addi %iota3A, %broadcast_in_dim3A_75 : vector<16xi32>
        %broadcast_in_dim3A_77 = arith.constant 15 : i32
        %broadcast_in_dim3A_78 = vector.broadcast %broadcast_in_dim3A_77 : i32 to vector<16xi32>
        %and3A_79 = arith.andi %add3A_76, %broadcast_in_dim3A_78 : vector<16xi32>
        %broadcast_in_dim3A_80 = arith.constant 0 : i32
        %broadcast_in_dim3A_81 = vector.broadcast %broadcast_in_dim3A_80 : i32 to vector<16xi32>
        %add3A_82 = arith.addi %and3A_79, %broadcast_in_dim3A_81 : vector<16xi32>
        %gather3A = tpu.vector_load_idx %arg10[%add3A_67, %add3A_82] : memref<160x128xf32, #tpu.memory_space<vmem>>[vector<16xi32>, vector<16xi32>], vector<16xf32>,
        %gather3A_83 = tpu.vector_load_idx %arg11[%add3A_67, %add3A_82] : memref<160x128xf32, #tpu.memory_space<vmem>>[vector<16xi32>, vector<16xi32>], vector<16xf32>,
        %mul3A_84 = arith.mulf %gather3A, %gather3A_83 : vector<16xf32>
        %add3A_85 = arith.addf %broadcast_in_dim3A_69, %mul3A_84 : vector<16xf32>
        %mul3A_86 = arith.mulf %gather3A, %gather3A : vector<16xf32>
        %add3A_87 = arith.addf %broadcast_in_dim3A_71, %mul3A_86 : vector<16xf32>
        %mul3A_88 = arith.mulf %gather3A_83, %gather3A_83 : vector<16xf32>
        %add3A_89 = arith.addf %broadcast_in_dim3A_73, %mul3A_88 : vector<16xf32>
        %broadcast_in_dim3A_90 = arith.constant 16 : i32
        %broadcast_in_dim3A_91 = vector.broadcast %broadcast_in_dim3A_90 : i32 to vector<16xi32>
        %add3A_92 = arith.addi %and3A_79, %broadcast_in_dim3A_91 : vector<16xi32>
        %gather3A_93 = tpu.vector_load_idx %arg10[%add3A_67, %add3A_92] : memref<160x128xf32, #tpu.memory_space<vmem>>[vector<16xi32>, vector<16xi32>], vector<16xf32>,
        %gather3A_94 = tpu.vector_load_idx %arg11[%add3A_67, %add3A_92] : memref<160x128xf32, #tpu.memory_space<vmem>>[vector<16xi32>, vector<16xi32>], vector<16xf32>,
        %mul3A_95 = arith.mulf %gather3A_93, %gather3A_94 : vector<16xf32>
        %add3A_96 = arith.addf %broadcast_in_dim3A_69, %mul3A_95 : vector<16xf32>
        %mul3A_97 = arith.mulf %gather3A_93, %gather3A_93 : vector<16xf32>
        %add3A_98 = arith.addf %broadcast_in_dim3A_71, %mul3A_97 : vector<16xf32>
        %mul3A_99 = arith.mulf %gather3A_94, %gather3A_94 : vector<16xf32>
        %add3A_100 = arith.addf %broadcast_in_dim3A_73, %mul3A_99 : vector<16xf32>
        %broadcast_in_dim3A_101 = arith.constant 32 : i32
        %broadcast_in_dim3A_102 = vector.broadcast %broadcast_in_dim3A_101 : i32 to vector<16xi32>
        %add3A_103 = arith.addi %and3A_79, %broadcast_in_dim3A_102 : vector<16xi32>
        %gather3A_104 = tpu.vector_load_idx %arg10[%add3A_67, %add3A_103] : memref<160x128xf32, #tpu.memory_space<vmem>>[vector<16xi32>, vector<16xi32>], vector<16xf32>,
        %gather3A_105 = tpu.vector_load_idx %arg11[%add3A_67, %add3A_103] : memref<160x128xf32, #tpu.memory_space<vmem>>[vector<16xi32>, vector<16xi32>], vector<16xf32>,
        %mul3A_106 = arith.mulf %gather3A_104, %gather3A_105 : vector<16xf32>
        %add3A_107 = arith.addf %broadcast_in_dim3A_69, %mul3A_106 : vector<16xf32>
        %mul3A_108 = arith.mulf %gather3A_104, %gather3A_104 : vector<16xf32>
        %add3A_109 = arith.addf %broadcast_in_dim3A_71, %mul3A_108 : vector<16xf32>
        %mul3A_110 = arith.mulf %gather3A_105, %gather3A_105 : vector<16xf32>
        %add3A_111 = arith.addf %broadcast_in_dim3A_73, %mul3A_110 : vector<16xf32>
        %broadcast_in_dim3A_112 = arith.constant 48 : i32
        %broadcast_in_dim3A_113 = vector.broadcast %broadcast_in_dim3A_112 : i32 to vector<16xi32>
        %add3A_114 = arith.addi %and3A_79, %broadcast_in_dim3A_113 : vector<16xi32>
        %gather3A_115 = tpu.vector_load_idx %arg10[%add3A_67, %add3A_114] : memref<160x128xf32, #tpu.memory_space<vmem>>[vector<16xi32>, vector<16xi32>], vector<16xf32>,
        %gather3A_116 = tpu.vector_load_idx %arg11[%add3A_67, %add3A_114] : memref<160x128xf32, #tpu.memory_space<vmem>>[vector<16xi32>, vector<16xi32>], vector<16xf32>,
        %mul3A_117 = arith.mulf %gather3A_115, %gather3A_116 : vector<16xf32>
        %add3A_118 = arith.addf %broadcast_in_dim3A_69, %mul3A_117 : vector<16xf32>
        %mul3A_119 = arith.mulf %gather3A_115, %gather3A_115 : vector<16xf32>
        %add3A_120 = arith.addf %broadcast_in_dim3A_71, %mul3A_119 : vector<16xf32>
        %mul3A_121 = arith.mulf %gather3A_116, %gather3A_116 : vector<16xf32>
        %add3A_122 = arith.addf %broadcast_in_dim3A_73, %mul3A_121 : vector<16xf32>
        %broadcast_in_dim3A_123 = arith.constant 64 : i32
        %broadcast_in_dim3A_124 = vector.broadcast %broadcast_in_dim3A_123 : i32 to vector<16xi32>
        %add3A_125 = arith.addi %and3A_79, %broadcast_in_dim3A_124 : vector<16xi32>
        %gather3A_126 = tpu.vector_load_idx %arg10[%add3A_67, %add3A_125] : memref<160x128xf32, #tpu.memory_space<vmem>>[vector<16xi32>, vector<16xi32>], vector<16xf32>,
        %gather3A_127 = tpu.vector_load_idx %arg11[%add3A_67, %add3A_125] : memref<160x128xf32, #tpu.memory_space<vmem>>[vector<16xi32>, vector<16xi32>], vector<16xf32>,
        %mul3A_128 = arith.mulf %gather3A_126, %gather3A_127 : vector<16xf32>
        %add3A_129 = arith.addf %add3A_85, %mul3A_128 : vector<16xf32>
        %mul3A_130 = arith.mulf %gather3A_126, %gather3A_126 : vector<16xf32>
        %add3A_131 = arith.addf %add3A_87, %mul3A_130 : vector<16xf32>
        %mul3A_132 = arith.mulf %gather3A_127, %gather3A_127 : vector<16xf32>
        %add3A_133 = arith.addf %add3A_89, %mul3A_132 : vector<16xf32>
        %broadcast_in_dim3A_134 = arith.constant 80 : i32
        %broadcast_in_dim3A_135 = vector.broadcast %broadcast_in_dim3A_134 : i32 to vector<16xi32>
        %add3A_136 = arith.addi %and3A_79, %broadcast_in_dim3A_135 : vector<16xi32>
        %gather3A_137 = tpu.vector_load_idx %arg10[%add3A_67, %add3A_136] : memref<160x128xf32, #tpu.memory_space<vmem>>[vector<16xi32>, vector<16xi32>], vector<16xf32>,
        %gather3A_138 = tpu.vector_load_idx %arg11[%add3A_67, %add3A_136] : memref<160x128xf32, #tpu.memory_space<vmem>>[vector<16xi32>, vector<16xi32>], vector<16xf32>,
        %mul3A_139 = arith.mulf %gather3A_137, %gather3A_138 : vector<16xf32>
        %add3A_140 = arith.addf %add3A_96, %mul3A_139 : vector<16xf32>
        %mul3A_141 = arith.mulf %gather3A_137, %gather3A_137 : vector<16xf32>
        %add3A_142 = arith.addf %add3A_98, %mul3A_141 : vector<16xf32>
        %mul3A_143 = arith.mulf %gather3A_138, %gather3A_138 : vector<16xf32>
        %add3A_144 = arith.addf %add3A_100, %mul3A_143 : vector<16xf32>
        %broadcast_in_dim3A_145 = arith.constant 96 : i32
        %broadcast_in_dim3A_146 = vector.broadcast %broadcast_in_dim3A_145 : i32 to vector<16xi32>
        %add3A_147 = arith.addi %and3A_79, %broadcast_in_dim3A_146 : vector<16xi32>
        %gather3A_148 = tpu.vector_load_idx %arg10[%add3A_67, %add3A_147] : memref<160x128xf32, #tpu.memory_space<vmem>>[vector<16xi32>, vector<16xi32>], vector<16xf32>,
        %gather3A_149 = tpu.vector_load_idx %arg11[%add3A_67, %add3A_147] : memref<160x128xf32, #tpu.memory_space<vmem>>[vector<16xi32>, vector<16xi32>], vector<16xf32>,
        %mul3A_150 = arith.mulf %gather3A_148, %gather3A_149 : vector<16xf32>
        %add3A_151 = arith.addf %add3A_107, %mul3A_150 : vector<16xf32>
        %mul3A_152 = arith.mulf %gather3A_148, %gather3A_148 : vector<16xf32>
        %add3A_153 = arith.addf %add3A_109, %mul3A_152 : vector<16xf32>
        %mul3A_154 = arith.mulf %gather3A_149, %gather3A_149 : vector<16xf32>
        %add3A_155 = arith.addf %add3A_111, %mul3A_154 : vector<16xf32>
        %broadcast_in_dim3A_156 = arith.constant 112 : i32
        %broadcast_in_dim3A_157 = vector.broadcast %broadcast_in_dim3A_156 : i32 to vector<16xi32>
        %add3A_158 = arith.addi %and3A_79, %broadcast_in_dim3A_157 : vector<16xi32>
        %gather3A_159 = tpu.vector_load_idx %arg10[%add3A_67, %add3A_158] : memref<160x128xf32, #tpu.memory_space<vmem>>[vector<16xi32>, vector<16xi32>], vector<16xf32>,
        %gather3A_160 = tpu.vector_load_idx %arg11[%add3A_67, %add3A_158] : memref<160x128xf32, #tpu.memory_space<vmem>>[vector<16xi32>, vector<16xi32>], vector<16xf32>,
        %mul3A_161 = arith.mulf %gather3A_159, %gather3A_160 : vector<16xf32>
        %add3A_162 = arith.addf %add3A_118, %mul3A_161 : vector<16xf32>
        %mul3A_163 = arith.mulf %gather3A_159, %gather3A_159 : vector<16xf32>
        %add3A_164 = arith.addf %add3A_120, %mul3A_163 : vector<16xf32>
        %mul3A_165 = arith.mulf %gather3A_160, %gather3A_160 : vector<16xf32>
        %add3A_166 = arith.addf %add3A_122, %mul3A_165 : vector<16xf32>
        %broadcast_in_dim3A_167 = arith.constant 1 : i32
        %broadcast_in_dim3A_168 = vector.broadcast %broadcast_in_dim3A_167 : i32 to vector<16xi32>
        %add3A_169 = arith.addi %iota3A, %broadcast_in_dim3A_168 : vector<16xi32>
        %broadcast_in_dim3A_170 = arith.constant 15 : i32
        %broadcast_in_dim3A_171 = vector.broadcast %broadcast_in_dim3A_170 : i32 to vector<16xi32>
        %and3A_172 = arith.andi %add3A_169, %broadcast_in_dim3A_171 : vector<16xi32>
        %broadcast_in_dim3A_173 = arith.constant 0 : i32
        %broadcast_in_dim3A_174 = vector.broadcast %broadcast_in_dim3A_173 : i32 to vector<16xi32>
        %add3A_175 = arith.addi %and3A_172, %broadcast_in_dim3A_174 : vector<16xi32>
        %gather3A_176 = tpu.vector_load_idx %arg10[%add3A_67, %add3A_175] : memref<160x128xf32, #tpu.memory_space<vmem>>[vector<16xi32>, vector<16xi32>], vector<16xf32>,
        %gather3A_177 = tpu.vector_load_idx %arg11[%add3A_67, %add3A_175] : memref<160x128xf32, #tpu.memory_space<vmem>>[vector<16xi32>, vector<16xi32>], vector<16xf32>,
        %mul3A_178 = arith.mulf %gather3A_176, %gather3A_177 : vector<16xf32>
        %add3A_179 = arith.addf %add3A_129, %mul3A_178 : vector<16xf32>
        %mul3A_180 = arith.mulf %gather3A_176, %gather3A_176 : vector<16xf32>
        %add3A_181 = arith.addf %add3A_131, %mul3A_180 : vector<16xf32>
        %mul3A_182 = arith.mulf %gather3A_177, %gather3A_177 : vector<16xf32>
        %add3A_183 = arith.addf %add3A_133, %mul3A_182 : vector<16xf32>
        %broadcast_in_dim3A_184 = arith.constant 16 : i32
        %broadcast_in_dim3A_185 = vector.broadcast %broadcast_in_dim3A_184 : i32 to vector<16xi32>
        %add3A_186 = arith.addi %and3A_172, %broadcast_in_dim3A_185 : vector<16xi32>
        %gather3A_187 = tpu.vector_load_idx %arg10[%add3A_67, %add3A_186] : memref<160x128xf32, #tpu.memory_space<vmem>>[vector<16xi32>, vector<16xi32>], vector<16xf32>,
        %gather3A_188 = tpu.vector_load_idx %arg11[%add3A_67, %add3A_186] : memref<160x128xf32, #tpu.memory_space<vmem>>[vector<16xi32>, vector<16xi32>], vector<16xf32>,
        %mul3A_189 = arith.mulf %gather3A_187, %gather3A_188 : vector<16xf32>
        %add3A_190 = arith.addf %add3A_140, %mul3A_189 : vector<16xf32>
        %mul3A_191 = arith.mulf %gather3A_187, %gather3A_187 : vector<16xf32>
        %add3A_192 = arith.addf %add3A_142, %mul3A_191 : vector<16xf32>
        %mul3A_193 = arith.mulf %gather3A_188, %gather3A_188 : vector<16xf32>
        %add3A_194 = arith.addf %add3A_144, %mul3A_193 : vector<16xf32>
        %broadcast_in_dim3A_195 = arith.constant 32 : i32
        %broadcast_in_dim3A_196 = vector.broadcast %broadcast_in_dim3A_195 : i32 to vector<16xi32>
        %add3A_197 = arith.addi %and3A_172, %broadcast_in_dim3A_196 : vector<16xi32>
        %gather3A_198 = tpu.vector_load_idx %arg10[%add3A_67, %add3A_197] : memref<160x128xf32, #tpu.memory_space<vmem>>[vector<16xi32>, vector<16xi32>], vector<16xf32>,
        %gather3A_199 = tpu.vector_load_idx %arg11[%add3A_67, %add3A_197] : memref<160x128xf32, #tpu.memory_space<vmem>>[vector<16xi32>, vector<16xi32>], vector<16xf32>,
        %mul3A_200 = arith.mulf %gather3A_198, %gather3A_199 : vector<16xf32>
        %add3A_201 = arith.addf %add3A_151, %mul3A_200 : vector<16xf32>
        %mul3A_202 = arith.mulf %gather3A_198, %gather3A_198 : vector<16xf32>
        %add3A_203 = arith.addf %add3A_153, %mul3A_202 : vector<16xf32>
        %mul3A_204 = arith.mulf %gather3A_199, %gather3A_199 : vector<16xf32>
        %add3A_205 = arith.addf %add3A_155, %mul3A_204 : vector<16xf32>
        %broadcast_in_dim3A_206 = arith.constant 48 : i32
        %broadcast_in_dim3A_207 = vector.broadcast %broadcast_in_dim3A_206 : i32 to vector<16xi32>
        %add3A_208 = arith.addi %and3A_172, %broadcast_in_dim3A_207 : vector<16xi32>
        %gather3A_209 = tpu.vector_load_idx %arg10[%add3A_67, %add3A_208] : memref<160x128xf32, #tpu.memory_space<vmem>>[vector<16xi32>, vector<16xi32>], vector<16xf32>,
        %gather3A_210 = tpu.vector_load_idx %arg11[%add3A_67, %add3A_208] : memref<160x128xf32, #tpu.memory_space<vmem>>[vector<16xi32>, vector<16xi32>], vector<16xf32>,
        %mul3A_211 = arith.mulf %gather3A_209, %gather3A_210 : vector<16xf32>
        %add3A_212 = arith.addf %add3A_162, %mul3A_211 : vector<16xf32>
        %mul3A_213 = arith.mulf %gather3A_209, %gather3A_209 : vector<16xf32>
        %add3A_214 = arith.addf %add3A_164, %mul3A_213 : vector<16xf32>
        %mul3A_215 = arith.mulf %gather3A_210, %gather3A_210 : vector<16xf32>
        %add3A_216 = arith.addf %add3A_166, %mul3A_215 : vector<16xf32>
        %broadcast_in_dim3A_217 = arith.constant 64 : i32
        %broadcast_in_dim3A_218 = vector.broadcast %broadcast_in_dim3A_217 : i32 to vector<16xi32>
        %add3A_219 = arith.addi %and3A_172, %broadcast_in_dim3A_218 : vector<16xi32>
        %gather3A_220 = tpu.vector_load_idx %arg10[%add3A_67, %add3A_219] : memref<160x128xf32, #tpu.memory_space<vmem>>[vector<16xi32>, vector<16xi32>], vector<16xf32>,
        %gather3A_221 = tpu.vector_load_idx %arg11[%add3A_67, %add3A_219] : memref<160x128xf32, #tpu.memory_space<vmem>>[vector<16xi32>, vector<16xi32>], vector<16xf32>,
        %mul3A_222 = arith.mulf %gather3A_220, %gather3A_221 : vector<16xf32>
        %add3A_223 = arith.addf %add3A_179, %mul3A_222 : vector<16xf32>
        %mul3A_224 = arith.mulf %gather3A_220, %gather3A_220 : vector<16xf32>
        %add3A_225 = arith.addf %add3A_181, %mul3A_224 : vector<16xf32>
        %mul3A_226 = arith.mulf %gather3A_221, %gather3A_221 : vector<16xf32>
        %add3A_227 = arith.addf %add3A_183, %mul3A_226 : vector<16xf32>
        %broadcast_in_dim3A_228 = arith.constant 80 : i32
        %broadcast_in_dim3A_229 = vector.broadcast %broadcast_in_dim3A_228 : i32 to vector<16xi32>
        %add3A_230 = arith.addi %and3A_172, %broadcast_in_dim3A_229 : vector<16xi32>
        %gather3A_231 = tpu.vector_load_idx %arg10[%add3A_67, %add3A_230] : memref<160x128xf32, #tpu.memory_space<vmem>>[vector<16xi32>, vector<16xi32>], vector<16xf32>,
        %gather3A_232 = tpu.vector_load_idx %arg11[%add3A_67, %add3A_230] : memref<160x128xf32, #tpu.memory_space<vmem>>[vector<16xi32>, vector<16xi32>], vector<16xf32>,
        %mul3A_233 = arith.mulf %gather3A_231, %gather3A_232 : vector<16xf32>
        %add3A_234 = arith.addf %add3A_190, %mul3A_233 : vector<16xf32>
        %mul3A_235 = arith.mulf %gather3A_231, %gather3A_231 : vector<16xf32>
        %add3A_236 = arith.addf %add3A_192, %mul3A_235 : vector<16xf32>
        %mul3A_237 = arith.mulf %gather3A_232, %gather3A_232 : vector<16xf32>
        %add3A_238 = arith.addf %add3A_194, %mul3A_237 : vector<16xf32>
        %broadcast_in_dim3A_239 = arith.constant 96 : i32
        %broadcast_in_dim3A_240 = vector.broadcast %broadcast_in_dim3A_239 : i32 to vector<16xi32>
        %add3A_241 = arith.addi %and3A_172, %broadcast_in_dim3A_240 : vector<16xi32>
        %gather3A_242 = tpu.vector_load_idx %arg10[%add3A_67, %add3A_241] : memref<160x128xf32, #tpu.memory_space<vmem>>[vector<16xi32>, vector<16xi32>], vector<16xf32>,
        %gather3A_243 = tpu.vector_load_idx %arg11[%add3A_67, %add3A_241] : memref<160x128xf32, #tpu.memory_space<vmem>>[vector<16xi32>, vector<16xi32>], vector<16xf32>,
        %mul3A_244 = arith.mulf %gather3A_242, %gather3A_243 : vector<16xf32>
        %add3A_245 = arith.addf %add3A_201, %mul3A_244 : vector<16xf32>
        %mul3A_246 = arith.mulf %gather3A_242, %gather3A_242 : vector<16xf32>
        %add3A_247 = arith.addf %add3A_203, %mul3A_246 : vector<16xf32>
        %mul3A_248 = arith.mulf %gather3A_243, %gather3A_243 : vector<16xf32>
        %add3A_249 = arith.addf %add3A_205, %mul3A_248 : vector<16xf32>
        %broadcast_in_dim3A_250 = arith.constant 112 : i32
        %broadcast_in_dim3A_251 = vector.broadcast %broadcast_in_dim3A_250 : i32 to vector<16xi32>
        %add3A_252 = arith.addi %and3A_172, %broadcast_in_dim3A_251 : vector<16xi32>
        %gather3A_253 = tpu.vector_load_idx %arg10[%add3A_67, %add3A_252] : memref<160x128xf32, #tpu.memory_space<vmem>>[vector<16xi32>, vector<16xi32>], vector<16xf32>,
        %gather3A_254 = tpu.vector_load_idx %arg11[%add3A_67, %add3A_252] : memref<160x128xf32, #tpu.memory_space<vmem>>[vector<16xi32>, vector<16xi32>], vector<16xf32>,
        %mul3A_255 = arith.mulf %gather3A_253, %gather3A_254 : vector<16xf32>
        %add3A_256 = arith.addf %add3A_212, %mul3A_255 : vector<16xf32>
        %mul3A_257 = arith.mulf %gather3A_253, %gather3A_253 : vector<16xf32>
        %add3A_258 = arith.addf %add3A_214, %mul3A_257 : vector<16xf32>
        %mul3A_259 = arith.mulf %gather3A_254, %gather3A_254 : vector<16xf32>
        %add3A_260 = arith.addf %add3A_216, %mul3A_259 : vector<16xf32>
        %broadcast_in_dim3A_261 = arith.constant 2 : i32
        %broadcast_in_dim3A_262 = vector.broadcast %broadcast_in_dim3A_261 : i32 to vector<16xi32>
        %add3A_263 = arith.addi %iota3A, %broadcast_in_dim3A_262 : vector<16xi32>
        %broadcast_in_dim3A_264 = arith.constant 15 : i32
        %broadcast_in_dim3A_265 = vector.broadcast %broadcast_in_dim3A_264 : i32 to vector<16xi32>
        %and3A_266 = arith.andi %add3A_263, %broadcast_in_dim3A_265 : vector<16xi32>
        %broadcast_in_dim3A_267 = arith.constant 0 : i32
        %broadcast_in_dim3A_268 = vector.broadcast %broadcast_in_dim3A_267 : i32 to vector<16xi32>
        %add3A_269 = arith.addi %and3A_266, %broadcast_in_dim3A_268 : vector<16xi32>
        %gather3A_270 = tpu.vector_load_idx %arg10[%add3A_67, %add3A_269] : memref<160x128xf32, #tpu.memory_space<vmem>>[vector<16xi32>, vector<16xi32>], vector<16xf32>,
        %gather3A_271 = tpu.vector_load_idx %arg11[%add3A_67, %add3A_269] : memref<160x128xf32, #tpu.memory_space<vmem>>[vector<16xi32>, vector<16xi32>], vector<16xf32>,
        %mul3A_272 = arith.mulf %gather3A_270, %gather3A_271 : vector<16xf32>
        %add3A_273 = arith.addf %add3A_223, %mul3A_272 : vector<16xf32>
        %mul3A_274 = arith.mulf %gather3A_270, %gather3A_270 : vector<16xf32>
        %add3A_275 = arith.addf %add3A_225, %mul3A_274 : vector<16xf32>
        %mul3A_276 = arith.mulf %gather3A_271, %gather3A_271 : vector<16xf32>
        %add3A_277 = arith.addf %add3A_227, %mul3A_276 : vector<16xf32>
        %broadcast_in_dim3A_278 = arith.constant 16 : i32
        %broadcast_in_dim3A_279 = vector.broadcast %broadcast_in_dim3A_278 : i32 to vector<16xi32>
        %add3A_280 = arith.addi %and3A_266, %broadcast_in_dim3A_279 : vector<16xi32>
        %gather3A_281 = tpu.vector_load_idx %arg10[%add3A_67, %add3A_280] : memref<160x128xf32, #tpu.memory_space<vmem>>[vector<16xi32>, vector<16xi32>], vector<16xf32>,
        %gather3A_282 = tpu.vector_load_idx %arg11[%add3A_67, %add3A_280] : memref<160x128xf32, #tpu.memory_space<vmem>>[vector<16xi32>, vector<16xi32>], vector<16xf32>,
        %mul3A_283 = arith.mulf %gather3A_281, %gather3A_282 : vector<16xf32>
        %add3A_284 = arith.addf %add3A_234, %mul3A_283 : vector<16xf32>
        %mul3A_285 = arith.mulf %gather3A_281, %gather3A_281 : vector<16xf32>
        %add3A_286 = arith.addf %add3A_236, %mul3A_285 : vector<16xf32>
        %mul3A_287 = arith.mulf %gather3A_282, %gather3A_282 : vector<16xf32>
        %add3A_288 = arith.addf %add3A_238, %mul3A_287 : vector<16xf32>
        %broadcast_in_dim3A_289 = arith.constant 32 : i32
        %broadcast_in_dim3A_290 = vector.broadcast %broadcast_in_dim3A_289 : i32 to vector<16xi32>
        %add3A_291 = arith.addi %and3A_266, %broadcast_in_dim3A_290 : vector<16xi32>
        %gather3A_292 = tpu.vector_load_idx %arg10[%add3A_67, %add3A_291] : memref<160x128xf32, #tpu.memory_space<vmem>>[vector<16xi32>, vector<16xi32>], vector<16xf32>,
        %gather3A_293 = tpu.vector_load_idx %arg11[%add3A_67, %add3A_291] : memref<160x128xf32, #tpu.memory_space<vmem>>[vector<16xi32>, vector<16xi32>], vector<16xf32>,
        %mul3A_294 = arith.mulf %gather3A_292, %gather3A_293 : vector<16xf32>
        %add3A_295 = arith.addf %add3A_245, %mul3A_294 : vector<16xf32>
        %mul3A_296 = arith.mulf %gather3A_292, %gather3A_292 : vector<16xf32>
        %add3A_297 = arith.addf %add3A_247, %mul3A_296 : vector<16xf32>
        %mul3A_298 = arith.mulf %gather3A_293, %gather3A_293 : vector<16xf32>
        %add3A_299 = arith.addf %add3A_249, %mul3A_298 : vector<16xf32>
        %broadcast_in_dim3A_300 = arith.constant 48 : i32
        %broadcast_in_dim3A_301 = vector.broadcast %broadcast_in_dim3A_300 : i32 to vector<16xi32>
        %add3A_302 = arith.addi %and3A_266, %broadcast_in_dim3A_301 : vector<16xi32>
        %gather3A_303 = tpu.vector_load_idx %arg10[%add3A_67, %add3A_302] : memref<160x128xf32, #tpu.memory_space<vmem>>[vector<16xi32>, vector<16xi32>], vector<16xf32>,
        %gather3A_304 = tpu.vector_load_idx %arg11[%add3A_67, %add3A_302] : memref<160x128xf32, #tpu.memory_space<vmem>>[vector<16xi32>, vector<16xi32>], vector<16xf32>,
        %mul3A_305 = arith.mulf %gather3A_303, %gather3A_304 : vector<16xf32>
        %add3A_306 = arith.addf %add3A_256, %mul3A_305 : vector<16xf32>
        %mul3A_307 = arith.mulf %gather3A_303, %gather3A_303 : vector<16xf32>
        %add3A_308 = arith.addf %add3A_258, %mul3A_307 : vector<16xf32>
        %mul3A_309 = arith.mulf %gather3A_304, %gather3A_304 : vector<16xf32>
        %add3A_310 = arith.addf %add3A_260, %mul3A_309 : vector<16xf32>
        %broadcast_in_dim3A_311 = arith.constant 64 : i32
        %broadcast_in_dim3A_312 = vector.broadcast %broadcast_in_dim3A_311 : i32 to vector<16xi32>
        %add3A_313 = arith.addi %and3A_266, %broadcast_in_dim3A_312 : vector<16xi32>
        %gather3A_314 = tpu.vector_load_idx %arg10[%add3A_67, %add3A_313] : memref<160x128xf32, #tpu.memory_space<vmem>>[vector<16xi32>, vector<16xi32>], vector<16xf32>,
        %gather3A_315 = tpu.vector_load_idx %arg11[%add3A_67, %add3A_313] : memref<160x128xf32, #tpu.memory_space<vmem>>[vector<16xi32>, vector<16xi32>], vector<16xf32>,
        %mul3A_316 = arith.mulf %gather3A_314, %gather3A_315 : vector<16xf32>
        %add3A_317 = arith.addf %add3A_273, %mul3A_316 : vector<16xf32>
        %mul3A_318 = arith.mulf %gather3A_314, %gather3A_314 : vector<16xf32>
        %add3A_319 = arith.addf %add3A_275, %mul3A_318 : vector<16xf32>
        %mul3A_320 = arith.mulf %gather3A_315, %gather3A_315 : vector<16xf32>
        %add3A_321 = arith.addf %add3A_277, %mul3A_320 : vector<16xf32>
        %broadcast_in_dim3A_322 = arith.constant 80 : i32
        %broadcast_in_dim3A_323 = vector.broadcast %broadcast_in_dim3A_322 : i32 to vector<16xi32>
        %add3A_324 = arith.addi %and3A_266, %broadcast_in_dim3A_323 : vector<16xi32>
        %gather3A_325 = tpu.vector_load_idx %arg10[%add3A_67, %add3A_324] : memref<160x128xf32, #tpu.memory_space<vmem>>[vector<16xi32>, vector<16xi32>], vector<16xf32>,
        %gather3A_326 = tpu.vector_load_idx %arg11[%add3A_67, %add3A_324] : memref<160x128xf32, #tpu.memory_space<vmem>>[vector<16xi32>, vector<16xi32>], vector<16xf32>,
        %mul3A_327 = arith.mulf %gather3A_325, %gather3A_326 : vector<16xf32>
        %add3A_328 = arith.addf %add3A_284, %mul3A_327 : vector<16xf32>
        %mul3A_329 = arith.mulf %gather3A_325, %gather3A_325 : vector<16xf32>
        %add3A_330 = arith.addf %add3A_286, %mul3A_329 : vector<16xf32>
        %mul3A_331 = arith.mulf %gather3A_326, %gather3A_326 : vector<16xf32>
        %add3A_332 = arith.addf %add3A_288, %mul3A_331 : vector<16xf32>
        %broadcast_in_dim3A_333 = arith.constant 96 : i32
        %broadcast_in_dim3A_334 = vector.broadcast %broadcast_in_dim3A_333 : i32 to vector<16xi32>
        %add3A_335 = arith.addi %and3A_266, %broadcast_in_dim3A_334 : vector<16xi32>
        %gather3A_336 = tpu.vector_load_idx %arg10[%add3A_67, %add3A_335] : memref<160x128xf32, #tpu.memory_space<vmem>>[vector<16xi32>, vector<16xi32>], vector<16xf32>,
        %gather3A_337 = tpu.vector_load_idx %arg11[%add3A_67, %add3A_335] : memref<160x128xf32, #tpu.memory_space<vmem>>[vector<16xi32>, vector<16xi32>], vector<16xf32>,
        %mul3A_338 = arith.mulf %gather3A_336, %gather3A_337 : vector<16xf32>
        %add3A_339 = arith.addf %add3A_295, %mul3A_338 : vector<16xf32>
        %mul3A_340 = arith.mulf %gather3A_336, %gather3A_336 : vector<16xf32>
        %add3A_341 = arith.addf %add3A_297, %mul3A_340 : vector<16xf32>
        %mul3A_342 = arith.mulf %gather3A_337, %gather3A_337 : vector<16xf32>
        %add3A_343 = arith.addf %add3A_299, %mul3A_342 : vector<16xf32>
        %broadcast_in_dim3A_344 = arith.constant 112 : i32
        %broadcast_in_dim3A_345 = vector.broadcast %broadcast_in_dim3A_344 : i32 to vector<16xi32>
        %add3A_346 = arith.addi %and3A_266, %broadcast_in_dim3A_345 : vector<16xi32>
        %gather3A_347 = tpu.vector_load_idx %arg10[%add3A_67, %add3A_346] : memref<160x128xf32, #tpu.memory_space<vmem>>[vector<16xi32>, vector<16xi32>], vector<16xf32>,
        %gather3A_348 = tpu.vector_load_idx %arg11[%add3A_67, %add3A_346] : memref<160x128xf32, #tpu.memory_space<vmem>>[vector<16xi32>, vector<16xi32>], vector<16xf32>,
        %mul3A_349 = arith.mulf %gather3A_347, %gather3A_348 : vector<16xf32>
        %add3A_350 = arith.addf %add3A_306, %mul3A_349 : vector<16xf32>
        %mul3A_351 = arith.mulf %gather3A_347, %gather3A_347 : vector<16xf32>
        %add3A_352 = arith.addf %add3A_308, %mul3A_351 : vector<16xf32>
        %mul3A_353 = arith.mulf %gather3A_348, %gather3A_348 : vector<16xf32>
        %add3A_354 = arith.addf %add3A_310, %mul3A_353 : vector<16xf32>
        %broadcast_in_dim3A_355 = arith.constant 3 : i32
        %broadcast_in_dim3A_356 = vector.broadcast %broadcast_in_dim3A_355 : i32 to vector<16xi32>
        %add3A_357 = arith.addi %iota3A, %broadcast_in_dim3A_356 : vector<16xi32>
        %broadcast_in_dim3A_358 = arith.constant 15 : i32
        %broadcast_in_dim3A_359 = vector.broadcast %broadcast_in_dim3A_358 : i32 to vector<16xi32>
        %and3A_360 = arith.andi %add3A_357, %broadcast_in_dim3A_359 : vector<16xi32>
        %broadcast_in_dim3A_361 = arith.constant 0 : i32
        %broadcast_in_dim3A_362 = vector.broadcast %broadcast_in_dim3A_361 : i32 to vector<16xi32>
        %add3A_363 = arith.addi %and3A_360, %broadcast_in_dim3A_362 : vector<16xi32>
        %gather3A_364 = tpu.vector_load_idx %arg10[%add3A_67, %add3A_363] : memref<160x128xf32, #tpu.memory_space<vmem>>[vector<16xi32>, vector<16xi32>], vector<16xf32>,
        %gather3A_365 = tpu.vector_load_idx %arg11[%add3A_67, %add3A_363] : memref<160x128xf32, #tpu.memory_space<vmem>>[vector<16xi32>, vector<16xi32>], vector<16xf32>,
        %mul3A_366 = arith.mulf %gather3A_364, %gather3A_365 : vector<16xf32>
        %add3A_367 = arith.addf %add3A_317, %mul3A_366 : vector<16xf32>
        %mul3A_368 = arith.mulf %gather3A_364, %gather3A_364 : vector<16xf32>
        %add3A_369 = arith.addf %add3A_319, %mul3A_368 : vector<16xf32>
        %mul3A_370 = arith.mulf %gather3A_365, %gather3A_365 : vector<16xf32>
        %add3A_371 = arith.addf %add3A_321, %mul3A_370 : vector<16xf32>
        %broadcast_in_dim3A_372 = arith.constant 16 : i32
        %broadcast_in_dim3A_373 = vector.broadcast %broadcast_in_dim3A_372 : i32 to vector<16xi32>
        %add3A_374 = arith.addi %and3A_360, %broadcast_in_dim3A_373 : vector<16xi32>
        %gather3A_375 = tpu.vector_load_idx %arg10[%add3A_67, %add3A_374] : memref<160x128xf32, #tpu.memory_space<vmem>>[vector<16xi32>, vector<16xi32>], vector<16xf32>,
        %gather3A_376 = tpu.vector_load_idx %arg11[%add3A_67, %add3A_374] : memref<160x128xf32, #tpu.memory_space<vmem>>[vector<16xi32>, vector<16xi32>], vector<16xf32>,
        %mul3A_377 = arith.mulf %gather3A_375, %gather3A_376 : vector<16xf32>
        %add3A_378 = arith.addf %add3A_328, %mul3A_377 : vector<16xf32>
        %mul3A_379 = arith.mulf %gather3A_375, %gather3A_375 : vector<16xf32>
        %add3A_380 = arith.addf %add3A_330, %mul3A_379 : vector<16xf32>
        %mul3A_381 = arith.mulf %gather3A_376, %gather3A_376 : vector<16xf32>
        %add3A_382 = arith.addf %add3A_332, %mul3A_381 : vector<16xf32>
        %broadcast_in_dim3A_383 = arith.constant 32 : i32
        %broadcast_in_dim3A_384 = vector.broadcast %broadcast_in_dim3A_383 : i32 to vector<16xi32>
        %add3A_385 = arith.addi %and3A_360, %broadcast_in_dim3A_384 : vector<16xi32>
        %gather3A_386 = tpu.vector_load_idx %arg10[%add3A_67, %add3A_385] : memref<160x128xf32, #tpu.memory_space<vmem>>[vector<16xi32>, vector<16xi32>], vector<16xf32>,
        %gather3A_387 = tpu.vector_load_idx %arg11[%add3A_67, %add3A_385] : memref<160x128xf32, #tpu.memory_space<vmem>>[vector<16xi32>, vector<16xi32>], vector<16xf32>,
        %mul3A_388 = arith.mulf %gather3A_386, %gather3A_387 : vector<16xf32>
        %add3A_389 = arith.addf %add3A_339, %mul3A_388 : vector<16xf32>
        %mul3A_390 = arith.mulf %gather3A_386, %gather3A_386 : vector<16xf32>
        %add3A_391 = arith.addf %add3A_341, %mul3A_390 : vector<16xf32>
        %mul3A_392 = arith.mulf %gather3A_387, %gather3A_387 : vector<16xf32>
        %add3A_393 = arith.addf %add3A_343, %mul3A_392 : vector<16xf32>
        %broadcast_in_dim3A_394 = arith.constant 48 : i32
        %broadcast_in_dim3A_395 = vector.broadcast %broadcast_in_dim3A_394 : i32 to vector<16xi32>
        %add3A_396 = arith.addi %and3A_360, %broadcast_in_dim3A_395 : vector<16xi32>
        %gather3A_397 = tpu.vector_load_idx %arg10[%add3A_67, %add3A_396] : memref<160x128xf32, #tpu.memory_space<vmem>>[vector<16xi32>, vector<16xi32>], vector<16xf32>,
        %gather3A_398 = tpu.vector_load_idx %arg11[%add3A_67, %add3A_396] : memref<160x128xf32, #tpu.memory_space<vmem>>[vector<16xi32>, vector<16xi32>], vector<16xf32>,
        %mul3A_399 = arith.mulf %gather3A_397, %gather3A_398 : vector<16xf32>
        %add3A_400 = arith.addf %add3A_350, %mul3A_399 : vector<16xf32>
        %mul3A_401 = arith.mulf %gather3A_397, %gather3A_397 : vector<16xf32>
        %add3A_402 = arith.addf %add3A_352, %mul3A_401 : vector<16xf32>
        %mul3A_403 = arith.mulf %gather3A_398, %gather3A_398 : vector<16xf32>
        %add3A_404 = arith.addf %add3A_354, %mul3A_403 : vector<16xf32>
        %broadcast_in_dim3A_405 = arith.constant 64 : i32
        %broadcast_in_dim3A_406 = vector.broadcast %broadcast_in_dim3A_405 : i32 to vector<16xi32>
        %add3A_407 = arith.addi %and3A_360, %broadcast_in_dim3A_406 : vector<16xi32>
        %gather3A_408 = tpu.vector_load_idx %arg10[%add3A_67, %add3A_407] : memref<160x128xf32, #tpu.memory_space<vmem>>[vector<16xi32>, vector<16xi32>], vector<16xf32>,
        %gather3A_409 = tpu.vector_load_idx %arg11[%add3A_67, %add3A_407] : memref<160x128xf32, #tpu.memory_space<vmem>>[vector<16xi32>, vector<16xi32>], vector<16xf32>,
        %mul3A_410 = arith.mulf %gather3A_408, %gather3A_409 : vector<16xf32>
        %add3A_411 = arith.addf %add3A_367, %mul3A_410 : vector<16xf32>
        %mul3A_412 = arith.mulf %gather3A_408, %gather3A_408 : vector<16xf32>
        %add3A_413 = arith.addf %add3A_369, %mul3A_412 : vector<16xf32>
        %mul3A_414 = arith.mulf %gather3A_409, %gather3A_409 : vector<16xf32>
        %add3A_415 = arith.addf %add3A_371, %mul3A_414 : vector<16xf32>
        %broadcast_in_dim3A_416 = arith.constant 80 : i32
        %broadcast_in_dim3A_417 = vector.broadcast %broadcast_in_dim3A_416 : i32 to vector<16xi32>
        %add3A_418 = arith.addi %and3A_360, %broadcast_in_dim3A_417 : vector<16xi32>
        %gather3A_419 = tpu.vector_load_idx %arg10[%add3A_67, %add3A_418] : memref<160x128xf32, #tpu.memory_space<vmem>>[vector<16xi32>, vector<16xi32>], vector<16xf32>,
        %gather3A_420 = tpu.vector_load_idx %arg11[%add3A_67, %add3A_418] : memref<160x128xf32, #tpu.memory_space<vmem>>[vector<16xi32>, vector<16xi32>], vector<16xf32>,
        %mul3A_421 = arith.mulf %gather3A_419, %gather3A_420 : vector<16xf32>
        %add3A_422 = arith.addf %add3A_378, %mul3A_421 : vector<16xf32>
        %mul3A_423 = arith.mulf %gather3A_419, %gather3A_419 : vector<16xf32>
        %add3A_424 = arith.addf %add3A_380, %mul3A_423 : vector<16xf32>
        %mul3A_425 = arith.mulf %gather3A_420, %gather3A_420 : vector<16xf32>
        %add3A_426 = arith.addf %add3A_382, %mul3A_425 : vector<16xf32>
        %broadcast_in_dim3A_427 = arith.constant 96 : i32
        %broadcast_in_dim3A_428 = vector.broadcast %broadcast_in_dim3A_427 : i32 to vector<16xi32>
        %add3A_429 = arith.addi %and3A_360, %broadcast_in_dim3A_428 : vector<16xi32>
        %gather3A_430 = tpu.vector_load_idx %arg10[%add3A_67, %add3A_429] : memref<160x128xf32, #tpu.memory_space<vmem>>[vector<16xi32>, vector<16xi32>], vector<16xf32>,
        %gather3A_431 = tpu.vector_load_idx %arg11[%add3A_67, %add3A_429] : memref<160x128xf32, #tpu.memory_space<vmem>>[vector<16xi32>, vector<16xi32>], vector<16xf32>,
        %mul3A_432 = arith.mulf %gather3A_430, %gather3A_431 : vector<16xf32>
        %add3A_433 = arith.addf %add3A_389, %mul3A_432 : vector<16xf32>
        %mul3A_434 = arith.mulf %gather3A_430, %gather3A_430 : vector<16xf32>
        %add3A_435 = arith.addf %add3A_391, %mul3A_434 : vector<16xf32>
        %mul3A_436 = arith.mulf %gather3A_431, %gather3A_431 : vector<16xf32>
        %add3A_437 = arith.addf %add3A_393, %mul3A_436 : vector<16xf32>
        %broadcast_in_dim3A_438 = arith.constant 112 : i32
        %broadcast_in_dim3A_439 = vector.broadcast %broadcast_in_dim3A_438 : i32 to vector<16xi32>
        %add3A_440 = arith.addi %and3A_360, %broadcast_in_dim3A_439 : vector<16xi32>
        %gather3A_441 = tpu.vector_load_idx %arg10[%add3A_67, %add3A_440] : memref<160x128xf32, #tpu.memory_space<vmem>>[vector<16xi32>, vector<16xi32>], vector<16xf32>,
        %gather3A_442 = tpu.vector_load_idx %arg11[%add3A_67, %add3A_440] : memref<160x128xf32, #tpu.memory_space<vmem>>[vector<16xi32>, vector<16xi32>], vector<16xf32>,
        %mul3A_443 = arith.mulf %gather3A_441, %gather3A_442 : vector<16xf32>
        %add3A_444 = arith.addf %add3A_400, %mul3A_443 : vector<16xf32>
        %mul3A_445 = arith.mulf %gather3A_441, %gather3A_441 : vector<16xf32>
        %add3A_446 = arith.addf %add3A_402, %mul3A_445 : vector<16xf32>
        %mul3A_447 = arith.mulf %gather3A_442, %gather3A_442 : vector<16xf32>
        %add3A_448 = arith.addf %add3A_404, %mul3A_447 : vector<16xf32>
        %broadcast_in_dim3A_449 = arith.constant 4 : i32
        %broadcast_in_dim3A_450 = vector.broadcast %broadcast_in_dim3A_449 : i32 to vector<16xi32>
        %add3A_451 = arith.addi %iota3A, %broadcast_in_dim3A_450 : vector<16xi32>
        %broadcast_in_dim3A_452 = arith.constant 15 : i32
        %broadcast_in_dim3A_453 = vector.broadcast %broadcast_in_dim3A_452 : i32 to vector<16xi32>
        %and3A_454 = arith.andi %add3A_451, %broadcast_in_dim3A_453 : vector<16xi32>
        %broadcast_in_dim3A_455 = arith.constant 0 : i32
        %broadcast_in_dim3A_456 = vector.broadcast %broadcast_in_dim3A_455 : i32 to vector<16xi32>
        %add3A_457 = arith.addi %and3A_454, %broadcast_in_dim3A_456 : vector<16xi32>
        %gather3A_458 = tpu.vector_load_idx %arg10[%add3A_67, %add3A_457] : memref<160x128xf32, #tpu.memory_space<vmem>>[vector<16xi32>, vector<16xi32>], vector<16xf32>,
        %gather3A_459 = tpu.vector_load_idx %arg11[%add3A_67, %add3A_457] : memref<160x128xf32, #tpu.memory_space<vmem>>[vector<16xi32>, vector<16xi32>], vector<16xf32>,
        %mul3A_460 = arith.mulf %gather3A_458, %gather3A_459 : vector<16xf32>
        %add3A_461 = arith.addf %add3A_411, %mul3A_460 : vector<16xf32>
        %mul3A_462 = arith.mulf %gather3A_458, %gather3A_458 : vector<16xf32>
        %add3A_463 = arith.addf %add3A_413, %mul3A_462 : vector<16xf32>
        %mul3A_464 = arith.mulf %gather3A_459, %gather3A_459 : vector<16xf32>
        %add3A_465 = arith.addf %add3A_415, %mul3A_464 : vector<16xf32>
        %broadcast_in_dim3A_466 = arith.constant 16 : i32
        %broadcast_in_dim3A_467 = vector.broadcast %broadcast_in_dim3A_466 : i32 to vector<16xi32>
        %add3A_468 = arith.addi %and3A_454, %broadcast_in_dim3A_467 : vector<16xi32>
        %gather3A_469 = tpu.vector_load_idx %arg10[%add3A_67, %add3A_468] : memref<160x128xf32, #tpu.memory_space<vmem>>[vector<16xi32>, vector<16xi32>], vector<16xf32>,
        %gather3A_470 = tpu.vector_load_idx %arg11[%add3A_67, %add3A_468] : memref<160x128xf32, #tpu.memory_space<vmem>>[vector<16xi32>, vector<16xi32>], vector<16xf32>,
        %mul3A_471 = arith.mulf %gather3A_469, %gather3A_470 : vector<16xf32>
        %add3A_472 = arith.addf %add3A_422, %mul3A_471 : vector<16xf32>
        %mul3A_473 = arith.mulf %gather3A_469, %gather3A_469 : vector<16xf32>
        %add3A_474 = arith.addf %add3A_424, %mul3A_473 : vector<16xf32>
        %mul3A_475 = arith.mulf %gather3A_470, %gather3A_470 : vector<16xf32>
        %add3A_476 = arith.addf %add3A_426, %mul3A_475 : vector<16xf32>
        %broadcast_in_dim3A_477 = arith.constant 32 : i32
        %broadcast_in_dim3A_478 = vector.broadcast %broadcast_in_dim3A_477 : i32 to vector<16xi32>
        %add3A_479 = arith.addi %and3A_454, %broadcast_in_dim3A_478 : vector<16xi32>
        %gather3A_480 = tpu.vector_load_idx %arg10[%add3A_67, %add3A_479] : memref<160x128xf32, #tpu.memory_space<vmem>>[vector<16xi32>, vector<16xi32>], vector<16xf32>,
        %gather3A_481 = tpu.vector_load_idx %arg11[%add3A_67, %add3A_479] : memref<160x128xf32, #tpu.memory_space<vmem>>[vector<16xi32>, vector<16xi32>], vector<16xf32>,
        %mul3A_482 = arith.mulf %gather3A_480, %gather3A_481 : vector<16xf32>
        %add3A_483 = arith.addf %add3A_433, %mul3A_482 : vector<16xf32>
        %mul3A_484 = arith.mulf %gather3A_480, %gather3A_480 : vector<16xf32>
        %add3A_485 = arith.addf %add3A_435, %mul3A_484 : vector<16xf32>
        %mul3A_486 = arith.mulf %gather3A_481, %gather3A_481 : vector<16xf32>
        %add3A_487 = arith.addf %add3A_437, %mul3A_486 : vector<16xf32>
        %broadcast_in_dim3A_488 = arith.constant 48 : i32
        %broadcast_in_dim3A_489 = vector.broadcast %broadcast_in_dim3A_488 : i32 to vector<16xi32>
        %add3A_490 = arith.addi %and3A_454, %broadcast_in_dim3A_489 : vector<16xi32>
        %gather3A_491 = tpu.vector_load_idx %arg10[%add3A_67, %add3A_490] : memref<160x128xf32, #tpu.memory_space<vmem>>[vector<16xi32>, vector<16xi32>], vector<16xf32>,
        %gather3A_492 = tpu.vector_load_idx %arg11[%add3A_67, %add3A_490] : memref<160x128xf32, #tpu.memory_space<vmem>>[vector<16xi32>, vector<16xi32>], vector<16xf32>,
        %mul3A_493 = arith.mulf %gather3A_491, %gather3A_492 : vector<16xf32>
        %add3A_494 = arith.addf %add3A_444, %mul3A_493 : vector<16xf32>
        %mul3A_495 = arith.mulf %gather3A_491, %gather3A_491 : vector<16xf32>
        %add3A_496 = arith.addf %add3A_446, %mul3A_495 : vector<16xf32>
        %mul3A_497 = arith.mulf %gather3A_492, %gather3A_492 : vector<16xf32>
        %add3A_498 = arith.addf %add3A_448, %mul3A_497 : vector<16xf32>
        %broadcast_in_dim3A_499 = arith.constant 64 : i32
        %broadcast_in_dim3A_500 = vector.broadcast %broadcast_in_dim3A_499 : i32 to vector<16xi32>
        %add3A_501 = arith.addi %and3A_454, %broadcast_in_dim3A_500 : vector<16xi32>
        %gather3A_502 = tpu.vector_load_idx %arg10[%add3A_67, %add3A_501] : memref<160x128xf32, #tpu.memory_space<vmem>>[vector<16xi32>, vector<16xi32>], vector<16xf32>,
        %gather3A_503 = tpu.vector_load_idx %arg11[%add3A_67, %add3A_501] : memref<160x128xf32, #tpu.memory_space<vmem>>[vector<16xi32>, vector<16xi32>], vector<16xf32>,
        %mul3A_504 = arith.mulf %gather3A_502, %gather3A_503 : vector<16xf32>
        %add3A_505 = arith.addf %add3A_461, %mul3A_504 : vector<16xf32>
        %mul3A_506 = arith.mulf %gather3A_502, %gather3A_502 : vector<16xf32>
        %add3A_507 = arith.addf %add3A_463, %mul3A_506 : vector<16xf32>
        %mul3A_508 = arith.mulf %gather3A_503, %gather3A_503 : vector<16xf32>
        %add3A_509 = arith.addf %add3A_465, %mul3A_508 : vector<16xf32>
        %broadcast_in_dim3A_510 = arith.constant 80 : i32
        %broadcast_in_dim3A_511 = vector.broadcast %broadcast_in_dim3A_510 : i32 to vector<16xi32>
        %add3A_512 = arith.addi %and3A_454, %broadcast_in_dim3A_511 : vector<16xi32>
        %gather3A_513 = tpu.vector_load_idx %arg10[%add3A_67, %add3A_512] : memref<160x128xf32, #tpu.memory_space<vmem>>[vector<16xi32>, vector<16xi32>], vector<16xf32>,
        %gather3A_514 = tpu.vector_load_idx %arg11[%add3A_67, %add3A_512] : memref<160x128xf32, #tpu.memory_space<vmem>>[vector<16xi32>, vector<16xi32>], vector<16xf32>,
        %mul3A_515 = arith.mulf %gather3A_513, %gather3A_514 : vector<16xf32>
        %add3A_516 = arith.addf %add3A_472, %mul3A_515 : vector<16xf32>
        %mul3A_517 = arith.mulf %gather3A_513, %gather3A_513 : vector<16xf32>
        %add3A_518 = arith.addf %add3A_474, %mul3A_517 : vector<16xf32>
        %mul3A_519 = arith.mulf %gather3A_514, %gather3A_514 : vector<16xf32>
        %add3A_520 = arith.addf %add3A_476, %mul3A_519 : vector<16xf32>
        %broadcast_in_dim3A_521 = arith.constant 96 : i32
        %broadcast_in_dim3A_522 = vector.broadcast %broadcast_in_dim3A_521 : i32 to vector<16xi32>
        %add3A_523 = arith.addi %and3A_454, %broadcast_in_dim3A_522 : vector<16xi32>
        %gather3A_524 = tpu.vector_load_idx %arg10[%add3A_67, %add3A_523] : memref<160x128xf32, #tpu.memory_space<vmem>>[vector<16xi32>, vector<16xi32>], vector<16xf32>,
        %gather3A_525 = tpu.vector_load_idx %arg11[%add3A_67, %add3A_523] : memref<160x128xf32, #tpu.memory_space<vmem>>[vector<16xi32>, vector<16xi32>], vector<16xf32>,
        %mul3A_526 = arith.mulf %gather3A_524, %gather3A_525 : vector<16xf32>
        %add3A_527 = arith.addf %add3A_483, %mul3A_526 : vector<16xf32>
        %mul3A_528 = arith.mulf %gather3A_524, %gather3A_524 : vector<16xf32>
        %add3A_529 = arith.addf %add3A_485, %mul3A_528 : vector<16xf32>
        %mul3A_530 = arith.mulf %gather3A_525, %gather3A_525 : vector<16xf32>
        %add3A_531 = arith.addf %add3A_487, %mul3A_530 : vector<16xf32>
        %broadcast_in_dim3A_532 = arith.constant 112 : i32
        %broadcast_in_dim3A_533 = vector.broadcast %broadcast_in_dim3A_532 : i32 to vector<16xi32>
        %add3A_534 = arith.addi %and3A_454, %broadcast_in_dim3A_533 : vector<16xi32>
        %gather3A_535 = tpu.vector_load_idx %arg10[%add3A_67, %add3A_534] : memref<160x128xf32, #tpu.memory_space<vmem>>[vector<16xi32>, vector<16xi32>], vector<16xf32>,
        %gather3A_536 = tpu.vector_load_idx %arg11[%add3A_67, %add3A_534] : memref<160x128xf32, #tpu.memory_space<vmem>>[vector<16xi32>, vector<16xi32>], vector<16xf32>,
        %mul3A_537 = arith.mulf %gather3A_535, %gather3A_536 : vector<16xf32>
        %add3A_538 = arith.addf %add3A_494, %mul3A_537 : vector<16xf32>
        %mul3A_539 = arith.mulf %gather3A_535, %gather3A_535 : vector<16xf32>
        %add3A_540 = arith.addf %add3A_496, %mul3A_539 : vector<16xf32>
        %mul3A_541 = arith.mulf %gather3A_536, %gather3A_536 : vector<16xf32>
        %add3A_542 = arith.addf %add3A_498, %mul3A_541 : vector<16xf32>
        %broadcast_in_dim3A_543 = arith.constant 5 : i32
        %broadcast_in_dim3A_544 = vector.broadcast %broadcast_in_dim3A_543 : i32 to vector<16xi32>
        %add3A_545 = arith.addi %iota3A, %broadcast_in_dim3A_544 : vector<16xi32>
        %broadcast_in_dim3A_546 = arith.constant 15 : i32
        %broadcast_in_dim3A_547 = vector.broadcast %broadcast_in_dim3A_546 : i32 to vector<16xi32>
        %and3A_548 = arith.andi %add3A_545, %broadcast_in_dim3A_547 : vector<16xi32>
        %broadcast_in_dim3A_549 = arith.constant 0 : i32
        %broadcast_in_dim3A_550 = vector.broadcast %broadcast_in_dim3A_549 : i32 to vector<16xi32>
        %add3A_551 = arith.addi %and3A_548, %broadcast_in_dim3A_550 : vector<16xi32>
        %gather3A_552 = tpu.vector_load_idx %arg10[%add3A_67, %add3A_551] : memref<160x128xf32, #tpu.memory_space<vmem>>[vector<16xi32>, vector<16xi32>], vector<16xf32>,
        %gather3A_553 = tpu.vector_load_idx %arg11[%add3A_67, %add3A_551] : memref<160x128xf32, #tpu.memory_space<vmem>>[vector<16xi32>, vector<16xi32>], vector<16xf32>,
        %mul3A_554 = arith.mulf %gather3A_552, %gather3A_553 : vector<16xf32>
        %add3A_555 = arith.addf %add3A_505, %mul3A_554 : vector<16xf32>
        %mul3A_556 = arith.mulf %gather3A_552, %gather3A_552 : vector<16xf32>
        %add3A_557 = arith.addf %add3A_507, %mul3A_556 : vector<16xf32>
        %mul3A_558 = arith.mulf %gather3A_553, %gather3A_553 : vector<16xf32>
        %add3A_559 = arith.addf %add3A_509, %mul3A_558 : vector<16xf32>
        %broadcast_in_dim3A_560 = arith.constant 16 : i32
        %broadcast_in_dim3A_561 = vector.broadcast %broadcast_in_dim3A_560 : i32 to vector<16xi32>
        %add3A_562 = arith.addi %and3A_548, %broadcast_in_dim3A_561 : vector<16xi32>
        %gather3A_563 = tpu.vector_load_idx %arg10[%add3A_67, %add3A_562] : memref<160x128xf32, #tpu.memory_space<vmem>>[vector<16xi32>, vector<16xi32>], vector<16xf32>,
        %gather3A_564 = tpu.vector_load_idx %arg11[%add3A_67, %add3A_562] : memref<160x128xf32, #tpu.memory_space<vmem>>[vector<16xi32>, vector<16xi32>], vector<16xf32>,
        %mul3A_565 = arith.mulf %gather3A_563, %gather3A_564 : vector<16xf32>
        %add3A_566 = arith.addf %add3A_516, %mul3A_565 : vector<16xf32>
        %mul3A_567 = arith.mulf %gather3A_563, %gather3A_563 : vector<16xf32>
        %add3A_568 = arith.addf %add3A_518, %mul3A_567 : vector<16xf32>
        %mul3A_569 = arith.mulf %gather3A_564, %gather3A_564 : vector<16xf32>
        %add3A_570 = arith.addf %add3A_520, %mul3A_569 : vector<16xf32>
        %broadcast_in_dim3A_571 = arith.constant 32 : i32
        %broadcast_in_dim3A_572 = vector.broadcast %broadcast_in_dim3A_571 : i32 to vector<16xi32>
        %add3A_573 = arith.addi %and3A_548, %broadcast_in_dim3A_572 : vector<16xi32>
        %gather3A_574 = tpu.vector_load_idx %arg10[%add3A_67, %add3A_573] : memref<160x128xf32, #tpu.memory_space<vmem>>[vector<16xi32>, vector<16xi32>], vector<16xf32>,
        %gather3A_575 = tpu.vector_load_idx %arg11[%add3A_67, %add3A_573] : memref<160x128xf32, #tpu.memory_space<vmem>>[vector<16xi32>, vector<16xi32>], vector<16xf32>,
        %mul3A_576 = arith.mulf %gather3A_574, %gather3A_575 : vector<16xf32>
        %add3A_577 = arith.addf %add3A_527, %mul3A_576 : vector<16xf32>
        %mul3A_578 = arith.mulf %gather3A_574, %gather3A_574 : vector<16xf32>
        %add3A_579 = arith.addf %add3A_529, %mul3A_578 : vector<16xf32>
        %mul3A_580 = arith.mulf %gather3A_575, %gather3A_575 : vector<16xf32>
        %add3A_581 = arith.addf %add3A_531, %mul3A_580 : vector<16xf32>
        %broadcast_in_dim3A_582 = arith.constant 48 : i32
        %broadcast_in_dim3A_583 = vector.broadcast %broadcast_in_dim3A_582 : i32 to vector<16xi32>
        %add3A_584 = arith.addi %and3A_548, %broadcast_in_dim3A_583 : vector<16xi32>
        %gather3A_585 = tpu.vector_load_idx %arg10[%add3A_67, %add3A_584] : memref<160x128xf32, #tpu.memory_space<vmem>>[vector<16xi32>, vector<16xi32>], vector<16xf32>,
        %gather3A_586 = tpu.vector_load_idx %arg11[%add3A_67, %add3A_584] : memref<160x128xf32, #tpu.memory_space<vmem>>[vector<16xi32>, vector<16xi32>], vector<16xf32>,
        %mul3A_587 = arith.mulf %gather3A_585, %gather3A_586 : vector<16xf32>
        %add3A_588 = arith.addf %add3A_538, %mul3A_587 : vector<16xf32>
        %mul3A_589 = arith.mulf %gather3A_585, %gather3A_585 : vector<16xf32>
        %add3A_590 = arith.addf %add3A_540, %mul3A_589 : vector<16xf32>
        %mul3A_591 = arith.mulf %gather3A_586, %gather3A_586 : vector<16xf32>
        %add3A_592 = arith.addf %add3A_542, %mul3A_591 : vector<16xf32>
        %broadcast_in_dim3A_593 = arith.constant 64 : i32
        %broadcast_in_dim3A_594 = vector.broadcast %broadcast_in_dim3A_593 : i32 to vector<16xi32>
        %add3A_595 = arith.addi %and3A_548, %broadcast_in_dim3A_594 : vector<16xi32>
        %gather3A_596 = tpu.vector_load_idx %arg10[%add3A_67, %add3A_595] : memref<160x128xf32, #tpu.memory_space<vmem>>[vector<16xi32>, vector<16xi32>], vector<16xf32>,
        %gather3A_597 = tpu.vector_load_idx %arg11[%add3A_67, %add3A_595] : memref<160x128xf32, #tpu.memory_space<vmem>>[vector<16xi32>, vector<16xi32>], vector<16xf32>,
        %mul3A_598 = arith.mulf %gather3A_596, %gather3A_597 : vector<16xf32>
        %add3A_599 = arith.addf %add3A_555, %mul3A_598 : vector<16xf32>
        %mul3A_600 = arith.mulf %gather3A_596, %gather3A_596 : vector<16xf32>
        %add3A_601 = arith.addf %add3A_557, %mul3A_600 : vector<16xf32>
        %mul3A_602 = arith.mulf %gather3A_597, %gather3A_597 : vector<16xf32>
        %add3A_603 = arith.addf %add3A_559, %mul3A_602 : vector<16xf32>
        %broadcast_in_dim3A_604 = arith.constant 80 : i32
        %broadcast_in_dim3A_605 = vector.broadcast %broadcast_in_dim3A_604 : i32 to vector<16xi32>
        %add3A_606 = arith.addi %and3A_548, %broadcast_in_dim3A_605 : vector<16xi32>
        %gather3A_607 = tpu.vector_load_idx %arg10[%add3A_67, %add3A_606] : memref<160x128xf32, #tpu.memory_space<vmem>>[vector<16xi32>, vector<16xi32>], vector<16xf32>,
        %gather3A_608 = tpu.vector_load_idx %arg11[%add3A_67, %add3A_606] : memref<160x128xf32, #tpu.memory_space<vmem>>[vector<16xi32>, vector<16xi32>], vector<16xf32>,
        %mul3A_609 = arith.mulf %gather3A_607, %gather3A_608 : vector<16xf32>
        %add3A_610 = arith.addf %add3A_566, %mul3A_609 : vector<16xf32>
        %mul3A_611 = arith.mulf %gather3A_607, %gather3A_607 : vector<16xf32>
        %add3A_612 = arith.addf %add3A_568, %mul3A_611 : vector<16xf32>
        %mul3A_613 = arith.mulf %gather3A_608, %gather3A_608 : vector<16xf32>
        %add3A_614 = arith.addf %add3A_570, %mul3A_613 : vector<16xf32>
        %broadcast_in_dim3A_615 = arith.constant 96 : i32
        %broadcast_in_dim3A_616 = vector.broadcast %broadcast_in_dim3A_615 : i32 to vector<16xi32>
        %add3A_617 = arith.addi %and3A_548, %broadcast_in_dim3A_616 : vector<16xi32>
        %gather3A_618 = tpu.vector_load_idx %arg10[%add3A_67, %add3A_617] : memref<160x128xf32, #tpu.memory_space<vmem>>[vector<16xi32>, vector<16xi32>], vector<16xf32>,
        %gather3A_619 = tpu.vector_load_idx %arg11[%add3A_67, %add3A_617] : memref<160x128xf32, #tpu.memory_space<vmem>>[vector<16xi32>, vector<16xi32>], vector<16xf32>,
        %mul3A_620 = arith.mulf %gather3A_618, %gather3A_619 : vector<16xf32>
        %add3A_621 = arith.addf %add3A_577, %mul3A_620 : vector<16xf32>
        %mul3A_622 = arith.mulf %gather3A_618, %gather3A_618 : vector<16xf32>
        %add3A_623 = arith.addf %add3A_579, %mul3A_622 : vector<16xf32>
        %mul3A_624 = arith.mulf %gather3A_619, %gather3A_619 : vector<16xf32>
        %add3A_625 = arith.addf %add3A_581, %mul3A_624 : vector<16xf32>
        %broadcast_in_dim3A_626 = arith.constant 112 : i32
        %broadcast_in_dim3A_627 = vector.broadcast %broadcast_in_dim3A_626 : i32 to vector<16xi32>
        %add3A_628 = arith.addi %and3A_548, %broadcast_in_dim3A_627 : vector<16xi32>
        %gather3A_629 = tpu.vector_load_idx %arg10[%add3A_67, %add3A_628] : memref<160x128xf32, #tpu.memory_space<vmem>>[vector<16xi32>, vector<16xi32>], vector<16xf32>,
        %gather3A_630 = tpu.vector_load_idx %arg11[%add3A_67, %add3A_628] : memref<160x128xf32, #tpu.memory_space<vmem>>[vector<16xi32>, vector<16xi32>], vector<16xf32>,
        %mul3A_631 = arith.mulf %gather3A_629, %gather3A_630 : vector<16xf32>
        %add3A_632 = arith.addf %add3A_588, %mul3A_631 : vector<16xf32>
        %mul3A_633 = arith.mulf %gather3A_629, %gather3A_629 : vector<16xf32>
        %add3A_634 = arith.addf %add3A_590, %mul3A_633 : vector<16xf32>
        %mul3A_635 = arith.mulf %gather3A_630, %gather3A_630 : vector<16xf32>
        %add3A_636 = arith.addf %add3A_592, %mul3A_635 : vector<16xf32>
        %broadcast_in_dim3A_637 = arith.constant 6 : i32
        %broadcast_in_dim3A_638 = vector.broadcast %broadcast_in_dim3A_637 : i32 to vector<16xi32>
        %add3A_639 = arith.addi %iota3A, %broadcast_in_dim3A_638 : vector<16xi32>
        %broadcast_in_dim3A_640 = arith.constant 15 : i32
        %broadcast_in_dim3A_641 = vector.broadcast %broadcast_in_dim3A_640 : i32 to vector<16xi32>
        %and3A_642 = arith.andi %add3A_639, %broadcast_in_dim3A_641 : vector<16xi32>
        %broadcast_in_dim3A_643 = arith.constant 0 : i32
        %broadcast_in_dim3A_644 = vector.broadcast %broadcast_in_dim3A_643 : i32 to vector<16xi32>
        %add3A_645 = arith.addi %and3A_642, %broadcast_in_dim3A_644 : vector<16xi32>
        %gather3A_646 = tpu.vector_load_idx %arg10[%add3A_67, %add3A_645] : memref<160x128xf32, #tpu.memory_space<vmem>>[vector<16xi32>, vector<16xi32>], vector<16xf32>,
        %gather3A_647 = tpu.vector_load_idx %arg11[%add3A_67, %add3A_645] : memref<160x128xf32, #tpu.memory_space<vmem>>[vector<16xi32>, vector<16xi32>], vector<16xf32>,
        %mul3A_648 = arith.mulf %gather3A_646, %gather3A_647 : vector<16xf32>
        %add3A_649 = arith.addf %add3A_599, %mul3A_648 : vector<16xf32>
        %mul3A_650 = arith.mulf %gather3A_646, %gather3A_646 : vector<16xf32>
        %add3A_651 = arith.addf %add3A_601, %mul3A_650 : vector<16xf32>
        %mul3A_652 = arith.mulf %gather3A_647, %gather3A_647 : vector<16xf32>
        %add3A_653 = arith.addf %add3A_603, %mul3A_652 : vector<16xf32>
        %broadcast_in_dim3A_654 = arith.constant 16 : i32
        %broadcast_in_dim3A_655 = vector.broadcast %broadcast_in_dim3A_654 : i32 to vector<16xi32>
        %add3A_656 = arith.addi %and3A_642, %broadcast_in_dim3A_655 : vector<16xi32>
        %gather3A_657 = tpu.vector_load_idx %arg10[%add3A_67, %add3A_656] : memref<160x128xf32, #tpu.memory_space<vmem>>[vector<16xi32>, vector<16xi32>], vector<16xf32>,
        %gather3A_658 = tpu.vector_load_idx %arg11[%add3A_67, %add3A_656] : memref<160x128xf32, #tpu.memory_space<vmem>>[vector<16xi32>, vector<16xi32>], vector<16xf32>,
        %mul3A_659 = arith.mulf %gather3A_657, %gather3A_658 : vector<16xf32>
        %add3A_660 = arith.addf %add3A_610, %mul3A_659 : vector<16xf32>
        %mul3A_661 = arith.mulf %gather3A_657, %gather3A_657 : vector<16xf32>
        %add3A_662 = arith.addf %add3A_612, %mul3A_661 : vector<16xf32>
        %mul3A_663 = arith.mulf %gather3A_658, %gather3A_658 : vector<16xf32>
        %add3A_664 = arith.addf %add3A_614, %mul3A_663 : vector<16xf32>
        %broadcast_in_dim3A_665 = arith.constant 32 : i32
        %broadcast_in_dim3A_666 = vector.broadcast %broadcast_in_dim3A_665 : i32 to vector<16xi32>
        %add3A_667 = arith.addi %and3A_642, %broadcast_in_dim3A_666 : vector<16xi32>
        %gather3A_668 = tpu.vector_load_idx %arg10[%add3A_67, %add3A_667] : memref<160x128xf32, #tpu.memory_space<vmem>>[vector<16xi32>, vector<16xi32>], vector<16xf32>,
        %gather3A_669 = tpu.vector_load_idx %arg11[%add3A_67, %add3A_667] : memref<160x128xf32, #tpu.memory_space<vmem>>[vector<16xi32>, vector<16xi32>], vector<16xf32>,
        %mul3A_670 = arith.mulf %gather3A_668, %gather3A_669 : vector<16xf32>
        %add3A_671 = arith.addf %add3A_621, %mul3A_670 : vector<16xf32>
        %mul3A_672 = arith.mulf %gather3A_668, %gather3A_668 : vector<16xf32>
        %add3A_673 = arith.addf %add3A_623, %mul3A_672 : vector<16xf32>
        %mul3A_674 = arith.mulf %gather3A_669, %gather3A_669 : vector<16xf32>
        %add3A_675 = arith.addf %add3A_625, %mul3A_674 : vector<16xf32>
        %broadcast_in_dim3A_676 = arith.constant 48 : i32
        %broadcast_in_dim3A_677 = vector.broadcast %broadcast_in_dim3A_676 : i32 to vector<16xi32>
        %add3A_678 = arith.addi %and3A_642, %broadcast_in_dim3A_677 : vector<16xi32>
        %gather3A_679 = tpu.vector_load_idx %arg10[%add3A_67, %add3A_678] : memref<160x128xf32, #tpu.memory_space<vmem>>[vector<16xi32>, vector<16xi32>], vector<16xf32>,
        %gather3A_680 = tpu.vector_load_idx %arg11[%add3A_67, %add3A_678] : memref<160x128xf32, #tpu.memory_space<vmem>>[vector<16xi32>, vector<16xi32>], vector<16xf32>,
        %mul3A_681 = arith.mulf %gather3A_679, %gather3A_680 : vector<16xf32>
        %add3A_682 = arith.addf %add3A_632, %mul3A_681 : vector<16xf32>
        %mul3A_683 = arith.mulf %gather3A_679, %gather3A_679 : vector<16xf32>
        %add3A_684 = arith.addf %add3A_634, %mul3A_683 : vector<16xf32>
        %mul3A_685 = arith.mulf %gather3A_680, %gather3A_680 : vector<16xf32>
        %add3A_686 = arith.addf %add3A_636, %mul3A_685 : vector<16xf32>
        %broadcast_in_dim3A_687 = arith.constant 64 : i32
        %broadcast_in_dim3A_688 = vector.broadcast %broadcast_in_dim3A_687 : i32 to vector<16xi32>
        %add3A_689 = arith.addi %and3A_642, %broadcast_in_dim3A_688 : vector<16xi32>
        %gather3A_690 = tpu.vector_load_idx %arg10[%add3A_67, %add3A_689] : memref<160x128xf32, #tpu.memory_space<vmem>>[vector<16xi32>, vector<16xi32>], vector<16xf32>,
        %gather3A_691 = tpu.vector_load_idx %arg11[%add3A_67, %add3A_689] : memref<160x128xf32, #tpu.memory_space<vmem>>[vector<16xi32>, vector<16xi32>], vector<16xf32>,
        %mul3A_692 = arith.mulf %gather3A_690, %gather3A_691 : vector<16xf32>
        %add3A_693 = arith.addf %add3A_649, %mul3A_692 : vector<16xf32>
        %mul3A_694 = arith.mulf %gather3A_690, %gather3A_690 : vector<16xf32>
        %add3A_695 = arith.addf %add3A_651, %mul3A_694 : vector<16xf32>
        %mul3A_696 = arith.mulf %gather3A_691, %gather3A_691 : vector<16xf32>
        %add3A_697 = arith.addf %add3A_653, %mul3A_696 : vector<16xf32>
        %broadcast_in_dim3A_698 = arith.constant 80 : i32
        %broadcast_in_dim3A_699 = vector.broadcast %broadcast_in_dim3A_698 : i32 to vector<16xi32>
        %add3A_700 = arith.addi %and3A_642, %broadcast_in_dim3A_699 : vector<16xi32>
        %gather3A_701 = tpu.vector_load_idx %arg10[%add3A_67, %add3A_700] : memref<160x128xf32, #tpu.memory_space<vmem>>[vector<16xi32>, vector<16xi32>], vector<16xf32>,
        %gather3A_702 = tpu.vector_load_idx %arg11[%add3A_67, %add3A_700] : memref<160x128xf32, #tpu.memory_space<vmem>>[vector<16xi32>, vector<16xi32>], vector<16xf32>,
        %mul3A_703 = arith.mulf %gather3A_701, %gather3A_702 : vector<16xf32>
        %add3A_704 = arith.addf %add3A_660, %mul3A_703 : vector<16xf32>
        %mul3A_705 = arith.mulf %gather3A_701, %gather3A_701 : vector<16xf32>
        %add3A_706 = arith.addf %add3A_662, %mul3A_705 : vector<16xf32>
        %mul3A_707 = arith.mulf %gather3A_702, %gather3A_702 : vector<16xf32>
        %add3A_708 = arith.addf %add3A_664, %mul3A_707 : vector<16xf32>
        %broadcast_in_dim3A_709 = arith.constant 96 : i32
        %broadcast_in_dim3A_710 = vector.broadcast %broadcast_in_dim3A_709 : i32 to vector<16xi32>
        %add3A_711 = arith.addi %and3A_642, %broadcast_in_dim3A_710 : vector<16xi32>
        %gather3A_712 = tpu.vector_load_idx %arg10[%add3A_67, %add3A_711] : memref<160x128xf32, #tpu.memory_space<vmem>>[vector<16xi32>, vector<16xi32>], vector<16xf32>,
        %gather3A_713 = tpu.vector_load_idx %arg11[%add3A_67, %add3A_711] : memref<160x128xf32, #tpu.memory_space<vmem>>[vector<16xi32>, vector<16xi32>], vector<16xf32>,
        %mul3A_714 = arith.mulf %gather3A_712, %gather3A_713 : vector<16xf32>
        %add3A_715 = arith.addf %add3A_671, %mul3A_714 : vector<16xf32>
        %mul3A_716 = arith.mulf %gather3A_712, %gather3A_712 : vector<16xf32>
        %add3A_717 = arith.addf %add3A_673, %mul3A_716 : vector<16xf32>
        %mul3A_718 = arith.mulf %gather3A_713, %gather3A_713 : vector<16xf32>
        %add3A_719 = arith.addf %add3A_675, %mul3A_718 : vector<16xf32>
        %broadcast_in_dim3A_720 = arith.constant 112 : i32
        %broadcast_in_dim3A_721 = vector.broadcast %broadcast_in_dim3A_720 : i32 to vector<16xi32>
        %add3A_722 = arith.addi %and3A_642, %broadcast_in_dim3A_721 : vector<16xi32>
        %gather3A_723 = tpu.vector_load_idx %arg10[%add3A_67, %add3A_722] : memref<160x128xf32, #tpu.memory_space<vmem>>[vector<16xi32>, vector<16xi32>], vector<16xf32>,
        %gather3A_724 = tpu.vector_load_idx %arg11[%add3A_67, %add3A_722] : memref<160x128xf32, #tpu.memory_space<vmem>>[vector<16xi32>, vector<16xi32>], vector<16xf32>,
        %mul3A_725 = arith.mulf %gather3A_723, %gather3A_724 : vector<16xf32>
        %add3A_726 = arith.addf %add3A_682, %mul3A_725 : vector<16xf32>
        %mul3A_727 = arith.mulf %gather3A_723, %gather3A_723 : vector<16xf32>
        %add3A_728 = arith.addf %add3A_684, %mul3A_727 : vector<16xf32>
        %mul3A_729 = arith.mulf %gather3A_724, %gather3A_724 : vector<16xf32>
        %add3A_730 = arith.addf %add3A_686, %mul3A_729 : vector<16xf32>
        %broadcast_in_dim3A_731 = arith.constant 7 : i32
        %broadcast_in_dim3A_732 = vector.broadcast %broadcast_in_dim3A_731 : i32 to vector<16xi32>
        %add3A_733 = arith.addi %iota3A, %broadcast_in_dim3A_732 : vector<16xi32>
        %broadcast_in_dim3A_734 = arith.constant 15 : i32
        %broadcast_in_dim3A_735 = vector.broadcast %broadcast_in_dim3A_734 : i32 to vector<16xi32>
        %and3A_736 = arith.andi %add3A_733, %broadcast_in_dim3A_735 : vector<16xi32>
        %broadcast_in_dim3A_737 = arith.constant 0 : i32
        %broadcast_in_dim3A_738 = vector.broadcast %broadcast_in_dim3A_737 : i32 to vector<16xi32>
        %add3A_739 = arith.addi %and3A_736, %broadcast_in_dim3A_738 : vector<16xi32>
        %gather3A_740 = tpu.vector_load_idx %arg10[%add3A_67, %add3A_739] : memref<160x128xf32, #tpu.memory_space<vmem>>[vector<16xi32>, vector<16xi32>], vector<16xf32>,
        %gather3A_741 = tpu.vector_load_idx %arg11[%add3A_67, %add3A_739] : memref<160x128xf32, #tpu.memory_space<vmem>>[vector<16xi32>, vector<16xi32>], vector<16xf32>,
        %mul3A_742 = arith.mulf %gather3A_740, %gather3A_741 : vector<16xf32>
        %add3A_743 = arith.addf %add3A_693, %mul3A_742 : vector<16xf32>
        %mul3A_744 = arith.mulf %gather3A_740, %gather3A_740 : vector<16xf32>
        %add3A_745 = arith.addf %add3A_695, %mul3A_744 : vector<16xf32>
        %mul3A_746 = arith.mulf %gather3A_741, %gather3A_741 : vector<16xf32>
        %add3A_747 = arith.addf %add3A_697, %mul3A_746 : vector<16xf32>
        %broadcast_in_dim3A_748 = arith.constant 16 : i32
        %broadcast_in_dim3A_749 = vector.broadcast %broadcast_in_dim3A_748 : i32 to vector<16xi32>
        %add3A_750 = arith.addi %and3A_736, %broadcast_in_dim3A_749 : vector<16xi32>
        %gather3A_751 = tpu.vector_load_idx %arg10[%add3A_67, %add3A_750] : memref<160x128xf32, #tpu.memory_space<vmem>>[vector<16xi32>, vector<16xi32>], vector<16xf32>,
        %gather3A_752 = tpu.vector_load_idx %arg11[%add3A_67, %add3A_750] : memref<160x128xf32, #tpu.memory_space<vmem>>[vector<16xi32>, vector<16xi32>], vector<16xf32>,
        %mul3A_753 = arith.mulf %gather3A_751, %gather3A_752 : vector<16xf32>
        %add3A_754 = arith.addf %add3A_704, %mul3A_753 : vector<16xf32>
        %mul3A_755 = arith.mulf %gather3A_751, %gather3A_751 : vector<16xf32>
        %add3A_756 = arith.addf %add3A_706, %mul3A_755 : vector<16xf32>
        %mul3A_757 = arith.mulf %gather3A_752, %gather3A_752 : vector<16xf32>
        %add3A_758 = arith.addf %add3A_708, %mul3A_757 : vector<16xf32>
        %broadcast_in_dim3A_759 = arith.constant 32 : i32
        %broadcast_in_dim3A_760 = vector.broadcast %broadcast_in_dim3A_759 : i32 to vector<16xi32>
        %add3A_761 = arith.addi %and3A_736, %broadcast_in_dim3A_760 : vector<16xi32>
        %gather3A_762 = tpu.vector_load_idx %arg10[%add3A_67, %add3A_761] : memref<160x128xf32, #tpu.memory_space<vmem>>[vector<16xi32>, vector<16xi32>], vector<16xf32>,
        %gather3A_763 = tpu.vector_load_idx %arg11[%add3A_67, %add3A_761] : memref<160x128xf32, #tpu.memory_space<vmem>>[vector<16xi32>, vector<16xi32>], vector<16xf32>,
        %mul3A_764 = arith.mulf %gather3A_762, %gather3A_763 : vector<16xf32>
        %add3A_765 = arith.addf %add3A_715, %mul3A_764 : vector<16xf32>
        %mul3A_766 = arith.mulf %gather3A_762, %gather3A_762 : vector<16xf32>
        %add3A_767 = arith.addf %add3A_717, %mul3A_766 : vector<16xf32>
        %mul3A_768 = arith.mulf %gather3A_763, %gather3A_763 : vector<16xf32>
        %add3A_769 = arith.addf %add3A_719, %mul3A_768 : vector<16xf32>
        %broadcast_in_dim3A_770 = arith.constant 48 : i32
        %broadcast_in_dim3A_771 = vector.broadcast %broadcast_in_dim3A_770 : i32 to vector<16xi32>
        %add3A_772 = arith.addi %and3A_736, %broadcast_in_dim3A_771 : vector<16xi32>
        %gather3A_773 = tpu.vector_load_idx %arg10[%add3A_67, %add3A_772] : memref<160x128xf32, #tpu.memory_space<vmem>>[vector<16xi32>, vector<16xi32>], vector<16xf32>,
        %gather3A_774 = tpu.vector_load_idx %arg11[%add3A_67, %add3A_772] : memref<160x128xf32, #tpu.memory_space<vmem>>[vector<16xi32>, vector<16xi32>], vector<16xf32>,
        %mul3A_775 = arith.mulf %gather3A_773, %gather3A_774 : vector<16xf32>
        %add3A_776 = arith.addf %add3A_726, %mul3A_775 : vector<16xf32>
        %mul3A_777 = arith.mulf %gather3A_773, %gather3A_773 : vector<16xf32>
        %add3A_778 = arith.addf %add3A_728, %mul3A_777 : vector<16xf32>
        %mul3A_779 = arith.mulf %gather3A_774, %gather3A_774 : vector<16xf32>
        %add3A_780 = arith.addf %add3A_730, %mul3A_779 : vector<16xf32>
        %broadcast_in_dim3A_781 = arith.constant 64 : i32
        %broadcast_in_dim3A_782 = vector.broadcast %broadcast_in_dim3A_781 : i32 to vector<16xi32>
        %add3A_783 = arith.addi %and3A_736, %broadcast_in_dim3A_782 : vector<16xi32>
        %gather3A_784 = tpu.vector_load_idx %arg10[%add3A_67, %add3A_783] : memref<160x128xf32, #tpu.memory_space<vmem>>[vector<16xi32>, vector<16xi32>], vector<16xf32>,
        %gather3A_785 = tpu.vector_load_idx %arg11[%add3A_67, %add3A_783] : memref<160x128xf32, #tpu.memory_space<vmem>>[vector<16xi32>, vector<16xi32>], vector<16xf32>,
        %mul3A_786 = arith.mulf %gather3A_784, %gather3A_785 : vector<16xf32>
        %add3A_787 = arith.addf %add3A_743, %mul3A_786 : vector<16xf32>
        %mul3A_788 = arith.mulf %gather3A_784, %gather3A_784 : vector<16xf32>
        %add3A_789 = arith.addf %add3A_745, %mul3A_788 : vector<16xf32>
        %mul3A_790 = arith.mulf %gather3A_785, %gather3A_785 : vector<16xf32>
        %add3A_791 = arith.addf %add3A_747, %mul3A_790 : vector<16xf32>
        %broadcast_in_dim3A_792 = arith.constant 80 : i32
        %broadcast_in_dim3A_793 = vector.broadcast %broadcast_in_dim3A_792 : i32 to vector<16xi32>
        %add3A_794 = arith.addi %and3A_736, %broadcast_in_dim3A_793 : vector<16xi32>
        %gather3A_795 = tpu.vector_load_idx %arg10[%add3A_67, %add3A_794] : memref<160x128xf32, #tpu.memory_space<vmem>>[vector<16xi32>, vector<16xi32>], vector<16xf32>,
        %gather3A_796 = tpu.vector_load_idx %arg11[%add3A_67, %add3A_794] : memref<160x128xf32, #tpu.memory_space<vmem>>[vector<16xi32>, vector<16xi32>], vector<16xf32>,
        %mul3A_797 = arith.mulf %gather3A_795, %gather3A_796 : vector<16xf32>
        %add3A_798 = arith.addf %add3A_754, %mul3A_797 : vector<16xf32>
        %mul3A_799 = arith.mulf %gather3A_795, %gather3A_795 : vector<16xf32>
        %add3A_800 = arith.addf %add3A_756, %mul3A_799 : vector<16xf32>
        %mul3A_801 = arith.mulf %gather3A_796, %gather3A_796 : vector<16xf32>
        %add3A_802 = arith.addf %add3A_758, %mul3A_801 : vector<16xf32>
        %broadcast_in_dim3A_803 = arith.constant 96 : i32
        %broadcast_in_dim3A_804 = vector.broadcast %broadcast_in_dim3A_803 : i32 to vector<16xi32>
        %add3A_805 = arith.addi %and3A_736, %broadcast_in_dim3A_804 : vector<16xi32>
        %gather3A_806 = tpu.vector_load_idx %arg10[%add3A_67, %add3A_805] : memref<160x128xf32, #tpu.memory_space<vmem>>[vector<16xi32>, vector<16xi32>], vector<16xf32>,
        %gather3A_807 = tpu.vector_load_idx %arg11[%add3A_67, %add3A_805] : memref<160x128xf32, #tpu.memory_space<vmem>>[vector<16xi32>, vector<16xi32>], vector<16xf32>,
        %mul3A_808 = arith.mulf %gather3A_806, %gather3A_807 : vector<16xf32>
        %add3A_809 = arith.addf %add3A_765, %mul3A_808 : vector<16xf32>
        %mul3A_810 = arith.mulf %gather3A_806, %gather3A_806 : vector<16xf32>
        %add3A_811 = arith.addf %add3A_767, %mul3A_810 : vector<16xf32>
        %mul3A_812 = arith.mulf %gather3A_807, %gather3A_807 : vector<16xf32>
        %add3A_813 = arith.addf %add3A_769, %mul3A_812 : vector<16xf32>
        %broadcast_in_dim3A_814 = arith.constant 112 : i32
        %broadcast_in_dim3A_815 = vector.broadcast %broadcast_in_dim3A_814 : i32 to vector<16xi32>
        %add3A_816 = arith.addi %and3A_736, %broadcast_in_dim3A_815 : vector<16xi32>
        %gather3A_817 = tpu.vector_load_idx %arg10[%add3A_67, %add3A_816] : memref<160x128xf32, #tpu.memory_space<vmem>>[vector<16xi32>, vector<16xi32>], vector<16xf32>,
        %gather3A_818 = tpu.vector_load_idx %arg11[%add3A_67, %add3A_816] : memref<160x128xf32, #tpu.memory_space<vmem>>[vector<16xi32>, vector<16xi32>], vector<16xf32>,
        %mul3A_819 = arith.mulf %gather3A_817, %gather3A_818 : vector<16xf32>
        %add3A_820 = arith.addf %add3A_776, %mul3A_819 : vector<16xf32>
        %mul3A_821 = arith.mulf %gather3A_817, %gather3A_817 : vector<16xf32>
        %add3A_822 = arith.addf %add3A_778, %mul3A_821 : vector<16xf32>
        %mul3A_823 = arith.mulf %gather3A_818, %gather3A_818 : vector<16xf32>
        %add3A_824 = arith.addf %add3A_780, %mul3A_823 : vector<16xf32>
        %broadcast_in_dim3A_825 = arith.constant 8 : i32
        %broadcast_in_dim3A_826 = vector.broadcast %broadcast_in_dim3A_825 : i32 to vector<16xi32>
        %add3A_827 = arith.addi %iota3A, %broadcast_in_dim3A_826 : vector<16xi32>
        %broadcast_in_dim3A_828 = arith.constant 15 : i32
        %broadcast_in_dim3A_829 = vector.broadcast %broadcast_in_dim3A_828 : i32 to vector<16xi32>
        %and3A_830 = arith.andi %add3A_827, %broadcast_in_dim3A_829 : vector<16xi32>
        %broadcast_in_dim3A_831 = arith.constant 0 : i32
        %broadcast_in_dim3A_832 = vector.broadcast %broadcast_in_dim3A_831 : i32 to vector<16xi32>
        %add3A_833 = arith.addi %and3A_830, %broadcast_in_dim3A_832 : vector<16xi32>
        %gather3A_834 = tpu.vector_load_idx %arg10[%add3A_67, %add3A_833] : memref<160x128xf32, #tpu.memory_space<vmem>>[vector<16xi32>, vector<16xi32>], vector<16xf32>,
        %gather3A_835 = tpu.vector_load_idx %arg11[%add3A_67, %add3A_833] : memref<160x128xf32, #tpu.memory_space<vmem>>[vector<16xi32>, vector<16xi32>], vector<16xf32>,
        %mul3A_836 = arith.mulf %gather3A_834, %gather3A_835 : vector<16xf32>
        %add3A_837 = arith.addf %add3A_787, %mul3A_836 : vector<16xf32>
        %mul3A_838 = arith.mulf %gather3A_834, %gather3A_834 : vector<16xf32>
        %add3A_839 = arith.addf %add3A_789, %mul3A_838 : vector<16xf32>
        %mul3A_840 = arith.mulf %gather3A_835, %gather3A_835 : vector<16xf32>
        %add3A_841 = arith.addf %add3A_791, %mul3A_840 : vector<16xf32>
        %broadcast_in_dim3A_842 = arith.constant 16 : i32
        %broadcast_in_dim3A_843 = vector.broadcast %broadcast_in_dim3A_842 : i32 to vector<16xi32>
        %add3A_844 = arith.addi %and3A_830, %broadcast_in_dim3A_843 : vector<16xi32>
        %gather3A_845 = tpu.vector_load_idx %arg10[%add3A_67, %add3A_844] : memref<160x128xf32, #tpu.memory_space<vmem>>[vector<16xi32>, vector<16xi32>], vector<16xf32>,
        %gather3A_846 = tpu.vector_load_idx %arg11[%add3A_67, %add3A_844] : memref<160x128xf32, #tpu.memory_space<vmem>>[vector<16xi32>, vector<16xi32>], vector<16xf32>,
        %mul3A_847 = arith.mulf %gather3A_845, %gather3A_846 : vector<16xf32>
        %add3A_848 = arith.addf %add3A_798, %mul3A_847 : vector<16xf32>
        %mul3A_849 = arith.mulf %gather3A_845, %gather3A_845 : vector<16xf32>
        %add3A_850 = arith.addf %add3A_800, %mul3A_849 : vector<16xf32>
        %mul3A_851 = arith.mulf %gather3A_846, %gather3A_846 : vector<16xf32>
        %add3A_852 = arith.addf %add3A_802, %mul3A_851 : vector<16xf32>
        %broadcast_in_dim3A_853 = arith.constant 32 : i32
        %broadcast_in_dim3A_854 = vector.broadcast %broadcast_in_dim3A_853 : i32 to vector<16xi32>
        %add3A_855 = arith.addi %and3A_830, %broadcast_in_dim3A_854 : vector<16xi32>
        %gather3A_856 = tpu.vector_load_idx %arg10[%add3A_67, %add3A_855] : memref<160x128xf32, #tpu.memory_space<vmem>>[vector<16xi32>, vector<16xi32>], vector<16xf32>,
        %gather3A_857 = tpu.vector_load_idx %arg11[%add3A_67, %add3A_855] : memref<160x128xf32, #tpu.memory_space<vmem>>[vector<16xi32>, vector<16xi32>], vector<16xf32>,
        %mul3A_858 = arith.mulf %gather3A_856, %gather3A_857 : vector<16xf32>
        %add3A_859 = arith.addf %add3A_809, %mul3A_858 : vector<16xf32>
        %mul3A_860 = arith.mulf %gather3A_856, %gather3A_856 : vector<16xf32>
        %add3A_861 = arith.addf %add3A_811, %mul3A_860 : vector<16xf32>
        %mul3A_862 = arith.mulf %gather3A_857, %gather3A_857 : vector<16xf32>
        %add3A_863 = arith.addf %add3A_813, %mul3A_862 : vector<16xf32>
        %broadcast_in_dim3A_864 = arith.constant 48 : i32
        %broadcast_in_dim3A_865 = vector.broadcast %broadcast_in_dim3A_864 : i32 to vector<16xi32>
        %add3A_866 = arith.addi %and3A_830, %broadcast_in_dim3A_865 : vector<16xi32>
        %gather3A_867 = tpu.vector_load_idx %arg10[%add3A_67, %add3A_866] : memref<160x128xf32, #tpu.memory_space<vmem>>[vector<16xi32>, vector<16xi32>], vector<16xf32>,
        %gather3A_868 = tpu.vector_load_idx %arg11[%add3A_67, %add3A_866] : memref<160x128xf32, #tpu.memory_space<vmem>>[vector<16xi32>, vector<16xi32>], vector<16xf32>,
        %mul3A_869 = arith.mulf %gather3A_867, %gather3A_868 : vector<16xf32>
        %add3A_870 = arith.addf %add3A_820, %mul3A_869 : vector<16xf32>
        %mul3A_871 = arith.mulf %gather3A_867, %gather3A_867 : vector<16xf32>
        %add3A_872 = arith.addf %add3A_822, %mul3A_871 : vector<16xf32>
        %mul3A_873 = arith.mulf %gather3A_868, %gather3A_868 : vector<16xf32>
        %add3A_874 = arith.addf %add3A_824, %mul3A_873 : vector<16xf32>
        %broadcast_in_dim3A_875 = arith.constant 64 : i32
        %broadcast_in_dim3A_876 = vector.broadcast %broadcast_in_dim3A_875 : i32 to vector<16xi32>
        %add3A_877 = arith.addi %and3A_830, %broadcast_in_dim3A_876 : vector<16xi32>
        %gather3A_878 = tpu.vector_load_idx %arg10[%add3A_67, %add3A_877] : memref<160x128xf32, #tpu.memory_space<vmem>>[vector<16xi32>, vector<16xi32>], vector<16xf32>,
        %gather3A_879 = tpu.vector_load_idx %arg11[%add3A_67, %add3A_877] : memref<160x128xf32, #tpu.memory_space<vmem>>[vector<16xi32>, vector<16xi32>], vector<16xf32>,
        %mul3A_880 = arith.mulf %gather3A_878, %gather3A_879 : vector<16xf32>
        %add3A_881 = arith.addf %add3A_837, %mul3A_880 : vector<16xf32>
        %mul3A_882 = arith.mulf %gather3A_878, %gather3A_878 : vector<16xf32>
        %add3A_883 = arith.addf %add3A_839, %mul3A_882 : vector<16xf32>
        %mul3A_884 = arith.mulf %gather3A_879, %gather3A_879 : vector<16xf32>
        %add3A_885 = arith.addf %add3A_841, %mul3A_884 : vector<16xf32>
        %broadcast_in_dim3A_886 = arith.constant 80 : i32
        %broadcast_in_dim3A_887 = vector.broadcast %broadcast_in_dim3A_886 : i32 to vector<16xi32>
        %add3A_888 = arith.addi %and3A_830, %broadcast_in_dim3A_887 : vector<16xi32>
        %gather3A_889 = tpu.vector_load_idx %arg10[%add3A_67, %add3A_888] : memref<160x128xf32, #tpu.memory_space<vmem>>[vector<16xi32>, vector<16xi32>], vector<16xf32>,
        %gather3A_890 = tpu.vector_load_idx %arg11[%add3A_67, %add3A_888] : memref<160x128xf32, #tpu.memory_space<vmem>>[vector<16xi32>, vector<16xi32>], vector<16xf32>,
        %mul3A_891 = arith.mulf %gather3A_889, %gather3A_890 : vector<16xf32>
        %add3A_892 = arith.addf %add3A_848, %mul3A_891 : vector<16xf32>
        %mul3A_893 = arith.mulf %gather3A_889, %gather3A_889 : vector<16xf32>
        %add3A_894 = arith.addf %add3A_850, %mul3A_893 : vector<16xf32>
        %mul3A_895 = arith.mulf %gather3A_890, %gather3A_890 : vector<16xf32>
        %add3A_896 = arith.addf %add3A_852, %mul3A_895 : vector<16xf32>
        %broadcast_in_dim3A_897 = arith.constant 96 : i32
        %broadcast_in_dim3A_898 = vector.broadcast %broadcast_in_dim3A_897 : i32 to vector<16xi32>
        %add3A_899 = arith.addi %and3A_830, %broadcast_in_dim3A_898 : vector<16xi32>
        %gather3A_900 = tpu.vector_load_idx %arg10[%add3A_67, %add3A_899] : memref<160x128xf32, #tpu.memory_space<vmem>>[vector<16xi32>, vector<16xi32>], vector<16xf32>,
        %gather3A_901 = tpu.vector_load_idx %arg11[%add3A_67, %add3A_899] : memref<160x128xf32, #tpu.memory_space<vmem>>[vector<16xi32>, vector<16xi32>], vector<16xf32>,
        %mul3A_902 = arith.mulf %gather3A_900, %gather3A_901 : vector<16xf32>
        %add3A_903 = arith.addf %add3A_859, %mul3A_902 : vector<16xf32>
        %mul3A_904 = arith.mulf %gather3A_900, %gather3A_900 : vector<16xf32>
        %add3A_905 = arith.addf %add3A_861, %mul3A_904 : vector<16xf32>
        %mul3A_906 = arith.mulf %gather3A_901, %gather3A_901 : vector<16xf32>
        %add3A_907 = arith.addf %add3A_863, %mul3A_906 : vector<16xf32>
        %broadcast_in_dim3A_908 = arith.constant 112 : i32
        %broadcast_in_dim3A_909 = vector.broadcast %broadcast_in_dim3A_908 : i32 to vector<16xi32>
        %add3A_910 = arith.addi %and3A_830, %broadcast_in_dim3A_909 : vector<16xi32>
        %gather3A_911 = tpu.vector_load_idx %arg10[%add3A_67, %add3A_910] : memref<160x128xf32, #tpu.memory_space<vmem>>[vector<16xi32>, vector<16xi32>], vector<16xf32>,
        %gather3A_912 = tpu.vector_load_idx %arg11[%add3A_67, %add3A_910] : memref<160x128xf32, #tpu.memory_space<vmem>>[vector<16xi32>, vector<16xi32>], vector<16xf32>,
        %mul3A_913 = arith.mulf %gather3A_911, %gather3A_912 : vector<16xf32>
        %add3A_914 = arith.addf %add3A_870, %mul3A_913 : vector<16xf32>
        %mul3A_915 = arith.mulf %gather3A_911, %gather3A_911 : vector<16xf32>
        %add3A_916 = arith.addf %add3A_872, %mul3A_915 : vector<16xf32>
        %mul3A_917 = arith.mulf %gather3A_912, %gather3A_912 : vector<16xf32>
        %add3A_918 = arith.addf %add3A_874, %mul3A_917 : vector<16xf32>
        %broadcast_in_dim3A_919 = arith.constant 9 : i32
        %broadcast_in_dim3A_920 = vector.broadcast %broadcast_in_dim3A_919 : i32 to vector<16xi32>
        %add3A_921 = arith.addi %iota3A, %broadcast_in_dim3A_920 : vector<16xi32>
        %broadcast_in_dim3A_922 = arith.constant 15 : i32
        %broadcast_in_dim3A_923 = vector.broadcast %broadcast_in_dim3A_922 : i32 to vector<16xi32>
        %and3A_924 = arith.andi %add3A_921, %broadcast_in_dim3A_923 : vector<16xi32>
        %broadcast_in_dim3A_925 = arith.constant 0 : i32
        %broadcast_in_dim3A_926 = vector.broadcast %broadcast_in_dim3A_925 : i32 to vector<16xi32>
        %add3A_927 = arith.addi %and3A_924, %broadcast_in_dim3A_926 : vector<16xi32>
        %gather3A_928 = tpu.vector_load_idx %arg10[%add3A_67, %add3A_927] : memref<160x128xf32, #tpu.memory_space<vmem>>[vector<16xi32>, vector<16xi32>], vector<16xf32>,
        %gather3A_929 = tpu.vector_load_idx %arg11[%add3A_67, %add3A_927] : memref<160x128xf32, #tpu.memory_space<vmem>>[vector<16xi32>, vector<16xi32>], vector<16xf32>,
        %mul3A_930 = arith.mulf %gather3A_928, %gather3A_929 : vector<16xf32>
        %add3A_931 = arith.addf %add3A_881, %mul3A_930 : vector<16xf32>
        %mul3A_932 = arith.mulf %gather3A_928, %gather3A_928 : vector<16xf32>
        %add3A_933 = arith.addf %add3A_883, %mul3A_932 : vector<16xf32>
        %mul3A_934 = arith.mulf %gather3A_929, %gather3A_929 : vector<16xf32>
        %add3A_935 = arith.addf %add3A_885, %mul3A_934 : vector<16xf32>
        %broadcast_in_dim3A_936 = arith.constant 16 : i32
        %broadcast_in_dim3A_937 = vector.broadcast %broadcast_in_dim3A_936 : i32 to vector<16xi32>
        %add3A_938 = arith.addi %and3A_924, %broadcast_in_dim3A_937 : vector<16xi32>
        %gather3A_939 = tpu.vector_load_idx %arg10[%add3A_67, %add3A_938] : memref<160x128xf32, #tpu.memory_space<vmem>>[vector<16xi32>, vector<16xi32>], vector<16xf32>,
        %gather3A_940 = tpu.vector_load_idx %arg11[%add3A_67, %add3A_938] : memref<160x128xf32, #tpu.memory_space<vmem>>[vector<16xi32>, vector<16xi32>], vector<16xf32>,
        %mul3A_941 = arith.mulf %gather3A_939, %gather3A_940 : vector<16xf32>
        %add3A_942 = arith.addf %add3A_892, %mul3A_941 : vector<16xf32>
        %mul3A_943 = arith.mulf %gather3A_939, %gather3A_939 : vector<16xf32>
        %add3A_944 = arith.addf %add3A_894, %mul3A_943 : vector<16xf32>
        %mul3A_945 = arith.mulf %gather3A_940, %gather3A_940 : vector<16xf32>
        %add3A_946 = arith.addf %add3A_896, %mul3A_945 : vector<16xf32>
        %broadcast_in_dim3A_947 = arith.constant 32 : i32
        %broadcast_in_dim3A_948 = vector.broadcast %broadcast_in_dim3A_947 : i32 to vector<16xi32>
        %add3A_949 = arith.addi %and3A_924, %broadcast_in_dim3A_948 : vector<16xi32>
        %gather3A_950 = tpu.vector_load_idx %arg10[%add3A_67, %add3A_949] : memref<160x128xf32, #tpu.memory_space<vmem>>[vector<16xi32>, vector<16xi32>], vector<16xf32>,
        %gather3A_951 = tpu.vector_load_idx %arg11[%add3A_67, %add3A_949] : memref<160x128xf32, #tpu.memory_space<vmem>>[vector<16xi32>, vector<16xi32>], vector<16xf32>,
        %mul3A_952 = arith.mulf %gather3A_950, %gather3A_951 : vector<16xf32>
        %add3A_953 = arith.addf %add3A_903, %mul3A_952 : vector<16xf32>
        %mul3A_954 = arith.mulf %gather3A_950, %gather3A_950 : vector<16xf32>
        %add3A_955 = arith.addf %add3A_905, %mul3A_954 : vector<16xf32>
        %mul3A_956 = arith.mulf %gather3A_951, %gather3A_951 : vector<16xf32>
        %add3A_957 = arith.addf %add3A_907, %mul3A_956 : vector<16xf32>
        %broadcast_in_dim3A_958 = arith.constant 48 : i32
        %broadcast_in_dim3A_959 = vector.broadcast %broadcast_in_dim3A_958 : i32 to vector<16xi32>
        %add3A_960 = arith.addi %and3A_924, %broadcast_in_dim3A_959 : vector<16xi32>
        %gather3A_961 = tpu.vector_load_idx %arg10[%add3A_67, %add3A_960] : memref<160x128xf32, #tpu.memory_space<vmem>>[vector<16xi32>, vector<16xi32>], vector<16xf32>,
        %gather3A_962 = tpu.vector_load_idx %arg11[%add3A_67, %add3A_960] : memref<160x128xf32, #tpu.memory_space<vmem>>[vector<16xi32>, vector<16xi32>], vector<16xf32>,
        %mul3A_963 = arith.mulf %gather3A_961, %gather3A_962 : vector<16xf32>
        %add3A_964 = arith.addf %add3A_914, %mul3A_963 : vector<16xf32>
        %mul3A_965 = arith.mulf %gather3A_961, %gather3A_961 : vector<16xf32>
        %add3A_966 = arith.addf %add3A_916, %mul3A_965 : vector<16xf32>
        %mul3A_967 = arith.mulf %gather3A_962, %gather3A_962 : vector<16xf32>
        %add3A_968 = arith.addf %add3A_918, %mul3A_967 : vector<16xf32>
        %broadcast_in_dim3A_969 = arith.constant 64 : i32
        %broadcast_in_dim3A_970 = vector.broadcast %broadcast_in_dim3A_969 : i32 to vector<16xi32>
        %add3A_971 = arith.addi %and3A_924, %broadcast_in_dim3A_970 : vector<16xi32>
        %gather3A_972 = tpu.vector_load_idx %arg10[%add3A_67, %add3A_971] : memref<160x128xf32, #tpu.memory_space<vmem>>[vector<16xi32>, vector<16xi32>], vector<16xf32>,
        %gather3A_973 = tpu.vector_load_idx %arg11[%add3A_67, %add3A_971] : memref<160x128xf32, #tpu.memory_space<vmem>>[vector<16xi32>, vector<16xi32>], vector<16xf32>,
        %mul3A_974 = arith.mulf %gather3A_972, %gather3A_973 : vector<16xf32>
        %add3A_975 = arith.addf %add3A_931, %mul3A_974 : vector<16xf32>
        %mul3A_976 = arith.mulf %gather3A_972, %gather3A_972 : vector<16xf32>
        %add3A_977 = arith.addf %add3A_933, %mul3A_976 : vector<16xf32>
        %mul3A_978 = arith.mulf %gather3A_973, %gather3A_973 : vector<16xf32>
        %add3A_979 = arith.addf %add3A_935, %mul3A_978 : vector<16xf32>
        %broadcast_in_dim3A_980 = arith.constant 80 : i32
        %broadcast_in_dim3A_981 = vector.broadcast %broadcast_in_dim3A_980 : i32 to vector<16xi32>
        %add3A_982 = arith.addi %and3A_924, %broadcast_in_dim3A_981 : vector<16xi32>
        %gather3A_983 = tpu.vector_load_idx %arg10[%add3A_67, %add3A_982] : memref<160x128xf32, #tpu.memory_space<vmem>>[vector<16xi32>, vector<16xi32>], vector<16xf32>,
        %gather3A_984 = tpu.vector_load_idx %arg11[%add3A_67, %add3A_982] : memref<160x128xf32, #tpu.memory_space<vmem>>[vector<16xi32>, vector<16xi32>], vector<16xf32>,
        %mul3A_985 = arith.mulf %gather3A_983, %gather3A_984 : vector<16xf32>
        %add3A_986 = arith.addf %add3A_942, %mul3A_985 : vector<16xf32>
        %mul3A_987 = arith.mulf %gather3A_983, %gather3A_983 : vector<16xf32>
        %add3A_988 = arith.addf %add3A_944, %mul3A_987 : vector<16xf32>
        %mul3A_989 = arith.mulf %gather3A_984, %gather3A_984 : vector<16xf32>
        %add3A_990 = arith.addf %add3A_946, %mul3A_989 : vector<16xf32>
        %broadcast_in_dim3A_991 = arith.constant 96 : i32
        %broadcast_in_dim3A_992 = vector.broadcast %broadcast_in_dim3A_991 : i32 to vector<16xi32>
        %add3A_993 = arith.addi %and3A_924, %broadcast_in_dim3A_992 : vector<16xi32>
        %gather3A_994 = tpu.vector_load_idx %arg10[%add3A_67, %add3A_993] : memref<160x128xf32, #tpu.memory_space<vmem>>[vector<16xi32>, vector<16xi32>], vector<16xf32>,
        %gather3A_995 = tpu.vector_load_idx %arg11[%add3A_67, %add3A_993] : memref<160x128xf32, #tpu.memory_space<vmem>>[vector<16xi32>, vector<16xi32>], vector<16xf32>,
        %mul3A_996 = arith.mulf %gather3A_994, %gather3A_995 : vector<16xf32>
        %add3A_997 = arith.addf %add3A_953, %mul3A_996 : vector<16xf32>
        %mul3A_998 = arith.mulf %gather3A_994, %gather3A_994 : vector<16xf32>
        %add3A_999 = arith.addf %add3A_955, %mul3A_998 : vector<16xf32>
        %mul3A_1000 = arith.mulf %gather3A_995, %gather3A_995 : vector<16xf32>
        %add3A_1001 = arith.addf %add3A_957, %mul3A_1000 : vector<16xf32>
        %broadcast_in_dim3A_1002 = arith.constant 112 : i32
        %broadcast_in_dim3A_1003 = vector.broadcast %broadcast_in_dim3A_1002 : i32 to vector<16xi32>
        %add3A_1004 = arith.addi %and3A_924, %broadcast_in_dim3A_1003 : vector<16xi32>
        %gather3A_1005 = tpu.vector_load_idx %arg10[%add3A_67, %add3A_1004] : memref<160x128xf32, #tpu.memory_space<vmem>>[vector<16xi32>, vector<16xi32>], vector<16xf32>,
        %gather3A_1006 = tpu.vector_load_idx %arg11[%add3A_67, %add3A_1004] : memref<160x128xf32, #tpu.memory_space<vmem>>[vector<16xi32>, vector<16xi32>], vector<16xf32>,
        %mul3A_1007 = arith.mulf %gather3A_1005, %gather3A_1006 : vector<16xf32>
        %add3A_1008 = arith.addf %add3A_964, %mul3A_1007 : vector<16xf32>
        %mul3A_1009 = arith.mulf %gather3A_1005, %gather3A_1005 : vector<16xf32>
        %add3A_1010 = arith.addf %add3A_966, %mul3A_1009 : vector<16xf32>
        %mul3A_1011 = arith.mulf %gather3A_1006, %gather3A_1006 : vector<16xf32>
        %add3A_1012 = arith.addf %add3A_968, %mul3A_1011 : vector<16xf32>
        %broadcast_in_dim3A_1013 = arith.constant 10 : i32
        %broadcast_in_dim3A_1014 = vector.broadcast %broadcast_in_dim3A_1013 : i32 to vector<16xi32>
        %add3A_1015 = arith.addi %iota3A, %broadcast_in_dim3A_1014 : vector<16xi32>
        %broadcast_in_dim3A_1016 = arith.constant 15 : i32
        %broadcast_in_dim3A_1017 = vector.broadcast %broadcast_in_dim3A_1016 : i32 to vector<16xi32>
        %and3A_1018 = arith.andi %add3A_1015, %broadcast_in_dim3A_1017 : vector<16xi32>
        %broadcast_in_dim3A_1019 = arith.constant 0 : i32
        %broadcast_in_dim3A_1020 = vector.broadcast %broadcast_in_dim3A_1019 : i32 to vector<16xi32>
        %add3A_1021 = arith.addi %and3A_1018, %broadcast_in_dim3A_1020 : vector<16xi32>
        %gather3A_1022 = tpu.vector_load_idx %arg10[%add3A_67, %add3A_1021] : memref<160x128xf32, #tpu.memory_space<vmem>>[vector<16xi32>, vector<16xi32>], vector<16xf32>,
        %gather3A_1023 = tpu.vector_load_idx %arg11[%add3A_67, %add3A_1021] : memref<160x128xf32, #tpu.memory_space<vmem>>[vector<16xi32>, vector<16xi32>], vector<16xf32>,
        %mul3A_1024 = arith.mulf %gather3A_1022, %gather3A_1023 : vector<16xf32>
        %add3A_1025 = arith.addf %add3A_975, %mul3A_1024 : vector<16xf32>
        %mul3A_1026 = arith.mulf %gather3A_1022, %gather3A_1022 : vector<16xf32>
        %add3A_1027 = arith.addf %add3A_977, %mul3A_1026 : vector<16xf32>
        %mul3A_1028 = arith.mulf %gather3A_1023, %gather3A_1023 : vector<16xf32>
        %add3A_1029 = arith.addf %add3A_979, %mul3A_1028 : vector<16xf32>
        %broadcast_in_dim3A_1030 = arith.constant 16 : i32
        %broadcast_in_dim3A_1031 = vector.broadcast %broadcast_in_dim3A_1030 : i32 to vector<16xi32>
        %add3A_1032 = arith.addi %and3A_1018, %broadcast_in_dim3A_1031 : vector<16xi32>
        %gather3A_1033 = tpu.vector_load_idx %arg10[%add3A_67, %add3A_1032] : memref<160x128xf32, #tpu.memory_space<vmem>>[vector<16xi32>, vector<16xi32>], vector<16xf32>,
        %gather3A_1034 = tpu.vector_load_idx %arg11[%add3A_67, %add3A_1032] : memref<160x128xf32, #tpu.memory_space<vmem>>[vector<16xi32>, vector<16xi32>], vector<16xf32>,
        %mul3A_1035 = arith.mulf %gather3A_1033, %gather3A_1034 : vector<16xf32>
        %add3A_1036 = arith.addf %add3A_986, %mul3A_1035 : vector<16xf32>
        %mul3A_1037 = arith.mulf %gather3A_1033, %gather3A_1033 : vector<16xf32>
        %add3A_1038 = arith.addf %add3A_988, %mul3A_1037 : vector<16xf32>
        %mul3A_1039 = arith.mulf %gather3A_1034, %gather3A_1034 : vector<16xf32>
        %add3A_1040 = arith.addf %add3A_990, %mul3A_1039 : vector<16xf32>
        %broadcast_in_dim3A_1041 = arith.constant 32 : i32
        %broadcast_in_dim3A_1042 = vector.broadcast %broadcast_in_dim3A_1041 : i32 to vector<16xi32>
        %add3A_1043 = arith.addi %and3A_1018, %broadcast_in_dim3A_1042 : vector<16xi32>
        %gather3A_1044 = tpu.vector_load_idx %arg10[%add3A_67, %add3A_1043] : memref<160x128xf32, #tpu.memory_space<vmem>>[vector<16xi32>, vector<16xi32>], vector<16xf32>,
        %gather3A_1045 = tpu.vector_load_idx %arg11[%add3A_67, %add3A_1043] : memref<160x128xf32, #tpu.memory_space<vmem>>[vector<16xi32>, vector<16xi32>], vector<16xf32>,
        %mul3A_1046 = arith.mulf %gather3A_1044, %gather3A_1045 : vector<16xf32>
        %add3A_1047 = arith.addf %add3A_997, %mul3A_1046 : vector<16xf32>
        %mul3A_1048 = arith.mulf %gather3A_1044, %gather3A_1044 : vector<16xf32>
        %add3A_1049 = arith.addf %add3A_999, %mul3A_1048 : vector<16xf32>
        %mul3A_1050 = arith.mulf %gather3A_1045, %gather3A_1045 : vector<16xf32>
        %add3A_1051 = arith.addf %add3A_1001, %mul3A_1050 : vector<16xf32>
        %broadcast_in_dim3A_1052 = arith.constant 48 : i32
        %broadcast_in_dim3A_1053 = vector.broadcast %broadcast_in_dim3A_1052 : i32 to vector<16xi32>
        %add3A_1054 = arith.addi %and3A_1018, %broadcast_in_dim3A_1053 : vector<16xi32>
        %gather3A_1055 = tpu.vector_load_idx %arg10[%add3A_67, %add3A_1054] : memref<160x128xf32, #tpu.memory_space<vmem>>[vector<16xi32>, vector<16xi32>], vector<16xf32>,
        %gather3A_1056 = tpu.vector_load_idx %arg11[%add3A_67, %add3A_1054] : memref<160x128xf32, #tpu.memory_space<vmem>>[vector<16xi32>, vector<16xi32>], vector<16xf32>,
        %mul3A_1057 = arith.mulf %gather3A_1055, %gather3A_1056 : vector<16xf32>
        %add3A_1058 = arith.addf %add3A_1008, %mul3A_1057 : vector<16xf32>
        %mul3A_1059 = arith.mulf %gather3A_1055, %gather3A_1055 : vector<16xf32>
        %add3A_1060 = arith.addf %add3A_1010, %mul3A_1059 : vector<16xf32>
        %mul3A_1061 = arith.mulf %gather3A_1056, %gather3A_1056 : vector<16xf32>
        %add3A_1062 = arith.addf %add3A_1012, %mul3A_1061 : vector<16xf32>
        %broadcast_in_dim3A_1063 = arith.constant 64 : i32
        %broadcast_in_dim3A_1064 = vector.broadcast %broadcast_in_dim3A_1063 : i32 to vector<16xi32>
        %add3A_1065 = arith.addi %and3A_1018, %broadcast_in_dim3A_1064 : vector<16xi32>
        %gather3A_1066 = tpu.vector_load_idx %arg10[%add3A_67, %add3A_1065] : memref<160x128xf32, #tpu.memory_space<vmem>>[vector<16xi32>, vector<16xi32>], vector<16xf32>,
        %gather3A_1067 = tpu.vector_load_idx %arg11[%add3A_67, %add3A_1065] : memref<160x128xf32, #tpu.memory_space<vmem>>[vector<16xi32>, vector<16xi32>], vector<16xf32>,
        %mul3A_1068 = arith.mulf %gather3A_1066, %gather3A_1067 : vector<16xf32>
        %add3A_1069 = arith.addf %add3A_1025, %mul3A_1068 : vector<16xf32>
        %mul3A_1070 = arith.mulf %gather3A_1066, %gather3A_1066 : vector<16xf32>
        %add3A_1071 = arith.addf %add3A_1027, %mul3A_1070 : vector<16xf32>
        %mul3A_1072 = arith.mulf %gather3A_1067, %gather3A_1067 : vector<16xf32>
        %add3A_1073 = arith.addf %add3A_1029, %mul3A_1072 : vector<16xf32>
        %broadcast_in_dim3A_1074 = arith.constant 80 : i32
        %broadcast_in_dim3A_1075 = vector.broadcast %broadcast_in_dim3A_1074 : i32 to vector<16xi32>
        %add3A_1076 = arith.addi %and3A_1018, %broadcast_in_dim3A_1075 : vector<16xi32>
        %gather3A_1077 = tpu.vector_load_idx %arg10[%add3A_67, %add3A_1076] : memref<160x128xf32, #tpu.memory_space<vmem>>[vector<16xi32>, vector<16xi32>], vector<16xf32>,
        %gather3A_1078 = tpu.vector_load_idx %arg11[%add3A_67, %add3A_1076] : memref<160x128xf32, #tpu.memory_space<vmem>>[vector<16xi32>, vector<16xi32>], vector<16xf32>,
        %mul3A_1079 = arith.mulf %gather3A_1077, %gather3A_1078 : vector<16xf32>
        %add3A_1080 = arith.addf %add3A_1036, %mul3A_1079 : vector<16xf32>
        %mul3A_1081 = arith.mulf %gather3A_1077, %gather3A_1077 : vector<16xf32>
        %add3A_1082 = arith.addf %add3A_1038, %mul3A_1081 : vector<16xf32>
        %mul3A_1083 = arith.mulf %gather3A_1078, %gather3A_1078 : vector<16xf32>
        %add3A_1084 = arith.addf %add3A_1040, %mul3A_1083 : vector<16xf32>
        %broadcast_in_dim3A_1085 = arith.constant 96 : i32
        %broadcast_in_dim3A_1086 = vector.broadcast %broadcast_in_dim3A_1085 : i32 to vector<16xi32>
        %add3A_1087 = arith.addi %and3A_1018, %broadcast_in_dim3A_1086 : vector<16xi32>
        %gather3A_1088 = tpu.vector_load_idx %arg10[%add3A_67, %add3A_1087] : memref<160x128xf32, #tpu.memory_space<vmem>>[vector<16xi32>, vector<16xi32>], vector<16xf32>,
        %gather3A_1089 = tpu.vector_load_idx %arg11[%add3A_67, %add3A_1087] : memref<160x128xf32, #tpu.memory_space<vmem>>[vector<16xi32>, vector<16xi32>], vector<16xf32>,
        %mul3A_1090 = arith.mulf %gather3A_1088, %gather3A_1089 : vector<16xf32>
        %add3A_1091 = arith.addf %add3A_1047, %mul3A_1090 : vector<16xf32>
        %mul3A_1092 = arith.mulf %gather3A_1088, %gather3A_1088 : vector<16xf32>
        %add3A_1093 = arith.addf %add3A_1049, %mul3A_1092 : vector<16xf32>
        %mul3A_1094 = arith.mulf %gather3A_1089, %gather3A_1089 : vector<16xf32>
        %add3A_1095 = arith.addf %add3A_1051, %mul3A_1094 : vector<16xf32>
        %broadcast_in_dim3A_1096 = arith.constant 112 : i32
        %broadcast_in_dim3A_1097 = vector.broadcast %broadcast_in_dim3A_1096 : i32 to vector<16xi32>
        %add3A_1098 = arith.addi %and3A_1018, %broadcast_in_dim3A_1097 : vector<16xi32>
        %gather3A_1099 = tpu.vector_load_idx %arg10[%add3A_67, %add3A_1098] : memref<160x128xf32, #tpu.memory_space<vmem>>[vector<16xi32>, vector<16xi32>], vector<16xf32>,
        %gather3A_1100 = tpu.vector_load_idx %arg11[%add3A_67, %add3A_1098] : memref<160x128xf32, #tpu.memory_space<vmem>>[vector<16xi32>, vector<16xi32>], vector<16xf32>,
        %mul3A_1101 = arith.mulf %gather3A_1099, %gather3A_1100 : vector<16xf32>
        %add3A_1102 = arith.addf %add3A_1058, %mul3A_1101 : vector<16xf32>
        %mul3A_1103 = arith.mulf %gather3A_1099, %gather3A_1099 : vector<16xf32>
        %add3A_1104 = arith.addf %add3A_1060, %mul3A_1103 : vector<16xf32>
        %mul3A_1105 = arith.mulf %gather3A_1100, %gather3A_1100 : vector<16xf32>
        %add3A_1106 = arith.addf %add3A_1062, %mul3A_1105 : vector<16xf32>
        %broadcast_in_dim3A_1107 = arith.constant 11 : i32
        %broadcast_in_dim3A_1108 = vector.broadcast %broadcast_in_dim3A_1107 : i32 to vector<16xi32>
        %add3A_1109 = arith.addi %iota3A, %broadcast_in_dim3A_1108 : vector<16xi32>
        %broadcast_in_dim3A_1110 = arith.constant 15 : i32
        %broadcast_in_dim3A_1111 = vector.broadcast %broadcast_in_dim3A_1110 : i32 to vector<16xi32>
        %and3A_1112 = arith.andi %add3A_1109, %broadcast_in_dim3A_1111 : vector<16xi32>
        %broadcast_in_dim3A_1113 = arith.constant 0 : i32
        %broadcast_in_dim3A_1114 = vector.broadcast %broadcast_in_dim3A_1113 : i32 to vector<16xi32>
        %add3A_1115 = arith.addi %and3A_1112, %broadcast_in_dim3A_1114 : vector<16xi32>
        %gather3A_1116 = tpu.vector_load_idx %arg10[%add3A_67, %add3A_1115] : memref<160x128xf32, #tpu.memory_space<vmem>>[vector<16xi32>, vector<16xi32>], vector<16xf32>,
        %gather3A_1117 = tpu.vector_load_idx %arg11[%add3A_67, %add3A_1115] : memref<160x128xf32, #tpu.memory_space<vmem>>[vector<16xi32>, vector<16xi32>], vector<16xf32>,
        %mul3A_1118 = arith.mulf %gather3A_1116, %gather3A_1117 : vector<16xf32>
        %add3A_1119 = arith.addf %add3A_1069, %mul3A_1118 : vector<16xf32>
        %mul3A_1120 = arith.mulf %gather3A_1116, %gather3A_1116 : vector<16xf32>
        %add3A_1121 = arith.addf %add3A_1071, %mul3A_1120 : vector<16xf32>
        %mul3A_1122 = arith.mulf %gather3A_1117, %gather3A_1117 : vector<16xf32>
        %add3A_1123 = arith.addf %add3A_1073, %mul3A_1122 : vector<16xf32>
        %broadcast_in_dim3A_1124 = arith.constant 16 : i32
        %broadcast_in_dim3A_1125 = vector.broadcast %broadcast_in_dim3A_1124 : i32 to vector<16xi32>
        %add3A_1126 = arith.addi %and3A_1112, %broadcast_in_dim3A_1125 : vector<16xi32>
        %gather3A_1127 = tpu.vector_load_idx %arg10[%add3A_67, %add3A_1126] : memref<160x128xf32, #tpu.memory_space<vmem>>[vector<16xi32>, vector<16xi32>], vector<16xf32>,
        %gather3A_1128 = tpu.vector_load_idx %arg11[%add3A_67, %add3A_1126] : memref<160x128xf32, #tpu.memory_space<vmem>>[vector<16xi32>, vector<16xi32>], vector<16xf32>,
        %mul3A_1129 = arith.mulf %gather3A_1127, %gather3A_1128 : vector<16xf32>
        %add3A_1130 = arith.addf %add3A_1080, %mul3A_1129 : vector<16xf32>
        %mul3A_1131 = arith.mulf %gather3A_1127, %gather3A_1127 : vector<16xf32>
        %add3A_1132 = arith.addf %add3A_1082, %mul3A_1131 : vector<16xf32>
        %mul3A_1133 = arith.mulf %gather3A_1128, %gather3A_1128 : vector<16xf32>
        %add3A_1134 = arith.addf %add3A_1084, %mul3A_1133 : vector<16xf32>
        %broadcast_in_dim3A_1135 = arith.constant 32 : i32
        %broadcast_in_dim3A_1136 = vector.broadcast %broadcast_in_dim3A_1135 : i32 to vector<16xi32>
        %add3A_1137 = arith.addi %and3A_1112, %broadcast_in_dim3A_1136 : vector<16xi32>
        %gather3A_1138 = tpu.vector_load_idx %arg10[%add3A_67, %add3A_1137] : memref<160x128xf32, #tpu.memory_space<vmem>>[vector<16xi32>, vector<16xi32>], vector<16xf32>,
        %gather3A_1139 = tpu.vector_load_idx %arg11[%add3A_67, %add3A_1137] : memref<160x128xf32, #tpu.memory_space<vmem>>[vector<16xi32>, vector<16xi32>], vector<16xf32>,
        %mul3A_1140 = arith.mulf %gather3A_1138, %gather3A_1139 : vector<16xf32>
        %add3A_1141 = arith.addf %add3A_1091, %mul3A_1140 : vector<16xf32>
        %mul3A_1142 = arith.mulf %gather3A_1138, %gather3A_1138 : vector<16xf32>
        %add3A_1143 = arith.addf %add3A_1093, %mul3A_1142 : vector<16xf32>
        %mul3A_1144 = arith.mulf %gather3A_1139, %gather3A_1139 : vector<16xf32>
        %add3A_1145 = arith.addf %add3A_1095, %mul3A_1144 : vector<16xf32>
        %broadcast_in_dim3A_1146 = arith.constant 48 : i32
        %broadcast_in_dim3A_1147 = vector.broadcast %broadcast_in_dim3A_1146 : i32 to vector<16xi32>
        %add3A_1148 = arith.addi %and3A_1112, %broadcast_in_dim3A_1147 : vector<16xi32>
        %gather3A_1149 = tpu.vector_load_idx %arg10[%add3A_67, %add3A_1148] : memref<160x128xf32, #tpu.memory_space<vmem>>[vector<16xi32>, vector<16xi32>], vector<16xf32>,
        %gather3A_1150 = tpu.vector_load_idx %arg11[%add3A_67, %add3A_1148] : memref<160x128xf32, #tpu.memory_space<vmem>>[vector<16xi32>, vector<16xi32>], vector<16xf32>,
        %mul3A_1151 = arith.mulf %gather3A_1149, %gather3A_1150 : vector<16xf32>
        %add3A_1152 = arith.addf %add3A_1102, %mul3A_1151 : vector<16xf32>
        %mul3A_1153 = arith.mulf %gather3A_1149, %gather3A_1149 : vector<16xf32>
        %add3A_1154 = arith.addf %add3A_1104, %mul3A_1153 : vector<16xf32>
        %mul3A_1155 = arith.mulf %gather3A_1150, %gather3A_1150 : vector<16xf32>
        %add3A_1156 = arith.addf %add3A_1106, %mul3A_1155 : vector<16xf32>
        %broadcast_in_dim3A_1157 = arith.constant 64 : i32
        %broadcast_in_dim3A_1158 = vector.broadcast %broadcast_in_dim3A_1157 : i32 to vector<16xi32>
        %add3A_1159 = arith.addi %and3A_1112, %broadcast_in_dim3A_1158 : vector<16xi32>
        %gather3A_1160 = tpu.vector_load_idx %arg10[%add3A_67, %add3A_1159] : memref<160x128xf32, #tpu.memory_space<vmem>>[vector<16xi32>, vector<16xi32>], vector<16xf32>,
        %gather3A_1161 = tpu.vector_load_idx %arg11[%add3A_67, %add3A_1159] : memref<160x128xf32, #tpu.memory_space<vmem>>[vector<16xi32>, vector<16xi32>], vector<16xf32>,
        %mul3A_1162 = arith.mulf %gather3A_1160, %gather3A_1161 : vector<16xf32>
        %add3A_1163 = arith.addf %add3A_1119, %mul3A_1162 : vector<16xf32>
        %mul3A_1164 = arith.mulf %gather3A_1160, %gather3A_1160 : vector<16xf32>
        %add3A_1165 = arith.addf %add3A_1121, %mul3A_1164 : vector<16xf32>
        %mul3A_1166 = arith.mulf %gather3A_1161, %gather3A_1161 : vector<16xf32>
        %add3A_1167 = arith.addf %add3A_1123, %mul3A_1166 : vector<16xf32>
        %broadcast_in_dim3A_1168 = arith.constant 80 : i32
        %broadcast_in_dim3A_1169 = vector.broadcast %broadcast_in_dim3A_1168 : i32 to vector<16xi32>
        %add3A_1170 = arith.addi %and3A_1112, %broadcast_in_dim3A_1169 : vector<16xi32>
        %gather3A_1171 = tpu.vector_load_idx %arg10[%add3A_67, %add3A_1170] : memref<160x128xf32, #tpu.memory_space<vmem>>[vector<16xi32>, vector<16xi32>], vector<16xf32>,
        %gather3A_1172 = tpu.vector_load_idx %arg11[%add3A_67, %add3A_1170] : memref<160x128xf32, #tpu.memory_space<vmem>>[vector<16xi32>, vector<16xi32>], vector<16xf32>,
        %mul3A_1173 = arith.mulf %gather3A_1171, %gather3A_1172 : vector<16xf32>
        %add3A_1174 = arith.addf %add3A_1130, %mul3A_1173 : vector<16xf32>
        %mul3A_1175 = arith.mulf %gather3A_1171, %gather3A_1171 : vector<16xf32>
        %add3A_1176 = arith.addf %add3A_1132, %mul3A_1175 : vector<16xf32>
        %mul3A_1177 = arith.mulf %gather3A_1172, %gather3A_1172 : vector<16xf32>
        %add3A_1178 = arith.addf %add3A_1134, %mul3A_1177 : vector<16xf32>
        %broadcast_in_dim3A_1179 = arith.constant 96 : i32
        %broadcast_in_dim3A_1180 = vector.broadcast %broadcast_in_dim3A_1179 : i32 to vector<16xi32>
        %add3A_1181 = arith.addi %and3A_1112, %broadcast_in_dim3A_1180 : vector<16xi32>
        %gather3A_1182 = tpu.vector_load_idx %arg10[%add3A_67, %add3A_1181] : memref<160x128xf32, #tpu.memory_space<vmem>>[vector<16xi32>, vector<16xi32>], vector<16xf32>,
        %gather3A_1183 = tpu.vector_load_idx %arg11[%add3A_67, %add3A_1181] : memref<160x128xf32, #tpu.memory_space<vmem>>[vector<16xi32>, vector<16xi32>], vector<16xf32>,
        %mul3A_1184 = arith.mulf %gather3A_1182, %gather3A_1183 : vector<16xf32>
        %add3A_1185 = arith.addf %add3A_1141, %mul3A_1184 : vector<16xf32>
        %mul3A_1186 = arith.mulf %gather3A_1182, %gather3A_1182 : vector<16xf32>
        %add3A_1187 = arith.addf %add3A_1143, %mul3A_1186 : vector<16xf32>
        %mul3A_1188 = arith.mulf %gather3A_1183, %gather3A_1183 : vector<16xf32>
        %add3A_1189 = arith.addf %add3A_1145, %mul3A_1188 : vector<16xf32>
        %broadcast_in_dim3A_1190 = arith.constant 112 : i32
        %broadcast_in_dim3A_1191 = vector.broadcast %broadcast_in_dim3A_1190 : i32 to vector<16xi32>
        %add3A_1192 = arith.addi %and3A_1112, %broadcast_in_dim3A_1191 : vector<16xi32>
        %gather3A_1193 = tpu.vector_load_idx %arg10[%add3A_67, %add3A_1192] : memref<160x128xf32, #tpu.memory_space<vmem>>[vector<16xi32>, vector<16xi32>], vector<16xf32>,
        %gather3A_1194 = tpu.vector_load_idx %arg11[%add3A_67, %add3A_1192] : memref<160x128xf32, #tpu.memory_space<vmem>>[vector<16xi32>, vector<16xi32>], vector<16xf32>,
        %mul3A_1195 = arith.mulf %gather3A_1193, %gather3A_1194 : vector<16xf32>
        %add3A_1196 = arith.addf %add3A_1152, %mul3A_1195 : vector<16xf32>
        %mul3A_1197 = arith.mulf %gather3A_1193, %gather3A_1193 : vector<16xf32>
        %add3A_1198 = arith.addf %add3A_1154, %mul3A_1197 : vector<16xf32>
        %mul3A_1199 = arith.mulf %gather3A_1194, %gather3A_1194 : vector<16xf32>
        %add3A_1200 = arith.addf %add3A_1156, %mul3A_1199 : vector<16xf32>
        %broadcast_in_dim3A_1201 = arith.constant 12 : i32
        %broadcast_in_dim3A_1202 = vector.broadcast %broadcast_in_dim3A_1201 : i32 to vector<16xi32>
        %add3A_1203 = arith.addi %iota3A, %broadcast_in_dim3A_1202 : vector<16xi32>
        %broadcast_in_dim3A_1204 = arith.constant 15 : i32
        %broadcast_in_dim3A_1205 = vector.broadcast %broadcast_in_dim3A_1204 : i32 to vector<16xi32>
        %and3A_1206 = arith.andi %add3A_1203, %broadcast_in_dim3A_1205 : vector<16xi32>
        %broadcast_in_dim3A_1207 = arith.constant 0 : i32
        %broadcast_in_dim3A_1208 = vector.broadcast %broadcast_in_dim3A_1207 : i32 to vector<16xi32>
        %add3A_1209 = arith.addi %and3A_1206, %broadcast_in_dim3A_1208 : vector<16xi32>
        %gather3A_1210 = tpu.vector_load_idx %arg10[%add3A_67, %add3A_1209] : memref<160x128xf32, #tpu.memory_space<vmem>>[vector<16xi32>, vector<16xi32>], vector<16xf32>,
        %gather3A_1211 = tpu.vector_load_idx %arg11[%add3A_67, %add3A_1209] : memref<160x128xf32, #tpu.memory_space<vmem>>[vector<16xi32>, vector<16xi32>], vector<16xf32>,
        %mul3A_1212 = arith.mulf %gather3A_1210, %gather3A_1211 : vector<16xf32>
        %add3A_1213 = arith.addf %add3A_1163, %mul3A_1212 : vector<16xf32>
        %mul3A_1214 = arith.mulf %gather3A_1210, %gather3A_1210 : vector<16xf32>
        %add3A_1215 = arith.addf %add3A_1165, %mul3A_1214 : vector<16xf32>
        %mul3A_1216 = arith.mulf %gather3A_1211, %gather3A_1211 : vector<16xf32>
        %add3A_1217 = arith.addf %add3A_1167, %mul3A_1216 : vector<16xf32>
        %broadcast_in_dim3A_1218 = arith.constant 16 : i32
        %broadcast_in_dim3A_1219 = vector.broadcast %broadcast_in_dim3A_1218 : i32 to vector<16xi32>
        %add3A_1220 = arith.addi %and3A_1206, %broadcast_in_dim3A_1219 : vector<16xi32>
        %gather3A_1221 = tpu.vector_load_idx %arg10[%add3A_67, %add3A_1220] : memref<160x128xf32, #tpu.memory_space<vmem>>[vector<16xi32>, vector<16xi32>], vector<16xf32>,
        %gather3A_1222 = tpu.vector_load_idx %arg11[%add3A_67, %add3A_1220] : memref<160x128xf32, #tpu.memory_space<vmem>>[vector<16xi32>, vector<16xi32>], vector<16xf32>,
        %mul3A_1223 = arith.mulf %gather3A_1221, %gather3A_1222 : vector<16xf32>
        %add3A_1224 = arith.addf %add3A_1174, %mul3A_1223 : vector<16xf32>
        %mul3A_1225 = arith.mulf %gather3A_1221, %gather3A_1221 : vector<16xf32>
        %add3A_1226 = arith.addf %add3A_1176, %mul3A_1225 : vector<16xf32>
        %mul3A_1227 = arith.mulf %gather3A_1222, %gather3A_1222 : vector<16xf32>
        %add3A_1228 = arith.addf %add3A_1178, %mul3A_1227 : vector<16xf32>
        %broadcast_in_dim3A_1229 = arith.constant 32 : i32
        %broadcast_in_dim3A_1230 = vector.broadcast %broadcast_in_dim3A_1229 : i32 to vector<16xi32>
        %add3A_1231 = arith.addi %and3A_1206, %broadcast_in_dim3A_1230 : vector<16xi32>
        %gather3A_1232 = tpu.vector_load_idx %arg10[%add3A_67, %add3A_1231] : memref<160x128xf32, #tpu.memory_space<vmem>>[vector<16xi32>, vector<16xi32>], vector<16xf32>,
        %gather3A_1233 = tpu.vector_load_idx %arg11[%add3A_67, %add3A_1231] : memref<160x128xf32, #tpu.memory_space<vmem>>[vector<16xi32>, vector<16xi32>], vector<16xf32>,
        %mul3A_1234 = arith.mulf %gather3A_1232, %gather3A_1233 : vector<16xf32>
        %add3A_1235 = arith.addf %add3A_1185, %mul3A_1234 : vector<16xf32>
        %mul3A_1236 = arith.mulf %gather3A_1232, %gather3A_1232 : vector<16xf32>
        %add3A_1237 = arith.addf %add3A_1187, %mul3A_1236 : vector<16xf32>
        %mul3A_1238 = arith.mulf %gather3A_1233, %gather3A_1233 : vector<16xf32>
        %add3A_1239 = arith.addf %add3A_1189, %mul3A_1238 : vector<16xf32>
        %broadcast_in_dim3A_1240 = arith.constant 48 : i32
        %broadcast_in_dim3A_1241 = vector.broadcast %broadcast_in_dim3A_1240 : i32 to vector<16xi32>
        %add3A_1242 = arith.addi %and3A_1206, %broadcast_in_dim3A_1241 : vector<16xi32>
        %gather3A_1243 = tpu.vector_load_idx %arg10[%add3A_67, %add3A_1242] : memref<160x128xf32, #tpu.memory_space<vmem>>[vector<16xi32>, vector<16xi32>], vector<16xf32>,
        %gather3A_1244 = tpu.vector_load_idx %arg11[%add3A_67, %add3A_1242] : memref<160x128xf32, #tpu.memory_space<vmem>>[vector<16xi32>, vector<16xi32>], vector<16xf32>,
        %mul3A_1245 = arith.mulf %gather3A_1243, %gather3A_1244 : vector<16xf32>
        %add3A_1246 = arith.addf %add3A_1196, %mul3A_1245 : vector<16xf32>
        %mul3A_1247 = arith.mulf %gather3A_1243, %gather3A_1243 : vector<16xf32>
        %add3A_1248 = arith.addf %add3A_1198, %mul3A_1247 : vector<16xf32>
        %mul3A_1249 = arith.mulf %gather3A_1244, %gather3A_1244 : vector<16xf32>
        %add3A_1250 = arith.addf %add3A_1200, %mul3A_1249 : vector<16xf32>
        %broadcast_in_dim3A_1251 = arith.constant 64 : i32
        %broadcast_in_dim3A_1252 = vector.broadcast %broadcast_in_dim3A_1251 : i32 to vector<16xi32>
        %add3A_1253 = arith.addi %and3A_1206, %broadcast_in_dim3A_1252 : vector<16xi32>
        %gather3A_1254 = tpu.vector_load_idx %arg10[%add3A_67, %add3A_1253] : memref<160x128xf32, #tpu.memory_space<vmem>>[vector<16xi32>, vector<16xi32>], vector<16xf32>,
        %gather3A_1255 = tpu.vector_load_idx %arg11[%add3A_67, %add3A_1253] : memref<160x128xf32, #tpu.memory_space<vmem>>[vector<16xi32>, vector<16xi32>], vector<16xf32>,
        %mul3A_1256 = arith.mulf %gather3A_1254, %gather3A_1255 : vector<16xf32>
        %add3A_1257 = arith.addf %add3A_1213, %mul3A_1256 : vector<16xf32>
        %mul3A_1258 = arith.mulf %gather3A_1254, %gather3A_1254 : vector<16xf32>
        %add3A_1259 = arith.addf %add3A_1215, %mul3A_1258 : vector<16xf32>
        %mul3A_1260 = arith.mulf %gather3A_1255, %gather3A_1255 : vector<16xf32>
        %add3A_1261 = arith.addf %add3A_1217, %mul3A_1260 : vector<16xf32>
        %broadcast_in_dim3A_1262 = arith.constant 80 : i32
        %broadcast_in_dim3A_1263 = vector.broadcast %broadcast_in_dim3A_1262 : i32 to vector<16xi32>
        %add3A_1264 = arith.addi %and3A_1206, %broadcast_in_dim3A_1263 : vector<16xi32>
        %gather3A_1265 = tpu.vector_load_idx %arg10[%add3A_67, %add3A_1264] : memref<160x128xf32, #tpu.memory_space<vmem>>[vector<16xi32>, vector<16xi32>], vector<16xf32>,
        %gather3A_1266 = tpu.vector_load_idx %arg11[%add3A_67, %add3A_1264] : memref<160x128xf32, #tpu.memory_space<vmem>>[vector<16xi32>, vector<16xi32>], vector<16xf32>,
        %mul3A_1267 = arith.mulf %gather3A_1265, %gather3A_1266 : vector<16xf32>
        %add3A_1268 = arith.addf %add3A_1224, %mul3A_1267 : vector<16xf32>
        %mul3A_1269 = arith.mulf %gather3A_1265, %gather3A_1265 : vector<16xf32>
        %add3A_1270 = arith.addf %add3A_1226, %mul3A_1269 : vector<16xf32>
        %mul3A_1271 = arith.mulf %gather3A_1266, %gather3A_1266 : vector<16xf32>
        %add3A_1272 = arith.addf %add3A_1228, %mul3A_1271 : vector<16xf32>
        %broadcast_in_dim3A_1273 = arith.constant 96 : i32
        %broadcast_in_dim3A_1274 = vector.broadcast %broadcast_in_dim3A_1273 : i32 to vector<16xi32>
        %add3A_1275 = arith.addi %and3A_1206, %broadcast_in_dim3A_1274 : vector<16xi32>
        %gather3A_1276 = tpu.vector_load_idx %arg10[%add3A_67, %add3A_1275] : memref<160x128xf32, #tpu.memory_space<vmem>>[vector<16xi32>, vector<16xi32>], vector<16xf32>,
        %gather3A_1277 = tpu.vector_load_idx %arg11[%add3A_67, %add3A_1275] : memref<160x128xf32, #tpu.memory_space<vmem>>[vector<16xi32>, vector<16xi32>], vector<16xf32>,
        %mul3A_1278 = arith.mulf %gather3A_1276, %gather3A_1277 : vector<16xf32>
        %add3A_1279 = arith.addf %add3A_1235, %mul3A_1278 : vector<16xf32>
        %mul3A_1280 = arith.mulf %gather3A_1276, %gather3A_1276 : vector<16xf32>
        %add3A_1281 = arith.addf %add3A_1237, %mul3A_1280 : vector<16xf32>
        %mul3A_1282 = arith.mulf %gather3A_1277, %gather3A_1277 : vector<16xf32>
        %add3A_1283 = arith.addf %add3A_1239, %mul3A_1282 : vector<16xf32>
        %broadcast_in_dim3A_1284 = arith.constant 112 : i32
        %broadcast_in_dim3A_1285 = vector.broadcast %broadcast_in_dim3A_1284 : i32 to vector<16xi32>
        %add3A_1286 = arith.addi %and3A_1206, %broadcast_in_dim3A_1285 : vector<16xi32>
        %gather3A_1287 = tpu.vector_load_idx %arg10[%add3A_67, %add3A_1286] : memref<160x128xf32, #tpu.memory_space<vmem>>[vector<16xi32>, vector<16xi32>], vector<16xf32>,
        %gather3A_1288 = tpu.vector_load_idx %arg11[%add3A_67, %add3A_1286] : memref<160x128xf32, #tpu.memory_space<vmem>>[vector<16xi32>, vector<16xi32>], vector<16xf32>,
        %mul3A_1289 = arith.mulf %gather3A_1287, %gather3A_1288 : vector<16xf32>
        %add3A_1290 = arith.addf %add3A_1246, %mul3A_1289 : vector<16xf32>
        %mul3A_1291 = arith.mulf %gather3A_1287, %gather3A_1287 : vector<16xf32>
        %add3A_1292 = arith.addf %add3A_1248, %mul3A_1291 : vector<16xf32>
        %mul3A_1293 = arith.mulf %gather3A_1288, %gather3A_1288 : vector<16xf32>
        %add3A_1294 = arith.addf %add3A_1250, %mul3A_1293 : vector<16xf32>
        %broadcast_in_dim3A_1295 = arith.constant 13 : i32
        %broadcast_in_dim3A_1296 = vector.broadcast %broadcast_in_dim3A_1295 : i32 to vector<16xi32>
        %add3A_1297 = arith.addi %iota3A, %broadcast_in_dim3A_1296 : vector<16xi32>
        %broadcast_in_dim3A_1298 = arith.constant 15 : i32
        %broadcast_in_dim3A_1299 = vector.broadcast %broadcast_in_dim3A_1298 : i32 to vector<16xi32>
        %and3A_1300 = arith.andi %add3A_1297, %broadcast_in_dim3A_1299 : vector<16xi32>
        %broadcast_in_dim3A_1301 = arith.constant 0 : i32
        %broadcast_in_dim3A_1302 = vector.broadcast %broadcast_in_dim3A_1301 : i32 to vector<16xi32>
        %add3A_1303 = arith.addi %and3A_1300, %broadcast_in_dim3A_1302 : vector<16xi32>
        %gather3A_1304 = tpu.vector_load_idx %arg10[%add3A_67, %add3A_1303] : memref<160x128xf32, #tpu.memory_space<vmem>>[vector<16xi32>, vector<16xi32>], vector<16xf32>,
        %gather3A_1305 = tpu.vector_load_idx %arg11[%add3A_67, %add3A_1303] : memref<160x128xf32, #tpu.memory_space<vmem>>[vector<16xi32>, vector<16xi32>], vector<16xf32>,
        %mul3A_1306 = arith.mulf %gather3A_1304, %gather3A_1305 : vector<16xf32>
        %add3A_1307 = arith.addf %add3A_1257, %mul3A_1306 : vector<16xf32>
        %mul3A_1308 = arith.mulf %gather3A_1304, %gather3A_1304 : vector<16xf32>
        %add3A_1309 = arith.addf %add3A_1259, %mul3A_1308 : vector<16xf32>
        %mul3A_1310 = arith.mulf %gather3A_1305, %gather3A_1305 : vector<16xf32>
        %add3A_1311 = arith.addf %add3A_1261, %mul3A_1310 : vector<16xf32>
        %broadcast_in_dim3A_1312 = arith.constant 16 : i32
        %broadcast_in_dim3A_1313 = vector.broadcast %broadcast_in_dim3A_1312 : i32 to vector<16xi32>
        %add3A_1314 = arith.addi %and3A_1300, %broadcast_in_dim3A_1313 : vector<16xi32>
        %gather3A_1315 = tpu.vector_load_idx %arg10[%add3A_67, %add3A_1314] : memref<160x128xf32, #tpu.memory_space<vmem>>[vector<16xi32>, vector<16xi32>], vector<16xf32>,
        %gather3A_1316 = tpu.vector_load_idx %arg11[%add3A_67, %add3A_1314] : memref<160x128xf32, #tpu.memory_space<vmem>>[vector<16xi32>, vector<16xi32>], vector<16xf32>,
        %mul3A_1317 = arith.mulf %gather3A_1315, %gather3A_1316 : vector<16xf32>
        %add3A_1318 = arith.addf %add3A_1268, %mul3A_1317 : vector<16xf32>
        %mul3A_1319 = arith.mulf %gather3A_1315, %gather3A_1315 : vector<16xf32>
        %add3A_1320 = arith.addf %add3A_1270, %mul3A_1319 : vector<16xf32>
        %mul3A_1321 = arith.mulf %gather3A_1316, %gather3A_1316 : vector<16xf32>
        %add3A_1322 = arith.addf %add3A_1272, %mul3A_1321 : vector<16xf32>
        %broadcast_in_dim3A_1323 = arith.constant 32 : i32
        %broadcast_in_dim3A_1324 = vector.broadcast %broadcast_in_dim3A_1323 : i32 to vector<16xi32>
        %add3A_1325 = arith.addi %and3A_1300, %broadcast_in_dim3A_1324 : vector<16xi32>
        %gather3A_1326 = tpu.vector_load_idx %arg10[%add3A_67, %add3A_1325] : memref<160x128xf32, #tpu.memory_space<vmem>>[vector<16xi32>, vector<16xi32>], vector<16xf32>,
        %gather3A_1327 = tpu.vector_load_idx %arg11[%add3A_67, %add3A_1325] : memref<160x128xf32, #tpu.memory_space<vmem>>[vector<16xi32>, vector<16xi32>], vector<16xf32>,
        %mul3A_1328 = arith.mulf %gather3A_1326, %gather3A_1327 : vector<16xf32>
        %add3A_1329 = arith.addf %add3A_1279, %mul3A_1328 : vector<16xf32>
        %mul3A_1330 = arith.mulf %gather3A_1326, %gather3A_1326 : vector<16xf32>
        %add3A_1331 = arith.addf %add3A_1281, %mul3A_1330 : vector<16xf32>
        %mul3A_1332 = arith.mulf %gather3A_1327, %gather3A_1327 : vector<16xf32>
        %add3A_1333 = arith.addf %add3A_1283, %mul3A_1332 : vector<16xf32>
        %broadcast_in_dim3A_1334 = arith.constant 48 : i32
        %broadcast_in_dim3A_1335 = vector.broadcast %broadcast_in_dim3A_1334 : i32 to vector<16xi32>
        %add3A_1336 = arith.addi %and3A_1300, %broadcast_in_dim3A_1335 : vector<16xi32>
        %gather3A_1337 = tpu.vector_load_idx %arg10[%add3A_67, %add3A_1336] : memref<160x128xf32, #tpu.memory_space<vmem>>[vector<16xi32>, vector<16xi32>], vector<16xf32>,
        %gather3A_1338 = tpu.vector_load_idx %arg11[%add3A_67, %add3A_1336] : memref<160x128xf32, #tpu.memory_space<vmem>>[vector<16xi32>, vector<16xi32>], vector<16xf32>,
        %mul3A_1339 = arith.mulf %gather3A_1337, %gather3A_1338 : vector<16xf32>
        %add3A_1340 = arith.addf %add3A_1290, %mul3A_1339 : vector<16xf32>
        %mul3A_1341 = arith.mulf %gather3A_1337, %gather3A_1337 : vector<16xf32>
        %add3A_1342 = arith.addf %add3A_1292, %mul3A_1341 : vector<16xf32>
        %mul3A_1343 = arith.mulf %gather3A_1338, %gather3A_1338 : vector<16xf32>
        %add3A_1344 = arith.addf %add3A_1294, %mul3A_1343 : vector<16xf32>
        %broadcast_in_dim3A_1345 = arith.constant 64 : i32
        %broadcast_in_dim3A_1346 = vector.broadcast %broadcast_in_dim3A_1345 : i32 to vector<16xi32>
        %add3A_1347 = arith.addi %and3A_1300, %broadcast_in_dim3A_1346 : vector<16xi32>
        %gather3A_1348 = tpu.vector_load_idx %arg10[%add3A_67, %add3A_1347] : memref<160x128xf32, #tpu.memory_space<vmem>>[vector<16xi32>, vector<16xi32>], vector<16xf32>,
        %gather3A_1349 = tpu.vector_load_idx %arg11[%add3A_67, %add3A_1347] : memref<160x128xf32, #tpu.memory_space<vmem>>[vector<16xi32>, vector<16xi32>], vector<16xf32>,
        %mul3A_1350 = arith.mulf %gather3A_1348, %gather3A_1349 : vector<16xf32>
        %add3A_1351 = arith.addf %add3A_1307, %mul3A_1350 : vector<16xf32>
        %mul3A_1352 = arith.mulf %gather3A_1348, %gather3A_1348 : vector<16xf32>
        %add3A_1353 = arith.addf %add3A_1309, %mul3A_1352 : vector<16xf32>
        %mul3A_1354 = arith.mulf %gather3A_1349, %gather3A_1349 : vector<16xf32>
        %add3A_1355 = arith.addf %add3A_1311, %mul3A_1354 : vector<16xf32>
        %broadcast_in_dim3A_1356 = arith.constant 80 : i32
        %broadcast_in_dim3A_1357 = vector.broadcast %broadcast_in_dim3A_1356 : i32 to vector<16xi32>
        %add3A_1358 = arith.addi %and3A_1300, %broadcast_in_dim3A_1357 : vector<16xi32>
        %gather3A_1359 = tpu.vector_load_idx %arg10[%add3A_67, %add3A_1358] : memref<160x128xf32, #tpu.memory_space<vmem>>[vector<16xi32>, vector<16xi32>], vector<16xf32>,
        %gather3A_1360 = tpu.vector_load_idx %arg11[%add3A_67, %add3A_1358] : memref<160x128xf32, #tpu.memory_space<vmem>>[vector<16xi32>, vector<16xi32>], vector<16xf32>,
        %mul3A_1361 = arith.mulf %gather3A_1359, %gather3A_1360 : vector<16xf32>
        %add3A_1362 = arith.addf %add3A_1318, %mul3A_1361 : vector<16xf32>
        %mul3A_1363 = arith.mulf %gather3A_1359, %gather3A_1359 : vector<16xf32>
        %add3A_1364 = arith.addf %add3A_1320, %mul3A_1363 : vector<16xf32>
        %mul3A_1365 = arith.mulf %gather3A_1360, %gather3A_1360 : vector<16xf32>
        %add3A_1366 = arith.addf %add3A_1322, %mul3A_1365 : vector<16xf32>
        %broadcast_in_dim3A_1367 = arith.constant 96 : i32
        %broadcast_in_dim3A_1368 = vector.broadcast %broadcast_in_dim3A_1367 : i32 to vector<16xi32>
        %add3A_1369 = arith.addi %and3A_1300, %broadcast_in_dim3A_1368 : vector<16xi32>
        %gather3A_1370 = tpu.vector_load_idx %arg10[%add3A_67, %add3A_1369] : memref<160x128xf32, #tpu.memory_space<vmem>>[vector<16xi32>, vector<16xi32>], vector<16xf32>,
        %gather3A_1371 = tpu.vector_load_idx %arg11[%add3A_67, %add3A_1369] : memref<160x128xf32, #tpu.memory_space<vmem>>[vector<16xi32>, vector<16xi32>], vector<16xf32>,
        %mul3A_1372 = arith.mulf %gather3A_1370, %gather3A_1371 : vector<16xf32>
        %add3A_1373 = arith.addf %add3A_1329, %mul3A_1372 : vector<16xf32>
        %mul3A_1374 = arith.mulf %gather3A_1370, %gather3A_1370 : vector<16xf32>
        %add3A_1375 = arith.addf %add3A_1331, %mul3A_1374 : vector<16xf32>
        %mul3A_1376 = arith.mulf %gather3A_1371, %gather3A_1371 : vector<16xf32>
        %add3A_1377 = arith.addf %add3A_1333, %mul3A_1376 : vector<16xf32>
        %broadcast_in_dim3A_1378 = arith.constant 112 : i32
        %broadcast_in_dim3A_1379 = vector.broadcast %broadcast_in_dim3A_1378 : i32 to vector<16xi32>
        %add3A_1380 = arith.addi %and3A_1300, %broadcast_in_dim3A_1379 : vector<16xi32>
        %gather3A_1381 = tpu.vector_load_idx %arg10[%add3A_67, %add3A_1380] : memref<160x128xf32, #tpu.memory_space<vmem>>[vector<16xi32>, vector<16xi32>], vector<16xf32>,
        %gather3A_1382 = tpu.vector_load_idx %arg11[%add3A_67, %add3A_1380] : memref<160x128xf32, #tpu.memory_space<vmem>>[vector<16xi32>, vector<16xi32>], vector<16xf32>,
        %mul3A_1383 = arith.mulf %gather3A_1381, %gather3A_1382 : vector<16xf32>
        %add3A_1384 = arith.addf %add3A_1340, %mul3A_1383 : vector<16xf32>
        %mul3A_1385 = arith.mulf %gather3A_1381, %gather3A_1381 : vector<16xf32>
        %add3A_1386 = arith.addf %add3A_1342, %mul3A_1385 : vector<16xf32>
        %mul3A_1387 = arith.mulf %gather3A_1382, %gather3A_1382 : vector<16xf32>
        %add3A_1388 = arith.addf %add3A_1344, %mul3A_1387 : vector<16xf32>
        %broadcast_in_dim3A_1389 = arith.constant 14 : i32
        %broadcast_in_dim3A_1390 = vector.broadcast %broadcast_in_dim3A_1389 : i32 to vector<16xi32>
        %add3A_1391 = arith.addi %iota3A, %broadcast_in_dim3A_1390 : vector<16xi32>
        %broadcast_in_dim3A_1392 = arith.constant 15 : i32
        %broadcast_in_dim3A_1393 = vector.broadcast %broadcast_in_dim3A_1392 : i32 to vector<16xi32>
        %and3A_1394 = arith.andi %add3A_1391, %broadcast_in_dim3A_1393 : vector<16xi32>
        %broadcast_in_dim3A_1395 = arith.constant 0 : i32
        %broadcast_in_dim3A_1396 = vector.broadcast %broadcast_in_dim3A_1395 : i32 to vector<16xi32>
        %add3A_1397 = arith.addi %and3A_1394, %broadcast_in_dim3A_1396 : vector<16xi32>
        %gather3A_1398 = tpu.vector_load_idx %arg10[%add3A_67, %add3A_1397] : memref<160x128xf32, #tpu.memory_space<vmem>>[vector<16xi32>, vector<16xi32>], vector<16xf32>,
        %gather3A_1399 = tpu.vector_load_idx %arg11[%add3A_67, %add3A_1397] : memref<160x128xf32, #tpu.memory_space<vmem>>[vector<16xi32>, vector<16xi32>], vector<16xf32>,
        %mul3A_1400 = arith.mulf %gather3A_1398, %gather3A_1399 : vector<16xf32>
        %add3A_1401 = arith.addf %add3A_1351, %mul3A_1400 : vector<16xf32>
        %mul3A_1402 = arith.mulf %gather3A_1398, %gather3A_1398 : vector<16xf32>
        %add3A_1403 = arith.addf %add3A_1353, %mul3A_1402 : vector<16xf32>
        %mul3A_1404 = arith.mulf %gather3A_1399, %gather3A_1399 : vector<16xf32>
        %add3A_1405 = arith.addf %add3A_1355, %mul3A_1404 : vector<16xf32>
        %broadcast_in_dim3A_1406 = arith.constant 16 : i32
        %broadcast_in_dim3A_1407 = vector.broadcast %broadcast_in_dim3A_1406 : i32 to vector<16xi32>
        %add3A_1408 = arith.addi %and3A_1394, %broadcast_in_dim3A_1407 : vector<16xi32>
        %gather3A_1409 = tpu.vector_load_idx %arg10[%add3A_67, %add3A_1408] : memref<160x128xf32, #tpu.memory_space<vmem>>[vector<16xi32>, vector<16xi32>], vector<16xf32>,
        %gather3A_1410 = tpu.vector_load_idx %arg11[%add3A_67, %add3A_1408] : memref<160x128xf32, #tpu.memory_space<vmem>>[vector<16xi32>, vector<16xi32>], vector<16xf32>,
        %mul3A_1411 = arith.mulf %gather3A_1409, %gather3A_1410 : vector<16xf32>
        %add3A_1412 = arith.addf %add3A_1362, %mul3A_1411 : vector<16xf32>
        %mul3A_1413 = arith.mulf %gather3A_1409, %gather3A_1409 : vector<16xf32>
        %add3A_1414 = arith.addf %add3A_1364, %mul3A_1413 : vector<16xf32>
        %mul3A_1415 = arith.mulf %gather3A_1410, %gather3A_1410 : vector<16xf32>
        %add3A_1416 = arith.addf %add3A_1366, %mul3A_1415 : vector<16xf32>
        %broadcast_in_dim3A_1417 = arith.constant 32 : i32
        %broadcast_in_dim3A_1418 = vector.broadcast %broadcast_in_dim3A_1417 : i32 to vector<16xi32>
        %add3A_1419 = arith.addi %and3A_1394, %broadcast_in_dim3A_1418 : vector<16xi32>
        %gather3A_1420 = tpu.vector_load_idx %arg10[%add3A_67, %add3A_1419] : memref<160x128xf32, #tpu.memory_space<vmem>>[vector<16xi32>, vector<16xi32>], vector<16xf32>,
        %gather3A_1421 = tpu.vector_load_idx %arg11[%add3A_67, %add3A_1419] : memref<160x128xf32, #tpu.memory_space<vmem>>[vector<16xi32>, vector<16xi32>], vector<16xf32>,
        %mul3A_1422 = arith.mulf %gather3A_1420, %gather3A_1421 : vector<16xf32>
        %add3A_1423 = arith.addf %add3A_1373, %mul3A_1422 : vector<16xf32>
        %mul3A_1424 = arith.mulf %gather3A_1420, %gather3A_1420 : vector<16xf32>
        %add3A_1425 = arith.addf %add3A_1375, %mul3A_1424 : vector<16xf32>
        %mul3A_1426 = arith.mulf %gather3A_1421, %gather3A_1421 : vector<16xf32>
        %add3A_1427 = arith.addf %add3A_1377, %mul3A_1426 : vector<16xf32>
        %broadcast_in_dim3A_1428 = arith.constant 48 : i32
        %broadcast_in_dim3A_1429 = vector.broadcast %broadcast_in_dim3A_1428 : i32 to vector<16xi32>
        %add3A_1430 = arith.addi %and3A_1394, %broadcast_in_dim3A_1429 : vector<16xi32>
        %gather3A_1431 = tpu.vector_load_idx %arg10[%add3A_67, %add3A_1430] : memref<160x128xf32, #tpu.memory_space<vmem>>[vector<16xi32>, vector<16xi32>], vector<16xf32>,
        %gather3A_1432 = tpu.vector_load_idx %arg11[%add3A_67, %add3A_1430] : memref<160x128xf32, #tpu.memory_space<vmem>>[vector<16xi32>, vector<16xi32>], vector<16xf32>,
        %mul3A_1433 = arith.mulf %gather3A_1431, %gather3A_1432 : vector<16xf32>
        %add3A_1434 = arith.addf %add3A_1384, %mul3A_1433 : vector<16xf32>
        %mul3A_1435 = arith.mulf %gather3A_1431, %gather3A_1431 : vector<16xf32>
        %add3A_1436 = arith.addf %add3A_1386, %mul3A_1435 : vector<16xf32>
        %mul3A_1437 = arith.mulf %gather3A_1432, %gather3A_1432 : vector<16xf32>
        %add3A_1438 = arith.addf %add3A_1388, %mul3A_1437 : vector<16xf32>
        %broadcast_in_dim3A_1439 = arith.constant 64 : i32
        %broadcast_in_dim3A_1440 = vector.broadcast %broadcast_in_dim3A_1439 : i32 to vector<16xi32>
        %add3A_1441 = arith.addi %and3A_1394, %broadcast_in_dim3A_1440 : vector<16xi32>
        %gather3A_1442 = tpu.vector_load_idx %arg10[%add3A_67, %add3A_1441] : memref<160x128xf32, #tpu.memory_space<vmem>>[vector<16xi32>, vector<16xi32>], vector<16xf32>,
        %gather3A_1443 = tpu.vector_load_idx %arg11[%add3A_67, %add3A_1441] : memref<160x128xf32, #tpu.memory_space<vmem>>[vector<16xi32>, vector<16xi32>], vector<16xf32>,
        %mul3A_1444 = arith.mulf %gather3A_1442, %gather3A_1443 : vector<16xf32>
        %add3A_1445 = arith.addf %add3A_1401, %mul3A_1444 : vector<16xf32>
        %mul3A_1446 = arith.mulf %gather3A_1442, %gather3A_1442 : vector<16xf32>
        %add3A_1447 = arith.addf %add3A_1403, %mul3A_1446 : vector<16xf32>
        %mul3A_1448 = arith.mulf %gather3A_1443, %gather3A_1443 : vector<16xf32>
        %add3A_1449 = arith.addf %add3A_1405, %mul3A_1448 : vector<16xf32>
        %broadcast_in_dim3A_1450 = arith.constant 80 : i32
        %broadcast_in_dim3A_1451 = vector.broadcast %broadcast_in_dim3A_1450 : i32 to vector<16xi32>
        %add3A_1452 = arith.addi %and3A_1394, %broadcast_in_dim3A_1451 : vector<16xi32>
        %gather3A_1453 = tpu.vector_load_idx %arg10[%add3A_67, %add3A_1452] : memref<160x128xf32, #tpu.memory_space<vmem>>[vector<16xi32>, vector<16xi32>], vector<16xf32>,
        %gather3A_1454 = tpu.vector_load_idx %arg11[%add3A_67, %add3A_1452] : memref<160x128xf32, #tpu.memory_space<vmem>>[vector<16xi32>, vector<16xi32>], vector<16xf32>,
        %mul3A_1455 = arith.mulf %gather3A_1453, %gather3A_1454 : vector<16xf32>
        %add3A_1456 = arith.addf %add3A_1412, %mul3A_1455 : vector<16xf32>
        %mul3A_1457 = arith.mulf %gather3A_1453, %gather3A_1453 : vector<16xf32>
        %add3A_1458 = arith.addf %add3A_1414, %mul3A_1457 : vector<16xf32>
        %mul3A_1459 = arith.mulf %gather3A_1454, %gather3A_1454 : vector<16xf32>
        %add3A_1460 = arith.addf %add3A_1416, %mul3A_1459 : vector<16xf32>
        %broadcast_in_dim3A_1461 = arith.constant 96 : i32
        %broadcast_in_dim3A_1462 = vector.broadcast %broadcast_in_dim3A_1461 : i32 to vector<16xi32>
        %add3A_1463 = arith.addi %and3A_1394, %broadcast_in_dim3A_1462 : vector<16xi32>
        %gather3A_1464 = tpu.vector_load_idx %arg10[%add3A_67, %add3A_1463] : memref<160x128xf32, #tpu.memory_space<vmem>>[vector<16xi32>, vector<16xi32>], vector<16xf32>,
        %gather3A_1465 = tpu.vector_load_idx %arg11[%add3A_67, %add3A_1463] : memref<160x128xf32, #tpu.memory_space<vmem>>[vector<16xi32>, vector<16xi32>], vector<16xf32>,
        %mul3A_1466 = arith.mulf %gather3A_1464, %gather3A_1465 : vector<16xf32>
        %add3A_1467 = arith.addf %add3A_1423, %mul3A_1466 : vector<16xf32>
        %mul3A_1468 = arith.mulf %gather3A_1464, %gather3A_1464 : vector<16xf32>
        %add3A_1469 = arith.addf %add3A_1425, %mul3A_1468 : vector<16xf32>
        %mul3A_1470 = arith.mulf %gather3A_1465, %gather3A_1465 : vector<16xf32>
        %add3A_1471 = arith.addf %add3A_1427, %mul3A_1470 : vector<16xf32>
        %broadcast_in_dim3A_1472 = arith.constant 112 : i32
        %broadcast_in_dim3A_1473 = vector.broadcast %broadcast_in_dim3A_1472 : i32 to vector<16xi32>
        %add3A_1474 = arith.addi %and3A_1394, %broadcast_in_dim3A_1473 : vector<16xi32>
        %gather3A_1475 = tpu.vector_load_idx %arg10[%add3A_67, %add3A_1474] : memref<160x128xf32, #tpu.memory_space<vmem>>[vector<16xi32>, vector<16xi32>], vector<16xf32>,
        %gather3A_1476 = tpu.vector_load_idx %arg11[%add3A_67, %add3A_1474] : memref<160x128xf32, #tpu.memory_space<vmem>>[vector<16xi32>, vector<16xi32>], vector<16xf32>,
        %mul3A_1477 = arith.mulf %gather3A_1475, %gather3A_1476 : vector<16xf32>
        %add3A_1478 = arith.addf %add3A_1434, %mul3A_1477 : vector<16xf32>
        %mul3A_1479 = arith.mulf %gather3A_1475, %gather3A_1475 : vector<16xf32>
        %add3A_1480 = arith.addf %add3A_1436, %mul3A_1479 : vector<16xf32>
        %mul3A_1481 = arith.mulf %gather3A_1476, %gather3A_1476 : vector<16xf32>
        %add3A_1482 = arith.addf %add3A_1438, %mul3A_1481 : vector<16xf32>
        %broadcast_in_dim3A_1483 = arith.constant 15 : i32
        %broadcast_in_dim3A_1484 = vector.broadcast %broadcast_in_dim3A_1483 : i32 to vector<16xi32>
        %add3A_1485 = arith.addi %iota3A, %broadcast_in_dim3A_1484 : vector<16xi32>
        %broadcast_in_dim3A_1486 = arith.constant 15 : i32
        %broadcast_in_dim3A_1487 = vector.broadcast %broadcast_in_dim3A_1486 : i32 to vector<16xi32>
        %and3A_1488 = arith.andi %add3A_1485, %broadcast_in_dim3A_1487 : vector<16xi32>
        %broadcast_in_dim3A_1489 = arith.constant 0 : i32
        %broadcast_in_dim3A_1490 = vector.broadcast %broadcast_in_dim3A_1489 : i32 to vector<16xi32>
        %add3A_1491 = arith.addi %and3A_1488, %broadcast_in_dim3A_1490 : vector<16xi32>
        %gather3A_1492 = tpu.vector_load_idx %arg10[%add3A_67, %add3A_1491] : memref<160x128xf32, #tpu.memory_space<vmem>>[vector<16xi32>, vector<16xi32>], vector<16xf32>,
        %gather3A_1493 = tpu.vector_load_idx %arg11[%add3A_67, %add3A_1491] : memref<160x128xf32, #tpu.memory_space<vmem>>[vector<16xi32>, vector<16xi32>], vector<16xf32>,
        %mul3A_1494 = arith.mulf %gather3A_1492, %gather3A_1493 : vector<16xf32>
        %add3A_1495 = arith.addf %add3A_1445, %mul3A_1494 : vector<16xf32>
        %mul3A_1496 = arith.mulf %gather3A_1492, %gather3A_1492 : vector<16xf32>
        %add3A_1497 = arith.addf %add3A_1447, %mul3A_1496 : vector<16xf32>
        %mul3A_1498 = arith.mulf %gather3A_1493, %gather3A_1493 : vector<16xf32>
        %add3A_1499 = arith.addf %add3A_1449, %mul3A_1498 : vector<16xf32>
        %broadcast_in_dim3A_1500 = arith.constant 16 : i32
        %broadcast_in_dim3A_1501 = vector.broadcast %broadcast_in_dim3A_1500 : i32 to vector<16xi32>
        %add3A_1502 = arith.addi %and3A_1488, %broadcast_in_dim3A_1501 : vector<16xi32>
        %gather3A_1503 = tpu.vector_load_idx %arg10[%add3A_67, %add3A_1502] : memref<160x128xf32, #tpu.memory_space<vmem>>[vector<16xi32>, vector<16xi32>], vector<16xf32>,
        %gather3A_1504 = tpu.vector_load_idx %arg11[%add3A_67, %add3A_1502] : memref<160x128xf32, #tpu.memory_space<vmem>>[vector<16xi32>, vector<16xi32>], vector<16xf32>,
        %mul3A_1505 = arith.mulf %gather3A_1503, %gather3A_1504 : vector<16xf32>
        %add3A_1506 = arith.addf %add3A_1456, %mul3A_1505 : vector<16xf32>
        %mul3A_1507 = arith.mulf %gather3A_1503, %gather3A_1503 : vector<16xf32>
        %add3A_1508 = arith.addf %add3A_1458, %mul3A_1507 : vector<16xf32>
        %mul3A_1509 = arith.mulf %gather3A_1504, %gather3A_1504 : vector<16xf32>
        %add3A_1510 = arith.addf %add3A_1460, %mul3A_1509 : vector<16xf32>
        %broadcast_in_dim3A_1511 = arith.constant 32 : i32
        %broadcast_in_dim3A_1512 = vector.broadcast %broadcast_in_dim3A_1511 : i32 to vector<16xi32>
        %add3A_1513 = arith.addi %and3A_1488, %broadcast_in_dim3A_1512 : vector<16xi32>
        %gather3A_1514 = tpu.vector_load_idx %arg10[%add3A_67, %add3A_1513] : memref<160x128xf32, #tpu.memory_space<vmem>>[vector<16xi32>, vector<16xi32>], vector<16xf32>,
        %gather3A_1515 = tpu.vector_load_idx %arg11[%add3A_67, %add3A_1513] : memref<160x128xf32, #tpu.memory_space<vmem>>[vector<16xi32>, vector<16xi32>], vector<16xf32>,
        %mul3A_1516 = arith.mulf %gather3A_1514, %gather3A_1515 : vector<16xf32>
        %add3A_1517 = arith.addf %add3A_1467, %mul3A_1516 : vector<16xf32>
        %mul3A_1518 = arith.mulf %gather3A_1514, %gather3A_1514 : vector<16xf32>
        %add3A_1519 = arith.addf %add3A_1469, %mul3A_1518 : vector<16xf32>
        %mul3A_1520 = arith.mulf %gather3A_1515, %gather3A_1515 : vector<16xf32>
        %add3A_1521 = arith.addf %add3A_1471, %mul3A_1520 : vector<16xf32>
        %broadcast_in_dim3A_1522 = arith.constant 48 : i32
        %broadcast_in_dim3A_1523 = vector.broadcast %broadcast_in_dim3A_1522 : i32 to vector<16xi32>
        %add3A_1524 = arith.addi %and3A_1488, %broadcast_in_dim3A_1523 : vector<16xi32>
        %gather3A_1525 = tpu.vector_load_idx %arg10[%add3A_67, %add3A_1524] : memref<160x128xf32, #tpu.memory_space<vmem>>[vector<16xi32>, vector<16xi32>], vector<16xf32>,
        %gather3A_1526 = tpu.vector_load_idx %arg11[%add3A_67, %add3A_1524] : memref<160x128xf32, #tpu.memory_space<vmem>>[vector<16xi32>, vector<16xi32>], vector<16xf32>,
        %mul3A_1527 = arith.mulf %gather3A_1525, %gather3A_1526 : vector<16xf32>
        %add3A_1528 = arith.addf %add3A_1478, %mul3A_1527 : vector<16xf32>
        %mul3A_1529 = arith.mulf %gather3A_1525, %gather3A_1525 : vector<16xf32>
        %add3A_1530 = arith.addf %add3A_1480, %mul3A_1529 : vector<16xf32>
        %mul3A_1531 = arith.mulf %gather3A_1526, %gather3A_1526 : vector<16xf32>
        %add3A_1532 = arith.addf %add3A_1482, %mul3A_1531 : vector<16xf32>
        %broadcast_in_dim3A_1533 = arith.constant 64 : i32
        %broadcast_in_dim3A_1534 = vector.broadcast %broadcast_in_dim3A_1533 : i32 to vector<16xi32>
        %add3A_1535 = arith.addi %and3A_1488, %broadcast_in_dim3A_1534 : vector<16xi32>
        %gather3A_1536 = tpu.vector_load_idx %arg10[%add3A_67, %add3A_1535] : memref<160x128xf32, #tpu.memory_space<vmem>>[vector<16xi32>, vector<16xi32>], vector<16xf32>,
        %gather3A_1537 = tpu.vector_load_idx %arg11[%add3A_67, %add3A_1535] : memref<160x128xf32, #tpu.memory_space<vmem>>[vector<16xi32>, vector<16xi32>], vector<16xf32>,
        %mul3A_1538 = arith.mulf %gather3A_1536, %gather3A_1537 : vector<16xf32>
        %add3A_1539 = arith.addf %add3A_1495, %mul3A_1538 : vector<16xf32>
        %mul3A_1540 = arith.mulf %gather3A_1536, %gather3A_1536 : vector<16xf32>
        %add3A_1541 = arith.addf %add3A_1497, %mul3A_1540 : vector<16xf32>
        %mul3A_1542 = arith.mulf %gather3A_1537, %gather3A_1537 : vector<16xf32>
        %add3A_1543 = arith.addf %add3A_1499, %mul3A_1542 : vector<16xf32>
        %broadcast_in_dim3A_1544 = arith.constant 80 : i32
        %broadcast_in_dim3A_1545 = vector.broadcast %broadcast_in_dim3A_1544 : i32 to vector<16xi32>
        %add3A_1546 = arith.addi %and3A_1488, %broadcast_in_dim3A_1545 : vector<16xi32>
        %gather3A_1547 = tpu.vector_load_idx %arg10[%add3A_67, %add3A_1546] : memref<160x128xf32, #tpu.memory_space<vmem>>[vector<16xi32>, vector<16xi32>], vector<16xf32>,
        %gather3A_1548 = tpu.vector_load_idx %arg11[%add3A_67, %add3A_1546] : memref<160x128xf32, #tpu.memory_space<vmem>>[vector<16xi32>, vector<16xi32>], vector<16xf32>,
        %mul3A_1549 = arith.mulf %gather3A_1547, %gather3A_1548 : vector<16xf32>
        %add3A_1550 = arith.addf %add3A_1506, %mul3A_1549 : vector<16xf32>
        %mul3A_1551 = arith.mulf %gather3A_1547, %gather3A_1547 : vector<16xf32>
        %add3A_1552 = arith.addf %add3A_1508, %mul3A_1551 : vector<16xf32>
        %mul3A_1553 = arith.mulf %gather3A_1548, %gather3A_1548 : vector<16xf32>
        %add3A_1554 = arith.addf %add3A_1510, %mul3A_1553 : vector<16xf32>
        %broadcast_in_dim3A_1555 = arith.constant 96 : i32
        %broadcast_in_dim3A_1556 = vector.broadcast %broadcast_in_dim3A_1555 : i32 to vector<16xi32>
        %add3A_1557 = arith.addi %and3A_1488, %broadcast_in_dim3A_1556 : vector<16xi32>
        %gather3A_1558 = tpu.vector_load_idx %arg10[%add3A_67, %add3A_1557] : memref<160x128xf32, #tpu.memory_space<vmem>>[vector<16xi32>, vector<16xi32>], vector<16xf32>,
        %gather3A_1559 = tpu.vector_load_idx %arg11[%add3A_67, %add3A_1557] : memref<160x128xf32, #tpu.memory_space<vmem>>[vector<16xi32>, vector<16xi32>], vector<16xf32>,
        %mul3A_1560 = arith.mulf %gather3A_1558, %gather3A_1559 : vector<16xf32>
        %add3A_1561 = arith.addf %add3A_1517, %mul3A_1560 : vector<16xf32>
        %mul3A_1562 = arith.mulf %gather3A_1558, %gather3A_1558 : vector<16xf32>
        %add3A_1563 = arith.addf %add3A_1519, %mul3A_1562 : vector<16xf32>
        %mul3A_1564 = arith.mulf %gather3A_1559, %gather3A_1559 : vector<16xf32>
        %add3A_1565 = arith.addf %add3A_1521, %mul3A_1564 : vector<16xf32>
        %broadcast_in_dim3A_1566 = arith.constant 112 : i32
        %broadcast_in_dim3A_1567 = vector.broadcast %broadcast_in_dim3A_1566 : i32 to vector<16xi32>
        %add3A_1568 = arith.addi %and3A_1488, %broadcast_in_dim3A_1567 : vector<16xi32>
        %gather3A_1569 = tpu.vector_load_idx %arg10[%add3A_67, %add3A_1568] : memref<160x128xf32, #tpu.memory_space<vmem>>[vector<16xi32>, vector<16xi32>], vector<16xf32>,
        %gather3A_1570 = tpu.vector_load_idx %arg11[%add3A_67, %add3A_1568] : memref<160x128xf32, #tpu.memory_space<vmem>>[vector<16xi32>, vector<16xi32>], vector<16xf32>,
        %mul3A_1571 = arith.mulf %gather3A_1569, %gather3A_1570 : vector<16xf32>
        %add3A_1572 = arith.addf %add3A_1528, %mul3A_1571 : vector<16xf32>
        %mul3A_1573 = arith.mulf %gather3A_1569, %gather3A_1569 : vector<16xf32>
        %add3A_1574 = arith.addf %add3A_1530, %mul3A_1573 : vector<16xf32>
        %mul3A_1575 = arith.mulf %gather3A_1570, %gather3A_1570 : vector<16xf32>
        %add3A_1576 = arith.addf %add3A_1532, %mul3A_1575 : vector<16xf32>
        %add3A_1577 = arith.addf %add3A_1539, %add3A_1550 : vector<16xf32>
        %add3A_1578 = arith.addf %add3A_1561, %add3A_1572 : vector<16xf32>
        %add3A_1579 = arith.addf %add3A_1577, %add3A_1578 : vector<16xf32>
        %add3A_1580 = arith.addf %add3A_1541, %add3A_1552 : vector<16xf32>
        %add3A_1581 = arith.addf %add3A_1563, %add3A_1574 : vector<16xf32>
        %add3A_1582 = arith.addf %add3A_1580, %add3A_1581 : vector<16xf32>
        %add3A_1583 = arith.addf %add3A_1543, %add3A_1554 : vector<16xf32>
        %add3A_1584 = arith.addf %add3A_1565, %add3A_1576 : vector<16xf32>
        %add3A_1585 = arith.addf %add3A_1583, %add3A_1584 : vector<16xf32>
        %mul3A_1586 = arith.mulf %add3A_1582, %add3A_1585 : vector<16xf32>
        %bitcast3A = vector.bitcast %mul3A_1586 : vector<16xf32> to vector<16xi32>
        %broadcast_in_dim3A_1587 = arith.constant 1597463007 : i32
        %broadcast_in_dim3A_1588 = vector.broadcast %broadcast_in_dim3A_1587 : i32 to vector<16xi32>
        %shift_right_arithmetic3A = arith.constant 1 : i32
        %shift_right_arithmetic3A_1589 = vector.broadcast %shift_right_arithmetic3A : i32 to vector<16xi32>
        %shift_right_arithmetic3A_1590 = arith.shrsi %bitcast3A, %shift_right_arithmetic3A_1589 : vector<16xi32>
        %sub3A = arith.subi %broadcast_in_dim3A_1588, %shift_right_arithmetic3A_1590 : vector<16xi32>
        %bitcast3A_1591 = vector.bitcast %sub3A : vector<16xi32> to vector<16xf32>
        %broadcast_in_dim3A_1592 = arith.constant 5.000000e-01 : f32
        %broadcast_in_dim3A_1593 = vector.broadcast %broadcast_in_dim3A_1592 : f32 to vector<16xf32>
        %mul3A_1594 = arith.mulf %broadcast_in_dim3A_1593, %mul3A_1586 : vector<16xf32>
        %broadcast_in_dim3A_1595 = arith.constant 1.500000e+00 : f32
        %broadcast_in_dim3A_1596 = vector.broadcast %broadcast_in_dim3A_1595 : f32 to vector<16xf32>
        %mul3A_1597 = arith.mulf %mul3A_1594, %bitcast3A_1591 : vector<16xf32>
        %mul3A_1598 = arith.mulf %mul3A_1597, %bitcast3A_1591 : vector<16xf32>
        %sub3A_1599 = arith.subf %broadcast_in_dim3A_1596, %mul3A_1598 : vector<16xf32>
        %mul3A_1600 = arith.mulf %bitcast3A_1591, %sub3A_1599 : vector<16xf32>
        %broadcast_in_dim3A_1601 = arith.constant 1.500000e+00 : f32
        %broadcast_in_dim3A_1602 = vector.broadcast %broadcast_in_dim3A_1601 : f32 to vector<16xf32>
        %mul3A_1603 = arith.mulf %mul3A_1594, %mul3A_1600 : vector<16xf32>
        %mul3A_1604 = arith.mulf %mul3A_1603, %mul3A_1600 : vector<16xf32>
        %sub3A_1605 = arith.subf %broadcast_in_dim3A_1602, %mul3A_1604 : vector<16xf32>
        %mul3A_1606 = arith.mulf %mul3A_1600, %sub3A_1605 : vector<16xf32>
        %broadcast_in_dim3A_1607 = arith.constant 1.500000e+00 : f32
        %broadcast_in_dim3A_1608 = vector.broadcast %broadcast_in_dim3A_1607 : f32 to vector<16xf32>
        %mul3A_1609 = arith.mulf %mul3A_1594, %mul3A_1606 : vector<16xf32>
        %mul3A_1610 = arith.mulf %mul3A_1609, %mul3A_1606 : vector<16xf32>
        %sub3A_1611 = arith.subf %broadcast_in_dim3A_1608, %mul3A_1610 : vector<16xf32>
        %mul3A_1612 = arith.mulf %mul3A_1606, %sub3A_1611 : vector<16xf32>
        %mul3A_1613 = arith.mulf %mul3A_1586, %mul3A_1612 : vector<16xf32>
        %broadcast_in_dim3A_1614 = arith.constant 9.99999997E-7 : f32
        %broadcast_in_dim3A_1615 = vector.broadcast %broadcast_in_dim3A_1614 : f32 to vector<16xf32>
        %max3A = arith.maximumf %mul3A_1613, %broadcast_in_dim3A_1615 : vector<16xf32>
        %div3A = arith.divf %add3A_1579, %max3A : vector<16xf32>
        %mul3A_1616 = arith.constant 80 : i32
        %mul3A_1617 = arith.muli %scan3A_26, %mul3A_1616 : i32
        %mul3A_1618 = arith.constant 16 : i32
        %mul3A_1619 = arith.muli %scan3A_61, %mul3A_1618 : i32
        %add3A_1620 = arith.addi %mul3A_1617, %mul3A_1619 : i32
        %multiple_of3A_1621 = tpu.assume_multiple %add3A_1620, 8 : i32
        %mul3A_1622 = arith.mulf %div3A, %get3A_3 : vector<16xf32>
        %add3A_1623 = arith.addf %mul3A_1622, %get3A_5 : vector<16xf32>
        %swap3A = arith.index_cast %multiple_of3A_1621 : i32 to index
        %swap3A_1624 = tpu.vector_load %arg12[%swap3A] {strides = array<i32>} : memref<10000xf32, #tpu.memory_space<vmem>>, vector<16xf32>,
        tpu.vector_store %arg12[%swap3A], %add3A_1623 {strides = array<i32>} : memref<10000xf32, #tpu.memory_space<vmem>>, vector<16xf32>,
      }
      %scan3A_60 = arith.constant 5 : i32
    }
    %scan3A_25 = arith.constant 125 : i32
    "tpu.region"() ({
      %run_scoped3A = tpu.sem_alloc : memref<!tpu.dma_semaphore, #tpu.memory_space<semaphore_mem>>
      %dma_start3A_26 = tpu.memref_slice %arg7[%multiple_of3A] : memref<320000xf32, #tpu.memory_space<hbm>> -> memref<10000xf32, #tpu.memory_space<hbm>>
      %dma_start3A_27 = tpu.memref_slice %arg7[%multiple_of3A] : memref<320000xf32, #tpu.memory_space<hbm>> -> memref<10000xf32, #tpu.memory_space<hbm>>
      tpu.enqueue_dma source(%arg12 : memref<10000xf32, #tpu.memory_space<vmem>>) target(%dma_start3A_27 : memref<10000xf32, #tpu.memory_space<hbm>>) target_semaphore(%run_scoped3A : memref<!tpu.dma_semaphore, #tpu.memory_space<semaphore_mem>>)
      %dma_wait3A = tpu.memref_slice %arg7[%multiple_of3A] : memref<320000xf32, #tpu.memory_space<hbm>> -> memref<10000xf32, #tpu.memory_space<hbm>>
      %dma_wait3A_28 = tpu.memref_slice %arg7[%multiple_of3A] : memref<320000xf32, #tpu.memory_space<hbm>> -> memref<10000xf32, #tpu.memory_space<hbm>>
      tpu.wait_dma2 semaphore(%run_scoped3A : memref<!tpu.dma_semaphore, #tpu.memory_space<semaphore_mem>>) src(%arg12 : memref<10000xf32, #tpu.memory_space<vmem>>) dst(%dma_wait3A_28 : memref<10000xf32, #tpu.memory_space<hbm>>)
      tpu.yield
    }) : () -> ()
    return
  }
}

</mosaic_0001>

<sc_bundles>
// kernel: _run.3.cloned.1.call-start
scs
__scs_entry_jumppad:
0x0: {  	(pc) =	sbr.rel $0x88, $3  }
0x1: {  	(tag) =	ssettag $0x0;
	lr =	simm.s32 $0x1  }
0x2: {  	[smem:$0x3F9C] =	sst lr;
	_ =	strace $0xD0000000  }
0x3: {  	_ = 	snop  }
0x4: {  	_ = 	snop  }
0x5: {  	_ = 	snop  }
0x6: {  	_ = 	snop  }
0x7: {  	_ = 	snop  }
__scs_overlays_trampoline_lowered:
0x8: {  	[smem:$0x3FAB] =	sst s0  }
0x9: {  	[smem:$0x3FAC] =	sst s1  }
0xa: {  	[smem:$0x3FAD] =	sst s2  }
0xb: {  	[smem:$0x3FAE] =	sst s3  }
0xc: {  	[smem:$0x3FAF] =	sst s4  }
0xd: {  	[smem:$0x3FB0] =	sst s5  }
0xe: {  	[smem:$0x3FB1] =	sst s6  }
0xf: {  	[smem:$0x3FB2] =	sst s7  }
0x10: {  	[smem:$0x3FB3] =	sst s8  }
0x11: {  	[smem:$0x3FB4] =	sst s9;
	s0 =	simm.s32 @!p0 $0x0  }
0x12: {  	s1 =	sld [smem:$0x3F9A];
	s0 =	simm.s32 @p0 $0x1  }
0x13: {  	[smem:$0x3FB5] =	sst s0;
	s0 =	simm.s32 @!p1 $0x0  }
0x14: {  	s2 =	sld [smem:$0x3F99];
	s0 =	simm.s32 @p1 $0x1  }
0x15: {  	[smem:$0x3FB6] =	sst s0;
	s0 =	simm.s32 @!p2 $0x0  }
0x16: {  	s3 =	sld [smem:$0x3FDB];
	s0 =	simm.s32 @p2 $0x1  }
0x17: {  	s4 =	simm.s32 $0x1BF5;
	[smem:$0x3FB8] =	sst s0  }
0x18: {  	s0 =	sld [smem:$0x3F9B];
	_ =	swait.ge [sflag:s4], $0x0  }
0x19: {  	s7 =	sld [smem:$0x3F9C]  }
0x1a: {  	s8 =	sadd.s32 $0xFFFFE003, lr  }
0x1b: {  	s9 =	sadd.s32 $0xFFFFFEF7, lr;
	s5 =	simm.s32 $0xFFFFFFFF;
	p2 =	slt.u32 s8, $0xFFFFF086  }
0x1c: {  	p1 =	slt.u32 s9, $0xF7A;
	s5 =	simm.s32 @!p2 $0x0  }
0x1d: {  	s5 =	simm.s32 @p1 $0x1;
	p0 =	seq.s32 s7, s2  }
0x1e: {  	s7 =	smul.u32 @!p0 $0xF7A, s2;
	p2 =	seq.s32 @!p0 s5, $0x0  }
0x1f: {  	s9 =	smul.u32 $0xF7A, s1;
	s8 =	simm.s32 @!p0 $0x1BF5;
	p2 =	por !p2, p0  }
0x20: {  	[sflag:s8] =	ssyncset.s32 @!p0 $0xFFFFF086;
	s6 =	sadd.s32 @!p0 s3, s7;
	s7 =	simm.s32 @!p0 $0x108  }
0x21: {  	s3 =	sadd.s32 s3, s9;
	s6 =	sadd.s32 @!p0 $0x88, s6;
	s7 =	simm.s32 @p2 $0x1082  }
0x22: {  	[simem:s7], [sflag:s8] =	dma.local @!p0 [hbm:s6], $0xF7A  }
0x23: {  	s9 =	sor.u32 $0xD0000000, s2;
	s6 =	simm.s32 $0x108;
	_ =	swait.ge @!p0 [sflag:s8], $0x0  }
0x24: {  	s3 =	sadd.s32 $0x88, s3;
	s6 =	simm.s32 @!p1 $0x1082;
	[sflag:s4] =	ssyncset.s32 $0xFFFFF086  }
0x25: {  	[simem:s6], [sflag:s4] =	dma.local [hbm:s3], $0xF7A  }
0x26: {  	[smem:$0x3F9C] =	sst s1;
	(tag) =	ssettag s2;
	_ =	strace s9  }
0x27: {  	s1 =	sld [smem:$0x3FAC]  }
0x28: {  	s2 =	sld [smem:$0x3FAD]  }
0x29: {  	s4 =	sld [smem:$0x3FAF]  }
0x2a: {  	p0 =	seq.s32 s5, $0x0;
	s5 =	sld [smem:$0x3FB0]  }
0x2b: {  	s6 =	sld [smem:$0x3FB1]  }
0x2c: {  	s7 =	sld [smem:$0x3FB2]  }
0x2d: {  	s3 =	simm.s32 $0x108;
	s8 =	sld [smem:$0x3FB3]  }
0x2e: {  	s3 =	simm.s32 @!p0 $0x1082;
	s9 =	sld [smem:$0x3FB4]  }
0x2f: {  	lr =	sadd.s32 s0, s3;
	s0 =	sld [smem:$0x3FAB]  }
0x30: {  	s3 =	sld [smem:$0x3FAE]  }
0x31: {  	[smem:$0x3FB7] =	sst s10  }
0x32: {  	s10 =	sld [smem:$0x3FB5];
	_ =	sdelay $0x3  }
0x33: {  	p0 =	seq.s32 s10, $0x1;
	s10 =	sld [smem:$0x3FB7];
	_ =	sdelay $0x3  }
0x34: {  	[smem:$0x3FB7] =	sst s10  }
0x35: {  	s10 =	sld [smem:$0x3FB6];
	_ =	sdelay $0x3  }
0x36: {  	p1 =	seq.s32 s10, $0x1;
	s10 =	sld [smem:$0x3FB7];
	_ =	sdelay $0x3  }
0x37: {  	[smem:$0x3FB7] =	sst s10  }
0x38: {  	s10 =	sld [smem:$0x3FB8]  }
0x39: {  	_ = 	snop;
	(pc) =	sbr.ind lr, $3  }
0x3a: {  	_ = 	snop  }
0x3b: {  	_ = 	snop  }
0x3c: {  	p2 =	seq.s32 s10, $0x1;
	s10 =	sld [smem:$0x3FB7]  }
0x3d: {  	_ =	shalt  }
0x3e: {  	_ =	shalt  }
0x3f: {  	_ =	shalt  }
0x40: {  	_ =	shalt  }
0x41: {  	_ =	shalt  }
0x42: {  	_ =	shalt  }
0x43: {  	_ =	shalt  }
0x44: {  	_ =	shalt  }
0x45: {  	_ =	shalt  }
0x46: {  	_ =	shalt  }
0x47: {  	_ =	shalt  }
0x48: {  	_ =	shalt  }
0x49: {  	_ =	shalt  }
0x4a: {  	_ =	shalt  }
0x4b: {  	_ =	shalt  }
0x4c: {  	_ =	shalt  }
0x4d: {  	_ =	shalt  }
0x4e: {  	_ =	shalt  }
0x4f: {  	_ =	shalt  }
0x50: {  	_ =	shalt  }
0x51: {  	_ =	shalt  }
0x52: {  	_ =	shalt  }
0x53: {  	_ =	shalt  }
0x54: {  	_ =	shalt  }
0x55: {  	_ =	shalt  }
0x56: {  	_ =	shalt  }
0x57: {  	_ =	shalt  }
0x58: {  	_ =	shalt  }
0x59: {  	_ =	shalt  }
0x5a: {  	_ =	shalt  }
0x5b: {  	_ =	shalt  }
0x5c: {  	_ =	shalt  }
0x5d: {  	_ =	shalt  }
0x5e: {  	_ =	shalt  }
0x5f: {  	_ =	shalt  }
0x60: {  	_ =	shalt  }
0x61: {  	_ =	shalt  }
0x62: {  	_ =	shalt  }
0x63: {  	_ =	shalt  }
0x64: {  	_ =	shalt  }
0x65: {  	_ =	shalt  }
0x66: {  	_ =	shalt  }
0x67: {  	_ =	shalt  }
0x68: {  	_ =	shalt  }
0x69: {  	_ =	shalt  }
0x6a: {  	_ =	shalt  }
0x6b: {  	_ =	shalt  }
0x6c: {  	_ =	shalt  }
0x6d: {  	_ =	shalt  }
0x6e: {  	_ =	shalt  }
0x6f: {  	_ =	shalt  }
0x70: {  	_ =	shalt  }
0x71: {  	_ =	shalt  }
0x72: {  	_ =	shalt  }
0x73: {  	_ =	shalt  }
0x74: {  	_ =	shalt  }
0x75: {  	_ =	shalt  }
0x76: {  	_ =	shalt  }
0x77: {  	_ =	shalt  }
0x78: {  	_ =	shalt  }
0x79: {  	_ =	shalt  }
0x7a: {  	_ =	shalt  }
0x7b: {  	_ =	shalt  }
0x7c: {  	_ =	shalt  }
0x7d: {  	_ =	shalt  }
0x7e: {  	_ =	shalt  }
0x7f: {  	_ =	shalt  }
0x80: {  	_ =	shalt  }
0x81: {  	_ =	shalt  }
0x82: {  	_ =	shalt  }
0x83: {  	_ =	shalt  }
0x84: {  	_ =	shalt  }
0x85: {  	_ =	shalt  }
0x86: {  	_ =	shalt  }
0x87: {  	_ =	shalt  }
.Lfunc_end0:
.L_simem_size_0:
called_computation_lowered:
.L_overlay_start_0:
0x88: {  	s2 =	sld [smem:$0x3FD9]  }
0x89: {  	s3 =	sld [smem:$0x3FFE];
	_ =	sdelay $0x1  }
0x8a: {  	s1 =	srdreg.scid  }
0x8b: {  	s0 =	sand.u32 $0x1, s1  }
0x8c: {  	s18 =	sshll.u32 s0, $0xA;
	s2 =	sadd.s32 s3, s2  }
0x8d: {  	s2 =	sadd.s32 s2, s18  }
0x8e: {  	[smem:$0x3FC3] =	sst s2  }
0x8f: {  	_ = 	snop  }
0x90: {  	s2 =	sld [smem:$0x3FC9]  }
0x91: {  	s19 =	sld [smem:$0x3FC8]  }
0x92: {  	s4 =	sld [smem:$0x3FC7]  }
0x93: {  	s5 =	sld [smem:$0x3FC6]  }
0x94: {  	s6 =	sld [smem:$0x3FC5]  }
0x95: {  	s7 =	sld [smem:$0x3FD0];
	(tm) =	ssettm $0x1  }
0x96: {  	s8 =	sld [smem:$0x3FFB];
	_ =	sdelay $0x3  }
0x97: {  	_ =	strace s8  }
0x98: {  	s8 =	sld [smem:$0x3FFC];
	_ =	sdelay $0x3  }
0x99: {  	_ =	strace s8  }
0x9a: {  	s8 =	sld [smem:$0x3FFD];
	_ =	sdelay $0x3  }
0x9b: {  	_ =	strace s8  }
0x9c: {  	_ =	strace $0x8FFFFFFF  }
0x9d: {  	s20 =	sld [smem:$0x3FDB];
	_ =	sdelay $0x1  }
0x9e: {  	s9 =	simm.s32 $_scs_section_size  }
0x9f: {  	s10 =	simm.s32 $_size__tile_overlayer_lowered;
	s11 =	simm.s32 $_tile_overlayer_lowered  }
0xa0: {  	s23 =	simm.s32 $0x1BFF;
	s22 =	sshll.u32 s11, $0x1;
	s8 =	sadd.s32 s9, s20  }
0xa1: {  	s12 =	simm.s32 $0x0;
	s21 =	sshll.u32 s10, $0x1;
	s10 =	sadd.s32 s22, s8  }
0xa2: {  	[timem:s12], [sflag:s23] =	dma.local [hbm:s10], s21  }
0xa3: {  	_ =	swait.ge [sflag:s23], s21  }
0xa4: {  	s9 =	ssub.s32 $0x0, s21;
	[sflag:s23] =	ssyncset.done $0x0  }
0xa5: {  	[sflag:s23] =	ssyncadd.s32 s9;
	_ =	sdelay $0x1  }
0xa6: {  	s24 =	simm.s32 $0x1B8B  }
0xa7: {  	_ =	swait.ge [sflag:s24], $0x1  }
0xa8: {  	[sflag:s24] =	ssyncset.done $0x0  }
0xa9: {  	s25 =	simm.s32 $0x1B8E;
	[sflag:s24] =	ssyncadd.s32 $0xFFFFFFFF  }
0xaa: {  	s26 =	simm.s32 $execute0_lowered;
	[smem:$0x3FD2] =	sst s25  }
0xab: {  	s9 =	sshll.u32 s26, $0x1;
	_ =	strace $0x80000046;
	[dreg:$0x1] =	wrdreg $0xFFFFFFFF  }
0xac: {  	s28 =	simm.s32 $_size_execute0_lowered;
	s8 =	sadd.s32 s8, s9;
	[dreg:$0x0] =	wrdreg $0x0  }
0xad: {  	s9 =	sshll.u32 s28, $0x1;
	[dreg:$0x2] =	wrdreg s8  }
0xae: {  	[dreg:$0x3] =	wrdreg s9  }
0xaf: {  	[dreg:$0x4] =	wrdreg $0xC0  }
0xb0: {  	_ =	task [dreg:s12], $0x5FFFF  }
0xb1: {  	[dreg:$0x1] =	wrdreg $0xFFFFFFFF  }
0xb2: {  	[dreg:$0x0] =	wrdreg $0x60  }
0xb3: {  	[dreg:$0x2] =	wrdreg s2  }
0xb4: {  	[dreg:$0x3] =	wrdreg s19  }
0xb5: {  	[dreg:$0x4] =	wrdreg s4  }
0xb6: {  	[dreg:$0x5] =	wrdreg s5  }
0xb7: {  	[dreg:$0x6] =	wrdreg s6  }
0xb8: {  	[dreg:$0x7] =	wrdreg s7  }
0xb9: {  	[dreg:$0x8] =	wrdreg $0x9  }
0xba: {  	_ =	task.clear_ibuf [dreg:s12], $0x9FFFF;
	_ =	strace $0x90000046  }
0xbb: {  	s29 =	simm.s32 $0x9;
	_ =	strace $0x80000048  }
0xbc: {  	_ =	swait.ge [sflag:s29], $0x1  }
0xbd: {  	[sflag:s29] =	ssyncadd.s32 $0xFFFFFFFF  }
0xbe: {  	_ =	strace $0x90000048  }
0xbf: {  	_ =	sfence  }
0xc0: {  	s30 =	sld [smem:$0x0];
	_ =	sdelay $0x2  }
0xc1: {  	s31 =	sshll.u32 s1, $0xD;
	s1 =	sshrl.u32 s1, $0x2  }
0xc2: {  	s3 =	sand.u32 $0x4000, s31;
	s1 =	sadd.s32 s1, s30  }
0xc3: {  	s0 =	sor.u32 s3, s0;
	s1 =	sshll.u32 s1, $0x11  }
0xc4: {  	s0 =	sor.u32 s1, s0  }
0xc5: {  	s0 =	sadd.s32 $0x8F2B, s0  }
0xc6: {  	[sflag:s0] =	ssyncadd.remote.s32 $0x1  }
0xc7: {  	_ =	sfence.sel $0xFFFF  }
0xc8: {  	[dreg:$0x0] =	wrdreg $0xFFFFFFFF;
	(pc) =	sbr.abs _section_cstart, $3  }
0xc9: {  	[dreg:$0x1] =	wrdreg $0xFFFFFFFF  }
0xca: {  	_ =	task.clear_ibuf [dreg:s12], $0x2FFFF;
	_ =	strace $0x9FFFFFFF  }
0xcb: {  	(tm) =	ssettm $0x7FFFFFFF  }
tec
execute0_lowered:
.L_overlay_start_1:
0x0: {  	(tag) =	ssettag $0x1  }
0x1: {  	v0 =	vimm.s32 $0xFEDCBA9;
	v1 =	vimm.s32 $0x87654321  }
0x2: {  	v0 =	vunpack.c.l.s4.s8 v0;
	v1 =	vunpack.c.l.s4.s8 v1;
	_ =	sdelay $0x1  }
0x3: {  	v0 =	vunpack.c.0.s8.s32 v0;
	v1 =	vunpack.c.0.s8.s32 v1;
	_ =	sdelay $0x1  }
0x4: {  	[tilespmem:$0x1F630] =	vst v0;
	v0 =	vcombine.low v1, v0;
	_ =	sdelay $0x1  }
0x5: {  	v11 =	vand.u32 $0xF, v0;
	v0 =	vimm.s32 $0x1C1B1A19  }
0x6: {  	v28 =	vmovc v1;
	v1 =	vimm.s32 $0x101F1E1D;
	v6 =	vunpack.c.0.s8.s32 v0;
	v0 =	vimm.s32 $0x14131211  }
0x7: {  	v9 =	vunpack.c.0.s8.s32 v1;
	v12 =	vunpack.c.0.s8.s32 v0;
	v0 =	vimm.s32 $0x18171615  }
0x8: {  	v1 =	vimm.s32 $0x2C2B2A29;
	v15 =	vunpack.c.0.s8.s32 v0;
	v0 =	vimm.s32 $0x202F2E2D  }
0x9: {  	v8 =	vunpack.c.0.s8.s32 v1;
	v20 =	vunpack.c.0.s8.s32 v0;
	v0 =	vimm.s32 $0x24232221  }
0xa: {  	v1 =	vimm.s32 $0x28272625;
	v37 =	vunpack.c.0.s8.s32 v0;
	v0 =	vimm.s32 $0x3C3B3A39  }
0xb: {  	v38 =	vunpack.c.0.s8.s32 v1;
	v17 =	vunpack.c.0.s8.s32 v0;
	v0 =	vimm.s32 $0x303F3E3D  }
0xc: {  	v1 =	vimm.s32 $0x34333231;
	v18 =	vunpack.c.0.s8.s32 v0;
	v0 =	vimm.s32 $0x38373635  }
0xd: {  	v19 =	vunpack.c.0.s8.s32 v1;
	v21 =	vunpack.c.0.s8.s32 v0;
	v0 =	vimm.s32 $0x4C4B4A49  }
0xe: {  	v1 =	vimm.s32 $0x404F4E4D;
	v23 =	vunpack.c.0.s8.s32 v0;
	v0 =	vimm.s32 $0x44434241  }
0xf: {  	v24 =	vunpack.c.0.s8.s32 v1;
	v45 =	vunpack.c.0.s8.s32 v0;
	v0 =	vimm.s32 $0x48474645  }
0x10: {  	v1 =	vimm.s32 $0x5C5B5A59;
	v25 =	vunpack.c.0.s8.s32 v0;
	v0 =	vimm.s32 $0x505F5E5D  }
0x11: {  	v27 =	vunpack.c.0.s8.s32 v1;
	v48 =	vunpack.c.0.s8.s32 v0;
	v0 =	vimm.s32 $0x54535251  }
0x12: {  	v1 =	vimm.s32 $0x58575655;
	v54 =	vunpack.c.0.s8.s32 v0;
	v0 =	vimm.s32 $0x6C6B6A69  }
0x13: {  	v61 =	vunpack.c.0.s8.s32 v1;
	v40 =	vunpack.c.0.s8.s32 v0;
	v0 =	vimm.s32 $0x606F6E6D  }
0x14: {  	v1 =	vimm.s32 $0x64636261;
	v55 =	vunpack.c.0.s8.s32 v0;
	v0 =	vimm.s32 $0x68676665  }
0x15: {  	v16 =	vunpack.c.0.s8.s32 v1;
	v53 =	vunpack.c.0.s8.s32 v0;
	v0 =	vimm.s32 $0x7C7B7A79  }
0x16: {  	v1 =	vimm.s32 $0x707F7E7D;
	v47 =	vunpack.c.0.s8.s32 v0;
	v0 =	vimm.s32 $0x10FEDCBA  }
0x17: {  	v22 =	vunpack.c.0.s8.s32 v1;
	v1 =	vimm.s32 $0x74737271;
	v0 =	vunpack.c.l.s4.s8 v0  }
0x18: {  	v13 =	vunpack.c.0.s8.s32 v1  }
0x19: {  	v1 =	vimm.s32 $0x78777675;
	v57 =	vunpack.c.0.s8.s32 v0;
	v0 =	vimm.s32 $0x1D1C1B1A  }
0x1a: {  	v14 =	vunpack.c.0.s8.s32 v1;
	v58 =	vunpack.c.0.s8.s32 v0;
	v0 =	vimm.s32 $0x11101F1E  }
0x1b: {  	v1 =	vimm.s32 $0x19181716;
	v59 =	vunpack.c.0.s8.s32 v0;
	v0 =	vimm.s32 $0x15141312  }
0x1c: {  	v26 =	vunpack.c.0.s8.s32 v1;
	v60 =	vunpack.c.0.s8.s32 v0;
	v0 =	vimm.s32 $0x2D2C2B2A  }
0x1d: {  	v1 =	vimm.s32 $0x25242322;
	v62 =	vunpack.c.0.s8.s32 v0;
	v0 =	vimm.s32 $0x21202F2E  }
0x1e: {  	v63 =	vunpack.c.0.s8.s32 v0;
	v0 =	vunpack.c.0.s8.s32 v1;
	_ =	sdelay $0x1  }
0x1f: {  	[tilespmem:$0x1F640] =	vst v0;
	v0 =	vimm.s32 $0x29282726  }
0x20: {  	v0 =	vunpack.c.0.s8.s32 v0;
	_ =	sdelay $0x1  }
0x21: {  	[tilespmem:$0x1F650] =	vst v0;
	v0 =	vimm.s32 $0x3D3C3B3A  }
0x22: {  	v0 =	vunpack.c.0.s8.s32 v0  }
0x23: {  	v1 =	vimm.s32 $0x31303F3E  }
0x24: {  	[tilespmem:$0x1F660] =	vst v0;
	v0 =	vunpack.c.0.s8.s32 v1;
	_ =	sdelay $0x1  }
0x25: {  	[tilespmem:$0x1F670] =	vst v0;
	v0 =	vimm.s32 $0x35343332  }
0x26: {  	v0 =	vunpack.c.0.s8.s32 v0;
	_ =	sdelay $0x1  }
0x27: {  	[tilespmem:$0x1F680] =	vst v0;
	v0 =	vimm.s32 $0x39383736  }
0x28: {  	v0 =	vunpack.c.0.s8.s32 v0  }
0x29: {  	v1 =	vimm.s32 $0x4D4C4B4A  }
0x2a: {  	[tilespmem:$0x1F690] =	vst v0;
	v0 =	vunpack.c.0.s8.s32 v1;
	_ =	sdelay $0x1  }
0x2b: {  	[tilespmem:$0x1F6A0] =	vst v0;
	v0 =	vimm.s32 $0x41404F4E  }
0x2c: {  	v0 =	vunpack.c.0.s8.s32 v0;
	_ =	sdelay $0x1  }
0x2d: {  	[tilespmem:$0x1F6B0] =	vst v0;
	v0 =	vimm.s32 $0x45444342  }
0x2e: {  	v0 =	vunpack.c.0.s8.s32 v0  }
0x2f: {  	v1 =	vimm.s32 $0x49484746  }
0x30: {  	[tilespmem:$0x1F6C0] =	vst v0;
	v0 =	vunpack.c.0.s8.s32 v1;
	_ =	sdelay $0x1  }
0x31: {  	[tilespmem:$0x1F6D0] =	vst v0;
	v0 =	vimm.s32 $0x5D5C5B5A  }
0x32: {  	v0 =	vunpack.c.0.s8.s32 v0;
	_ =	sdelay $0x1  }
0x33: {  	[tilespmem:$0x1F6E0] =	vst v0;
	v0 =	vimm.s32 $0x51505F5E  }
0x34: {  	v0 =	vunpack.c.0.s8.s32 v0  }
0x35: {  	v1 =	vimm.s32 $0x55545352  }
0x36: {  	[tilespmem:$0x1F6F0] =	vst v0;
	v0 =	vunpack.c.0.s8.s32 v1;
	_ =	sdelay $0x1  }
0x37: {  	[tilespmem:$0x1F700] =	vst v0;
	v0 =	vimm.s32 $0x59585756  }
0x38: {  	v0 =	vunpack.c.0.s8.s32 v0;
	_ =	sdelay $0x1  }
0x39: {  	[tilespmem:$0x1F710] =	vst v0;
	v0 =	vimm.s32 $0x6D6C6B6A  }
0x3a: {  	v0 =	vunpack.c.0.s8.s32 v0  }
0x3b: {  	v1 =	vimm.s32 $0x61606F6E  }
0x3c: {  	[tilespmem:$0x1F720] =	vst v0;
	v0 =	vunpack.c.0.s8.s32 v1;
	_ =	sdelay $0x1  }
0x3d: {  	[tilespmem:$0x1F730] =	vst v0;
	v0 =	vimm.s32 $0x65646362  }
0x3e: {  	v0 =	vunpack.c.0.s8.s32 v0;
	_ =	sdelay $0x1  }
0x3f: {  	[tilespmem:$0x1F740] =	vst v0;
	v0 =	vimm.s32 $0x69686766  }
0x40: {  	v0 =	vunpack.c.0.s8.s32 v0  }
0x41: {  	v1 =	vimm.s32 $0xFEDCBA98  }
0x42: {  	v2 =	vimm.s32 $0x98765432;
	v1 =	vunpack.c.l.s4.s8 v1;
	[tilespmem:$0x1F750] =	vst v0;
	v0 =	vimm.s32 $0x76543210  }
0x43: {  	v2 =	vunpack.c.l.s4.s8 v2;
	v0 =	vunpack.c.l.s4.s8 v0  }
0x44: {  	v1 =	vunpack.c.0.s8.s32 v1  }
0x45: {  	v56 =	vunpack.c.0.s8.s32 v2;
	v2 =	vimm.s32 $0x7D7C7B7A;
	v0 =	vunpack.c.0.s8.s32 v0  }
0x46: {  	v2 =	vunpack.c.0.s8.s32 v2;
	v1 =	vand.u32 $0xF, v1  }
0x47: {  	v0 =	vcombine.low v1, v0  }
0x48: {  	v3 =	vimm.s32 $0x71707F7E;
	[tilespmem:$0x1F760] =	vst v2  }
0x49: {  	v2 =	vunpack.c.0.s8.s32 v3;
	v3 =	vimm.s32 $0x210FEDCB;
	[tilespmem:$0x1F780] =	vst v0;
	v0 =	vimm.s32 $0x79787776  }
0x4a: {  	v3 =	vunpack.c.l.s4.s8 v3;
	v0 =	vunpack.c.0.s8.s32 v0  }
0x4b: {  	v4 =	vimm.s32 $0xA9876543  }
0x4c: {  	v1 =	vunpack.c.l.s4.s8 v4;
	[tilespmem:$0x1F7A0] =	vst v0;
	v0 =	vunpack.c.0.s8.s32 v3;
	_ =	sdelay $0x1  }
0x4d: {  	[tilespmem:$0x1F7B0] =	vst v0;
	v0 =	vunpack.c.0.s8.s32 v1;
	_ =	sdelay $0x1  }
0x4e: {  	[tilespmem:$0x1F7C0] =	vst v0;
	v0 =	vimm.s32 $0x1E1D1C1B  }
0x4f: {  	v0 =	vunpack.c.0.s8.s32 v0  }
0x50: {  	v1 =	vimm.s32 $0x1211101F  }
0x51: {  	[tilespmem:$0x1F7D0] =	vst v0;
	v0 =	vunpack.c.0.s8.s32 v1;
	_ =	sdelay $0x1  }
0x52: {  	[tilespmem:$0x1F7E0] =	vst v0;
	v0 =	vimm.s32 $0x16151413  }
0x53: {  	v0 =	vunpack.c.0.s8.s32 v0;
	_ =	sdelay $0x1  }
0x54: {  	[tilespmem:$0x1F7F0] =	vst v0;
	v0 =	vimm.s32 $0x1A191817  }
0x55: {  	v0 =	vunpack.c.0.s8.s32 v0  }
0x56: {  	v1 =	vimm.s32 $0x2E2D2C2B  }
0x57: {  	[tilespmem:$0x1F800] =	vst v0;
	v0 =	vunpack.c.0.s8.s32 v1;
	_ =	sdelay $0x1  }
0x58: {  	[tilespmem:$0x1F810] =	vst v0;
	v0 =	vimm.s32 $0x2221202F  }
0x59: {  	v0 =	vunpack.c.0.s8.s32 v0;
	_ =	sdelay $0x1  }
0x5a: {  	[tilespmem:$0x1F820] =	vst v0;
	v0 =	vimm.s32 $0x26252423  }
0x5b: {  	v0 =	vunpack.c.0.s8.s32 v0  }
0x5c: {  	v1 =	vimm.s32 $0x2A292827  }
0x5d: {  	[tilespmem:$0x1F830] =	vst v0;
	v0 =	vunpack.c.0.s8.s32 v1;
	_ =	sdelay $0x1  }
0x5e: {  	[tilespmem:$0x1F840] =	vst v0;
	v0 =	vimm.s32 $0x3E3D3C3B  }
0x5f: {  	v0 =	vunpack.c.0.s8.s32 v0;
	_ =	sdelay $0x1  }
0x60: {  	[tilespmem:$0x1F850] =	vst v0;
	v0 =	vimm.s32 $0x3231303F  }
0x61: {  	v0 =	vunpack.c.0.s8.s32 v0  }
0x62: {  	v1 =	vimm.s32 $0x36353433  }
0x63: {  	[tilespmem:$0x1F860] =	vst v0;
	v0 =	vunpack.c.0.s8.s32 v1;
	_ =	sdelay $0x1  }
0x64: {  	[tilespmem:$0x1F870] =	vst v0;
	v0 =	vimm.s32 $0x3A393837  }
0x65: {  	v0 =	vunpack.c.0.s8.s32 v0;
	_ =	sdelay $0x1  }
0x66: {  	[tilespmem:$0x1F880] =	vst v0;
	v0 =	vimm.s32 $0x4E4D4C4B  }
0x67: {  	v0 =	vunpack.c.0.s8.s32 v0  }
0x68: {  	v1 =	vimm.s32 $0x4241404F  }
0x69: {  	[tilespmem:$0x1F890] =	vst v0;
	v0 =	vunpack.c.0.s8.s32 v1;
	_ =	sdelay $0x1  }
0x6a: {  	[tilespmem:$0x1F8A0] =	vst v0;
	v0 =	vimm.s32 $0x46454443  }
0x6b: {  	v0 =	vunpack.c.0.s8.s32 v0;
	_ =	sdelay $0x1  }
0x6c: {  	[tilespmem:$0x1F8B0] =	vst v0;
	v0 =	vimm.s32 $0x4A494847  }
0x6d: {  	v0 =	vunpack.c.0.s8.s32 v0  }
0x6e: {  	v1 =	vimm.s32 $0x5E5D5C5B  }
0x6f: {  	[tilespmem:$0x1F8C0] =	vst v0;
	v0 =	vunpack.c.0.s8.s32 v1;
	_ =	sdelay $0x1  }
0x70: {  	[tilespmem:$0x1F8D0] =	vst v0;
	v0 =	vimm.s32 $0x5251505F  }
0x71: {  	v0 =	vunpack.c.0.s8.s32 v0;
	_ =	sdelay $0x1  }
0x72: {  	[tilespmem:$0x1F8E0] =	vst v0;
	v0 =	vimm.s32 $0x56555453  }
0x73: {  	v0 =	vunpack.c.0.s8.s32 v0  }
0x74: {  	v1 =	vimm.s32 $0x5A595857  }
0x75: {  	[tilespmem:$0x1F8F0] =	vst v0;
	v0 =	vunpack.c.0.s8.s32 v1;
	_ =	sdelay $0x1  }
0x76: {  	[tilespmem:$0x1F900] =	vst v0;
	v0 =	vimm.s32 $0x6E6D6C6B  }
0x77: {  	v0 =	vunpack.c.0.s8.s32 v0;
	_ =	sdelay $0x1  }
0x78: {  	[tilespmem:$0x1F910] =	vst v0;
	v0 =	vimm.s32 $0x6261606F  }
0x79: {  	v0 =	vunpack.c.0.s8.s32 v0  }
0x7a: {  	v1 =	vimm.s32 $0x66656463  }
0x7b: {  	[tilespmem:$0x1F920] =	vst v0;
	v0 =	vunpack.c.0.s8.s32 v1;
	_ =	sdelay $0x1  }
0x7c: {  	[tilespmem:$0x1F930] =	vst v0;
	v0 =	vimm.s32 $0x6A696867  }
0x7d: {  	v0 =	vunpack.c.0.s8.s32 v0;
	_ =	sdelay $0x1  }
0x7e: {  	[tilespmem:$0x1F940] =	vst v0;
	v0 =	vimm.s32 $0x7E7D7C7B  }
0x7f: {  	v0 =	vunpack.c.0.s8.s32 v0  }
0x80: {  	v1 =	vimm.s32 $0x7271707F  }
0x81: {  	[tilespmem:$0x1F950] =	vst v0;
	v0 =	vunpack.c.0.s8.s32 v1;
	_ =	sdelay $0x1  }
0x82: {  	[tilespmem:$0x1F960] =	vst v0;
	v0 =	vimm.s32 $0x3210FEDC  }
0x83: {  	v0 =	vunpack.c.l.s4.s8 v0;
	_ =	sdelay $0x1  }
0x84: {  	v0 =	vunpack.c.0.s8.s32 v0  }
0x85: {  	[tilespmem:$0x1F770] =	vst v2;
	v2 =	vimm.s32 $0x75747372  }
0x86: {  	v2 =	vunpack.c.0.s8.s32 v2;
	[tilespmem:$0x1F990] =	vst v0;
	v0 =	vimm.s32 $0x1F1E1D1C  }
0x87: {  	v1 =	vimm.s32 $0x76757473;
	v0 =	vunpack.c.0.s8.s32 v0  }
0x88: {  	[tilespmem:$0x1F790] =	vst v2;
	v1 =	vunpack.c.0.s8.s32 v1  }
0x89: {  	v2 =	vimm.s32 $0xBA987654;
	[tilespmem:$0x1F9B0] =	vst v0;
	v0 =	vimm.s32 $0x13121110  }
0x8a: {  	[tilespmem:$0x1F970] =	vst v1;
	v1 =	vunpack.c.l.s4.s8 v2;
	v0 =	vunpack.c.0.s8.s32 v0;
	_ =	sdelay $0x1  }
0x8b: {  	v1 =	vunpack.c.0.s8.s32 v1;
	[tilespmem:$0x1F9C0] =	vst v0;
	v0 =	vimm.s32 $0x17161514  }
0x8c: {  	v0 =	vunpack.c.0.s8.s32 v0  }
0x8d: {  	[tilespmem:$0x1F9A0] =	vst v1;
	v1 =	vimm.s32 $0x1B1A1918  }
0x8e: {  	[tilespmem:$0x1F9D0] =	vst v0;
	v0 =	vunpack.c.0.s8.s32 v1;
	_ =	sdelay $0x1  }
0x8f: {  	[tilespmem:$0x1F9E0] =	vst v0;
	v0 =	vimm.s32 $0x2F2E2D2C  }
0x90: {  	v0 =	vunpack.c.0.s8.s32 v0;
	_ =	sdelay $0x1  }
0x91: {  	[tilespmem:$0x1F9F0] =	vst v0;
	v0 =	vimm.s32 $0x23222120  }
0x92: {  	v0 =	vunpack.c.0.s8.s32 v0  }
0x93: {  	v1 =	vimm.s32 $0x27262524  }
0x94: {  	[tilespmem:$0x1FA00] =	vst v0;
	v0 =	vunpack.c.0.s8.s32 v1;
	_ =	sdelay $0x1  }
0x95: {  	[tilespmem:$0x1FA10] =	vst v0;
	v0 =	vimm.s32 $0x2B2A2928  }
0x96: {  	v0 =	vunpack.c.0.s8.s32 v0;
	_ =	sdelay $0x1  }
0x97: {  	[tilespmem:$0x1FA20] =	vst v0;
	v0 =	vimm.s32 $0x3F3E3D3C  }
0x98: {  	v0 =	vunpack.c.0.s8.s32 v0  }
0x99: {  	v1 =	vimm.s32 $0x33323130  }
0x9a: {  	[tilespmem:$0x1FA30] =	vst v0;
	v0 =	vunpack.c.0.s8.s32 v1;
	_ =	sdelay $0x1  }
0x9b: {  	[tilespmem:$0x1FA40] =	vst v0;
	v0 =	vimm.s32 $0x37363534  }
0x9c: {  	v0 =	vunpack.c.0.s8.s32 v0;
	_ =	sdelay $0x1  }
0x9d: {  	[tilespmem:$0x1FA50] =	vst v0;
	v0 =	vimm.s32 $0x3B3A3938  }
0x9e: {  	v0 =	vunpack.c.0.s8.s32 v0  }
0x9f: {  	v1 =	vimm.s32 $0x4F4E4D4C  }
0xa0: {  	[tilespmem:$0x1FA60] =	vst v0;
	v0 =	vunpack.c.0.s8.s32 v1;
	_ =	sdelay $0x1  }
0xa1: {  	[tilespmem:$0x1FA70] =	vst v0;
	v0 =	vimm.s32 $0x43424140  }
0xa2: {  	v0 =	vunpack.c.0.s8.s32 v0;
	_ =	sdelay $0x1  }
0xa3: {  	[tilespmem:$0x1FA80] =	vst v0;
	v0 =	vimm.s32 $0x47464544  }
0xa4: {  	v0 =	vunpack.c.0.s8.s32 v0  }
0xa5: {  	v1 =	vimm.s32 $0x4B4A4948  }
0xa6: {  	[tilespmem:$0x1FA90] =	vst v0;
	v0 =	vunpack.c.0.s8.s32 v1;
	_ =	sdelay $0x1  }
0xa7: {  	[tilespmem:$0x1FAA0] =	vst v0;
	v0 =	vimm.s32 $0x5F5E5D5C  }
0xa8: {  	v0 =	vunpack.c.0.s8.s32 v0;
	_ =	sdelay $0x1  }
0xa9: {  	[tilespmem:$0x1FAB0] =	vst v0;
	v0 =	vimm.s32 $0x53525150  }
0xaa: {  	v0 =	vunpack.c.0.s8.s32 v0  }
0xab: {  	v1 =	vimm.s32 $0x57565554  }
0xac: {  	[tilespmem:$0x1FAC0] =	vst v0;
	v0 =	vunpack.c.0.s8.s32 v1;
	_ =	sdelay $0x1  }
0xad: {  	[tilespmem:$0x1FAD0] =	vst v0;
	v0 =	vimm.s32 $0x5B5A5958  }
0xae: {  	v0 =	vunpack.c.0.s8.s32 v0;
	_ =	sdelay $0x1  }
0xaf: {  	[tilespmem:$0x1FAE0] =	vst v0;
	v0 =	vimm.s32 $0x6F6E6D6C  }
0xb0: {  	v0 =	vunpack.c.0.s8.s32 v0  }
0xb1: {  	v1 =	vimm.s32 $0x63626160  }
0xb2: {  	[tilespmem:$0x1FAF0] =	vst v0;
	v0 =	vunpack.c.0.s8.s32 v1;
	_ =	sdelay $0x1  }
0xb3: {  	[tilespmem:$0x1FB00] =	vst v0;
	v0 =	vimm.s32 $0x67666564  }
0xb4: {  	v0 =	vunpack.c.0.s8.s32 v0;
	_ =	sdelay $0x1  }
0xb5: {  	[tilespmem:$0x1FB10] =	vst v0;
	v0 =	vimm.s32 $0x6B6A6968  }
0xb6: {  	v0 =	vunpack.c.0.s8.s32 v0  }
0xb7: {  	v1 =	vimm.s32 $0x7F7E7D7C  }
0xb8: {  	[tilespmem:$0x1FB20] =	vst v0;
	v0 =	vunpack.c.0.s8.s32 v1;
	_ =	sdelay $0x1  }
0xb9: {  	[tilespmem:$0x1FB30] =	vst v0;
	v0 =	vimm.s32 $0x73727170  }
0xba: {  	v0 =	vunpack.c.0.s8.s32 v0;
	_ =	sdelay $0x1  }
0xbb: {  	[tilespmem:$0x1FB40] =	vst v0;
	v0 =	vimm.s32 $0x77767574  }
0xbc: {  	v0 =	vunpack.c.0.s8.s32 v0  }
0xbd: {  	v1 =	vimm.s32 $0x7B7A7978  }
0xbe: {  	[tilespmem:$0x1FB50] =	vst v0;
	v0 =	vunpack.c.0.s8.s32 v1;
	_ =	sdelay $0x1  }
0xbf: {  	v2 =	vimm.s32 $0x7A797877;
	[tilespmem:$0x1FB60] =	vst v0;
	v0 =	vimm.s32 $0x43210FED  }
0xc0: {  	v2 =	vunpack.c.0.s8.s32 v2;
	v1 =	vimm.s32 $0xCBA98765;
	v0 =	vunpack.c.l.s4.s8 v0  }
0xc1: {  	vm0 =	vcmask $0x1F10;
	v1 =	vunpack.c.l.s4.s8 v1  }
0xc2: {  	v50 =	vsel vm0, v9, v6;
	[tilespmem:$0x1F980] =	vst v2;
	v2 =	vimm.s32 $0x543210FE;
	v0 =	vunpack.c.0.s8.s32 v0  }
0xc3: {  	v46 =	vimm.s32 $0x6543210F;
	[tilespmem:$0x1FBD0] =	vst v50;
	v2 =	vunpack.c.l.s4.s8 v2;
	v1 =	vunpack.c.0.s8.s32 v1  }
0xc4: {  	s0 =	rddreg [dreg:$0x0];
	v5 =	vimm.s32 $0xEDCBA987;
	v3 =	vimm.s32 $0xDCBA9876;
	[tilespmem:$0x1FB70] =	vst v0;
	v0 =	vunpack.c.l.s4.s8 v46  }
0xc5: {  	s1 =	rddreg [dreg:$0x1];
	v51 =	vsel vm0, v15, v12;
	v3 =	vunpack.c.l.s4.s8 v3;
	[tilespmem:$0x1FB80] =	vst v1;
	v1 =	vunpack.c.0.s8.s32 v2  }
0xc6: {  	s6 =	rddreg [dreg:$0x2];
	v49 =	vunpack.c.l.s4.s8 v5;
	[tilespmem:$0x1FBE0] =	vst v51;
	v0 =	vunpack.c.0.s8.s32 v0  }
0xc7: {  	s7 =	rddreg [dreg:$0x3];
	[tilespmem:$0x1FB90] =	vst v1;
	v1 =	vunpack.c.0.s8.s32 v3  }
0xc8: {  	s2 =	rddreg [dreg:$0x4];
	[tilespmem:$0x1FBB0] =	vst v0;
	v0 =	vunpack.c.0.s8.s32 v49  }
0xc9: {  	s8 =	rddreg [dreg:$0x5];
	s5 =	simm.s32 $0x0;
	[tilespmem:$0x1FBA0] =	vst v1  }
0xca: {  	s4 =	srdreg.scid;
	[smem:$0x7FF] =	sst s5;
	v52 =	vsel vm0, v20, v8;
	[tilespmem:$0x1FBC0] =	vst v0  }
0xcb: {  	s9 =	sand.u32 $0x1, s4;
	s4 =	rddreg [dreg:$0x6];
	v42 =	vsel vm0, v38, v37;
	_ =	strace $0x80000047;
	[tilespmem:$0x1FBF0] =	vst v52  }
0xcc: {  	v43 =	vsel vm0, v18, v17;
	v44 =	vsel vm0, v21, v19;
	[tilespmem:$0x1FC00] =	vst v42  }
0xcd: {  	v46 =	vcombine.low v44, v43;
	[tilespmem:$0x1FC10] =	vst v43  }
0xce: {  	v32 =	vmov v15;
	[tilespmem:$0x1FC20] =	vst v44  }
0xcf: {  	v15 =	vcombine.low v51, v50;
	v50 =	vsel vm0, v25, v45;
	v49 =	vsel vm0, v24, v23;
	[tilespmem:$0x1FC30] =	vst v46  }
0xd0: {  	v5 =	vcombine.low v50, v49;
	[tilespmem:$0x1FC40] =	vst v49  }
0xd1: {  	[tilespmem:$0x1FC50] =	vst v50  }
0xd2: {  	v51 =	vsel vm0, v48, v27;
	[tilespmem:$0x1FC60] =	vst v5  }
0xd3: {  	[tilespmem:$0x1FC70] =	vst v51  }
0xd4: {  	v29 =	vmov v6;
	[tilespmem:$0x1FD00] =	vst v11  }
0xd5: {  	v30 =	vmov v9;
	[tilespmem:$0x1FD10] =	vst v29  }
0xd6: {  	v31 =	vmov v12;
	[tilespmem:$0x1FD20] =	vst v30  }
0xd7: {  	[tilespmem:$0x1FD30] =	vst v31  }
0xd8: {  	v33 =	vmov v8;
	[tilespmem:$0x1FD40] =	vst v32  }
0xd9: {  	v34 =	vmov v20;
	[tilespmem:$0x1FD50] =	vst v33  }
0xda: {  	v35 =	vmov v37;
	[tilespmem:$0x1FD60] =	vst v34  }
0xdb: {  	v36 =	vmov v38;
	[tilespmem:$0x1FD70] =	vst v35  }
0xdc: {  	v37 =	vmov v17;
	[tilespmem:$0x1FD80] =	vst v36  }
0xdd: {  	[tilespmem:$0x1FD90] =	vst v37  }
0xde: {  	v39 =	vmov v19;
	[tilespmem:$0x1FDA0] =	vst v18  }
0xdf: {  	[tilespmem:$0x1FDB0] =	vst v39  }
0xe0: {  	[tilespmem:$0x1FDC0] =	vst v21  }
0xe1: {  	[tilespmem:$0x1FDD0] =	vst v23  }
0xe2: {  	[tilespmem:$0x1FDE0] =	vst v24  }
0xe3: {  	[tilespmem:$0x1FDF0] =	vst v45  }
0xe4: {  	[tilespmem:$0x1FE00] =	vst v25  }
0xe5: {  	[tilespmem:$0x1FE10] =	vst v27  }
0xe6: {  	[tilespmem:$0x1FE30] =	vst v54  }
0xe7: {  	[tilespmem:$0x1FE40] =	vst v61  }
0xe8: {  	[tilespmem:$0x1FE50] =	vst v40  }
0xe9: {  	[tilespmem:$0x1FE60] =	vst v55  }
0xea: {  	[tilespmem:$0x1FE80] =	vst v53  }
0xeb: {  	[tilespmem:$0x1FE90] =	vst v47  }
0xec: {  	[tilespmem:$0x1FEA0] =	vst v22  }
0xed: {  	[tilespmem:$0x1FEB0] =	vst v13  }
0xee: {  	[tilespmem:$0x1FEC0] =	vst v14  }
0xef: {  	[tilespmem:$0x1FED0] =	vst v57  }
0xf0: {  	[tilespmem:$0x1FEE0] =	vst v56  }
0xf1: {  	[tilespmem:$0x1FEF0] =	vst v58  }
0xf2: {  	[tilespmem:$0x1FF00] =	vst v59  }
0xf3: {  	[tilespmem:$0x1FF10] =	vst v60  }
0xf4: {  	[tilespmem:$0x1FF20] =	vst v28  }
0xf5: {  	v17 =	vcombine.low v42, v52;
	[tilespmem:$0x1FF30] =	vst v63  }
0xf6: {  	[tilespmem:$0x1FFB0] =	vst v15  }
0xf7: {  	[tilespmem:$0x1FFC0] =	vst v17  }
0xf8: {  	[tilespmem:$0x1FFE0] =	vst v26  }
0xf9: {  	v52 =	vsel vm0, v61, v54;
	[tilespmem:$0x1FFF0] =	vst v62  }
0xfa: {  	v5 =	vsel vm0, v55, v40;
	[tilespmem:$0x1FC80] =	vst v52  }
0xfb: {  	v49 =	vsel vm0, v53, v16;
	[tilespmem:$0x1FCA0] =	vst v5  }
0xfc: {  	v50 =	vsel vm0, v22, v47;
	[tilespmem:$0x1FCB0] =	vst v49  }
0xfd: {  	v0 =	vlaneseq.u32;
	v46 =	vmov v48;
	[tilespmem:$0x1FCD0] =	vst v50  }
0xfe: {  	v2 =	vor.u32 $0x10, v0;
	[tilespmem:$0x1FE20] =	vst v46  }
0xff: {  	v3 =	vor.u32 $0x20, v0;
	[tilespmem:$0x1FF50] =	vst v2  }
0x100: {  	v4 =	vor.u32 $0x30, v0;
	[tilespmem:$0x1FF60] =	vst v3  }
0x101: {  	v7 =	vor.u32 $0x40, v0;
	[tilespmem:$0x1FF70] =	vst v4  }
0x102: {  	v10 =	vor.u32 $0x50, v0;
	[tilespmem:$0x1FF80] =	vst v7  }
0x103: {  	v12 =	vor.u32 $0x60, v0;
	[tilespmem:$0x1FF90] =	vst v10  }
0x104: {  	v48 =	vcombine.low v52, v51;
	v52 =	vsel vm0, v14, v13;
	[tilespmem:$0x1FFA0] =	vst v12  }
0x105: {  	s3 =	stileid.u32;
	s12 =	simm.s32 $0x11680;
	s13 =	simm.s32 $0x50;
	v1 =	vmul.u32 $0x80, v0;
	v51 =	vmov v16;
	[tilespmem:$0x1FCE0] =	vst v52  }
0x106: {  	s14 =	simm.s32 $0x4F00;
	s15 =	simm.s32 $0x9F00;
	s10 =	sshll.u32 s3, $0x1;
	[tilespmem:$0x1FE70] =	vst v51  }
0x107: {  	s16 =	simm.s32 $0x1;
	s10 =	sor.u32 s9, s10;
	s9 =	ssub.s32 $0x2, s9;
	v16 =	vor.u32 $0x70, v0;
	v0 =	vcombine.low v49, v5;
	[tilespmem:$0x1FF40] =	vst v1  }
0x108: {  	s17 =	simm.s32 $0x2;
	s10 =	smul.u32 $0x4E2, s10;
	s11 =	sshrl.u32 s9, $0x1;
	[tilespmem:$0x1FFD0] =	vst v16  }
0x109: {  	s18 =	simm.s32 $0xEF00;
	s19 =	simm.s32 $0x0;
	s9 =	ssub.s32 s9, s11;
	[tilespmem:$0x1FCC0] =	vst v0;
	v0 =	vcombine.low v52, v50  }
0x10a: {  	s11 =	simm.s32 $0x2780;
	s6 =	sadd.s32 s6, s10;
	s7 =	sadd.s32 s7, s10;
	v38 =	vmov v18;
	[tilespmem:$0x1FC90] =	vst v48  }
0x10b: {  	s8 =	sadd.s32 s8, s10;
	s9 =	smax.u32 s9, $0x1;
	s10 =	simm.s32 $0x3;
	v20 =	vmovc v21;
	v41 =	vmovc v23;
	v42 =	vmov v24;
	v43 =	vmov v45;
	v44 =	vmov v25;
	[tilespmem:$0x1FCF0] =	vst v0  }
.LBB2_1:
0x10c: {  	[tilespmem:s5], [sflag:$0x3] =	stream.linear.gather [hbm4b:s6+s5], $0x2710, $0x38;
	[tilespmem:$0x11700] =	vst v63  }
0x10d: {  	_ =	swait.ge [sflag:s10], $0x2710  }
0x10e: {  	[sflag:s10] =	ssyncset.done $0x0  }
0x10f: {  	[sflag:s10] =	ssyncadd.s32 $0xFFFFD8F0  }
0x110: {  	[tilespmem:s11], [sflag:$0x3] =	stream.linear.gather [hbm4b:s7+s5], $0x2710, $0x38;
	[tilespmem:$0x11700] =	vst v63  }
0x111: {  	_ =	swait.ge [sflag:s10], $0x2710  }
0x112: {  	[sflag:s10] =	ssyncset.done $0x0  }
0x113: {  	[sflag:s10] =	ssyncadd.s32 $0xFFFFD8F0  }
0x114: {  	[tilespmem:s12], [sflag:$0x3] =	stream.linear.gather [hbm4b:s2+s5], $0x80, $0x38;
	[tilespmem:$0x11700] =	vst v63  }
0x115: {  	_ =	swait.ge [sflag:s10], $0x80  }
0x116: {  	[sflag:s10] =	ssyncset.done $0x0  }
0x117: {  	[sflag:s10] =	ssyncadd.s32 $0xFFFFFF80  }
0x118: {  	v5 =	vld [tilespmem:$0x11680]  }
0x119: {  	v6 =	vld [tilespmem:$0x11690]  }
0x11a: {  	[tilespmem:s14], [sflag:$0x1] =	stream.indirect.gather [hbm4b:s0+s13], $0x80, s5, s13, $0xb8;
	[tilespmem:$0x11700] =	vst v63  }
0x11b: {  	_ = 	snop  }
0x11c: {  	[tilespmem:s15], [sflag:$0x2] =	stream.indirect.gather [hbm4b:s1+s13], $0x80, s11, s13, $0xb8;
	[tilespmem:$0x11700] =	vst v63  }
0x11d: {  	[tilespmem:$0x1F610] =	vst v5  }
0x11e: {  	p0 =	por $0x0, $0x0;
	s20 =	simm.s32 $0xEF00;
	s21 =	simm.s32 $0x0;
	[tilespmem:$0x1F620] =	vst v6  }
.LBB2_2:
0x11f: {  	_ =	swait.ge [sflag:s16], $0x2800  }
0x120: {  	s22 =	sand.u32 $0x1, s21;
	p1 =	seq.s32 s21, $0x7C;
	[sflag:s16] =	ssyncset.done $0x0  }
0x121: {  	s22 =	sxor.u32 @!p1 $0x1, s22;
	s23 =	smul.u32 @!p1 $0x50, s21;
	[sflag:s16] =	ssyncadd.s32 $0xFFFFD800  }
0x122: {  	s22 =	smul.u32 @!p1 $0x2800, s22;
	_ =	swait.ge [sflag:s17], $0x2800  }
0x123: {  	s26 =	simm.s32 @!p1 $0x50;
	[sflag:s17] =	ssyncset.done $0x0  }
0x124: {  	s24 =	sadd.s32 @!p1 $0x50, s23;
	s25 =	sadd.s32 @!p1 $0x4F00, s22;
	[sflag:s17] =	ssyncadd.s32 $0xFFFFD800  }
0x125: {  	[tilespmem:s25], [sflag:$0x1] =	stream.indirect.gather @!p1 [hbm4b:s0+s26], $0x80, s24, s26, $0xb8;
	[tilespmem:$0x11700] =	vst v63  }
0x126: {  	s24 =	simm.s32 $0x1  }
0x127: {  	s23 =	sadd.s32 @!p1 $0x27D0, s23;
	s22 =	sadd.s32 @!p1 $0x9F00, s22;
	s24 =	simm.s32 @!p0 $0x0  }
0x128: {  	v0 =	vmov s20;
	[tilespmem:s22], [sflag:$0x2] =	stream.indirect.gather @!p1 [hbm4b:s1+s26], $0x80, s23, s26, $0xb8;
	[tilespmem:$0x11700] =	vst v63  }
0x129: {  	[tilespmem:$0x1F600] =	vst v0;
	s22 =	smul.u32 $0x50, s24;
	s23 =	simm.s32 $0x0  }
.LBB2_3:
0x12a: {  	_ = 	snop  }
0x12b: {  	v2 =	vld [tilespmem:$0x1FF50]  }
0x12c: {  	v0 =	vmov s22;
	v3 =	vld [tilespmem:$0x1FF60]  }
0x12d: {  	v5 =	vld [tilespmem:$0x1FF70];
	v0 =	vshll.u32 v0, $0x7  }
0x12e: {  	v7 =	vld [tilespmem:$0x1FF80];
	v27 =	vor.u32 v1, v0;
	v1 =	vlaneseq.u32  }
0x12f: {  	v10 =	vld [tilespmem:$0x1FF90];
	v1 =	vor.u32 v1, v27  }
0x130: {  	v13 =	vld [tilespmem:$0x1FFA0]  }
0x131: {  	v18 =	vld [tilespmem:$0x1FD00];
	v2 =	vor.u32 v2, v27  }
0x132: {  	v22 =	vld [tilespmem:$0x1FFB0]  }
0x133: {  	v25 =	vld [tilespmem:$0x1FFC0];
	v3 =	vor.u32 v3, v27  }
0x134: {  	v4 =	vld.idx.msk [tilespmem:v1+s14+$0x0], $0xffff  }
0x135: {  	v5 =	vor.u32 v5, v27;
	v1 =	vld.idx.msk [tilespmem:v1+s15+$0x0], $0xffff  }
0x136: {  	v6 =	vld.idx.msk [tilespmem:v2+s14+$0x0], $0xffff  }
0x137: {  	v7 =	vor.u32 v7, v27;
	v2 =	vld.idx.msk [tilespmem:v2+s15+$0x0], $0xffff  }
0x138: {  	v8 =	vld.idx.msk [tilespmem:v3+s14+$0x0], $0xffff  }
0x139: {  	v10 =	vor.u32 v10, v27;
	v3 =	vld.idx.msk [tilespmem:v3+s15+$0x0], $0xffff  }
0x13a: {  	v9 =	vld.idx.msk [tilespmem:v5+s14+$0x0], $0xffff  }
0x13b: {  	v13 =	vor.u32 v13, v27;
	v5 =	vld.idx.msk [tilespmem:v5+s15+$0x0], $0xffff  }
0x13c: {  	v12 =	vld.idx.msk [tilespmem:v7+s14+$0x0], $0xffff  }
0x13d: {  	v15 =	vor.u32 v16, v27;
	v7 =	vld.idx.msk [tilespmem:v7+s15+$0x0], $0xffff  }
0x13e: {  	v17 =	vld.idx.msk [tilespmem:v10+s14+$0x0], $0xffff  }
0x13f: {  	v18 =	vor.u32 v18, v27;
	v10 =	vld.idx.msk [tilespmem:v10+s15+$0x0], $0xffff  }
0x140: {  	v28 =	vmov v20;
	v20 =	vld.idx.msk [tilespmem:v13+s14+$0x0], $0xffff  }
0x141: {  	v22 =	vor.u32 v22, v27;
	v13 =	vld.idx.msk [tilespmem:v13+s15+$0x0], $0xffff  }
0x142: {  	v23 =	vld.idx.msk [tilespmem:v15+s14+$0x0], $0xffff;
	v11 =	vmul.f32 v1, v4  }
0x143: {  	v15 =	vld.idx.msk [tilespmem:v15+s15+$0x0], $0xffff;
	v14 =	vmul.f32 v2, v6;
	v4 =	vmul.f32 v4, v4  }
0x144: {  	v24 =	vld.idx.msk [tilespmem:v18+s14+$0x0], $0xffff;
	v1 =	vmul.f32 v1, v1;
	v21 =	vmul.f32 v7, v12;
	v11 =	vadd.f32 $0.0e+00, v11  }
0x145: {  	v53 =	vld.idx.msk [tilespmem:v18+s15+$0x0], $0xffff;
	v16 =	vmul.f32 v3, v8;
	v6 =	vmul.f32 v6, v6  }
0x146: {  	v61 =	vld.idx.msk [tilespmem:v22+s14+$0x0], $0xffff;
	v11 =	vadd.f32 v21, v11;
	v21 =	vmul.f32 v10, v17;
	v17 =	vmul.f32 v17, v17  }
0x147: {  	v40 =	vmul.f32 v13, v20;
	v18 =	vmul.f32 v20, v20;
	v20 =	vld.idx.msk [tilespmem:v22+s15+$0x0], $0xffff  }
0x148: {  	v8 =	vmul.f32 v8, v8;
	v14 =	vadd.f32 $0.0e+00, v14;
	v6 =	vadd.f32 v17, v6;
	v17 =	vld [tilespmem:$0x1FC30]  }
0x149: {  	v25 =	vor.u32 v25, v27;
	v19 =	vmul.f32 v5, v9;
	v5 =	vmul.f32 v5, v5  }
0x14a: {  	v22 =	vld [tilespmem:$0x1FC60];
	v55 =	vadd.f32 v21, v14;
	v21 =	vmul.f32 v15, v23;
	v15 =	vmul.f32 v15, v15  }
0x14b: {  	v9 =	vmul.f32 v9, v9;
	v12 =	vmul.f32 v12, v12  }
0x14c: {  	v16 =	vadd.f32 $0.0e+00, v16;
	v5 =	vadd.f32 v15, v5;
	v15 =	vmul.f32 v20, v61  }
0x14d: {  	v48 =	vmovc v42;
	v19 =	vadd.f32 $0.0e+00, v19;
	v4 =	vadd.f32 v12, v4;
	v17 =	vor.u32 v17, v27  }
0x14e: {  	v50 =	vmovc v41;
	v7 =	vmul.f32 v7, v7;
	v8 =	vadd.f32 v18, v8;
	v42 =	vadd.f32 v15, v55;
	v15 =	vld [tilespmem:$0x1FC90]  }
0x14f: {  	v18 =	vld.idx.msk [tilespmem:v25+s14+$0x0], $0xffff;
	v22 =	vor.u32 v22, v27;
	v41 =	vadd.f32 v21, v19;
	v21 =	vmul.f32 v24, v24  }
0x150: {  	v1 =	vadd.f32 v7, v1;
	v7 =	vadd.f32 v40, v16;
	v16 =	vmul.f32 v23, v23;
	v19 =	vld.idx.msk [tilespmem:v25+s15+$0x0], $0xffff  }
0x151: {  	v4 =	vadd.f32 v21, v4;
	v21 =	vld [tilespmem:$0x1FCC0]  }
0x152: {  	v9 =	vadd.f32 v16, v9;
	v16 =	vmul.f32 v53, v24;
	v23 =	vld.idx.msk [tilespmem:v17+s14+$0x0], $0xffff  }
0x153: {  	v54 =	vmovc v44;
	v0 =	vld [tilespmem:$0x1F640];
	v2 =	vmul.f32 v2, v2;
	v3 =	vmul.f32 v3, v3;
	v15 =	vor.u32 v15, v27  }
0x154: {  	v13 =	vmul.f32 v13, v13;
	v44 =	vmul.f32 v20, v20;
	v11 =	vadd.f32 v16, v11;
	v16 =	vld.idx.msk [tilespmem:v22+s14+$0x0], $0xffff  }
0x155: {  	v51 =	vmov v43;
	v20 =	vmul.f32 v19, v18;
	v18 =	vmul.f32 v18, v18;
	v17 =	vld.idx.msk [tilespmem:v17+s15+$0x0], $0xffff  }
0x156: {  	v52 =	vmul.f32 v10, v10;
	v3 =	vadd.f32 v13, v3;
	v43 =	vld.idx.msk [tilespmem:v22+s15+$0x0], $0xffff;
	v19 =	vmul.f32 v19, v19  }
0x157: {  	v40 =	vld [tilespmem:$0x1F670];
	v21 =	vor.u32 v21, v27;
	v8 =	vadd.f32 v18, v8;
	v18 =	vmul.f32 v23, v23  }
0x158: {  	v3 =	vadd.f32 v19, v3;
	v19 =	vld.idx.msk [tilespmem:v15+s14+$0x0], $0xffff  }
0x159: {  	v2 =	vadd.f32 v52, v2;
	v9 =	vadd.f32 v18, v9;
	v18 =	vld [tilespmem:$0x1FCF0]  }
0x15a: {  	v10 =	vmul.f32 v53, v53;
	v15 =	vld.idx.msk [tilespmem:v15+s15+$0x0], $0xffff;
	v45 =	vmul.f32 v17, v23  }
0x15b: {  	v2 =	vadd.f32 v44, v2;
	v44 =	vld [tilespmem:$0x1F660];
	v46 =	vmul.f32 v17, v17;
	v17 =	vmul.f32 v43, v16  }
0x15c: {  	v14 =	vmul.f32 v61, v61;
	v47 =	vld.idx.msk [tilespmem:v21+s14+$0x0], $0xffff  }
0x15d: {  	v1 =	vadd.f32 v10, v1;
	v16 =	vmul.f32 v16, v16;
	v11 =	vadd.f32 v17, v11;
	v17 =	vld.idx.msk [tilespmem:v21+s15+$0x0], $0xffff  }
0x15e: {  	v25 =	vld [tilespmem:$0x1F650];
	v7 =	vadd.f32 v20, v7;
	v20 =	vcombine.low v56, v57;
	v18 =	vor.u32 v18, v27  }
0x15f: {  	v6 =	vadd.f32 v14, v6;
	v24 =	vld [tilespmem:$0x1F6C0];
	v4 =	vadd.f32 v16, v4;
	v16 =	vmul.f32 v15, v19  }
0x160: {  	v22 =	vsel vm0, v26, v60;
	v20 =	vand.u32 $0xF, v20;
	v13 =	vadd.f32 v45, v41;
	v41 =	vld [tilespmem:$0x1F6D0]  }
0x161: {  	v12 =	vmul.f32 v43, v43;
	v20 =	vor.u32 v20, v27;
	v10 =	vadd.f32 v16, v42;
	v42 =	vld [tilespmem:$0x1F6B0]  }
0x162: {  	[tilespmem:$0x1EEF0] =	vst v22;
	v21 =	vsel vm0, v59, v58;
	v14 =	vmul.f32 v47, v47;
	v16 =	vmul.f32 v17, v47;
	v47 =	vld [tilespmem:$0x1F6A0]  }
0x163: {  	[tilespmem:$0x1EEE0] =	vst v21;
	v49 =	vcombine.low v22, v21;
	v21 =	vld.idx.msk [tilespmem:v18+s14+$0x0], $0xffff  }
0x164: {  	v1 =	vadd.f32 v12, v1;
	v23 =	vsel vm0, v25, v0;
	v22 =	vsel vm0, v63, v62;
	v18 =	vld.idx.msk [tilespmem:v18+s15+$0x0], $0xffff  }
0x165: {  	v56 =	vld [tilespmem:$0x1F690];
	v5 =	vadd.f32 v46, v5;
	[tilespmem:$0x1EF00] =	vst v22;
	v19 =	vmul.f32 v19, v19;
	v12 =	vor.u32 v49, v27  }
0x166: {  	v22 =	vcombine.low v23, v22;
	v15 =	vmul.f32 v15, v15;
	v7 =	vadd.f32 v16, v7;
	v16 =	vld.idx.msk [tilespmem:v20+s15+$0x0], $0xffff  }
0x167: {  	v0 =	vld [tilespmem:$0x1F720];
	[tilespmem:$0x1EF10] =	vst v23;
	v6 =	vadd.f32 v19, v6;
	v53 =	vsel vm0, v41, v24;
	v23 =	vsel vm0, v42, v47  }
0x168: {  	v62 =	vld [tilespmem:$0x1F680];
	v2 =	vadd.f32 v15, v2;
	v15 =	vmul.f32 v17, v17;
	[tilespmem:$0x1EF40] =	vst v23;
	v23 =	vcombine.low v53, v23  }
0x169: {  	v19 =	vld.idx.msk [tilespmem:v20+s14+$0x0], $0xffff;
	v22 =	vor.u32 v22, v27;
	v52 =	vmul.f32 v18, v21;
	v18 =	vmul.f32 v18, v18  }
0x16a: {  	v3 =	vadd.f32 v15, v3;
	v15 =	vld.idx.msk [tilespmem:v12+s14+$0x0], $0xffff  }
0x16b: {  	v57 =	vmul.f32 v16, v16;
	v5 =	vadd.f32 v18, v5;
	v18 =	vor.u32 v23, v27;
	v23 =	vld [tilespmem:$0x1F730]  }
0x16c: {  	v17 =	vsel vm0, v40, v44;
	v12 =	vld.idx.msk [tilespmem:v12+s15+$0x0], $0xffff  }
0x16d: {  	[tilespmem:$0x1EF20] =	vst v17;
	v20 =	vsel vm0, v56, v62;
	v1 =	vadd.f32 v57, v1;
	v57 =	vld [tilespmem:$0x1F740]  }
0x16e: {  	[tilespmem:$0x1EF30] =	vst v20;
	v17 =	vcombine.low v20, v17;
	v20 =	vmul.f32 v21, v21;
	v21 =	vld.idx.msk [tilespmem:v22+s14+$0x0], $0xffff  }
0x16f: {  	v22 =	vld.idx.msk [tilespmem:v22+s15+$0x0], $0xffff  }
0x170: {  	v23 =	vsel vm0, v23, v0;
	v0 =	vld [tilespmem:$0x1F750];
	_ =	sdelay $0x1  }
0x171: {  	v55 =	vmul.f32 v16, v19;
	v16 =	vmul.f32 v12, v15;
	_ =	sdelay $0x1  }
0x172: {  	v61 =	vmul.f32 v15, v15;
	v10 =	vadd.f32 v16, v10  }
0x173: {  	v13 =	vadd.f32 v52, v13;
	v16 =	vmul.f32 v22, v21;
	v52 =	vsel vm0, v0, v57  }
0x174: {  	v43 =	vld [tilespmem:$0x1F700];
	[tilespmem:$0x1EF50] =	vst v53;
	v53 =	vmul.f32 v21, v21;
	v21 =	vcombine.low v52, v23  }
0x175: {  	v0 =	vld [tilespmem:$0x1F760]  }
0x176: {  	v6 =	vadd.f32 v61, v6;
	v61 =	vor.u32 v21, v27;
	v21 =	vld [tilespmem:$0x1F770]  }
0x177: {  	v46 =	vld [tilespmem:$0x1F6F0]  }
0x178: {  	v45 =	vld [tilespmem:$0x1F710]  }
0x179: {  	v49 =	vld [tilespmem:$0x1F6E0];
	v17 =	vor.u32 v17, v27  }
0x17a: {  	v11 =	vadd.f32 v55, v11;
	v55 =	vmul.f32 v22, v22;
	v22 =	vld [tilespmem:$0x1F790]  }
0x17b: {  	v21 =	vsel vm0, v21, v0;
	v0 =	vld [tilespmem:$0x1F7A0]  }
0x17c: {  	v19 =	vmul.f32 v19, v19;
	_ =	sdelay $0x1  }
0x17d: {  	v4 =	vadd.f32 v19, v4;
	v19 =	vsel vm0, v46, v49;
	v15 =	vld.idx.msk [tilespmem:v17+s14+$0x0], $0xffff  }
0x17e: {  	[tilespmem:$0x1EF60] =	vst v19;
	v17 =	vld.idx.msk [tilespmem:v17+s15+$0x0], $0xffff;
	v9 =	vadd.f32 v20, v9;
	v20 =	vsel vm0, v45, v43  }
0x17f: {  	[tilespmem:$0x1EF70] =	vst v20;
	v19 =	vcombine.low v20, v19;
	v20 =	vld.idx.msk [tilespmem:v18+s14+$0x0], $0xffff;
	v22 =	vsel vm0, v0, v22  }
0x180: {  	v8 =	vadd.f32 v14, v8;
	v18 =	vld.idx.msk [tilespmem:v18+s15+$0x0], $0xffff;
	[tilespmem:$0x1EFA0] =	vst v21;
	v21 =	vcombine.low v22, v21  }
0x181: {  	[tilespmem:$0x1EFB0] =	vst v22;
	v22 =	vld [tilespmem:$0x1F7C0]  }
0x182: {  	v8 =	vadd.f32 v53, v8;
	v53 =	vor.u32 v21, v27;
	v21 =	vld [tilespmem:$0x1F7B0];
	_ =	sdelay $0x1  }
0x183: {  	v7 =	vadd.f32 v16, v7;
	v16 =	vmul.f32 v17, v15;
	_ =	sdelay $0x1  }
0x184: {  	v13 =	vadd.f32 v16, v13;
	v16 =	vmul.f32 v17, v17  }
0x185: {  	v17 =	vmul.f32 v18, v20;
	v21 =	vcombine.low v22, v21  }
0x186: {  	v0 =	vld [tilespmem:$0x1F7D0]  }
0x187: {  	v11 =	vadd.f32 v17, v11;
	v17 =	vmul.f32 v20, v20;
	v20 =	vand.u32 $0xF, v21;
	v21 =	vld [tilespmem:$0x1F7E0];
	_ =	sdelay $0x2  }
0x188: {  	v19 =	vor.u32 v19, v27  }
0x189: {  	v22 =	vld [tilespmem:$0x1F7F0]  }
0x18a: {  	v21 =	vsel vm0, v21, v0;
	v0 =	vld [tilespmem:$0x1F800];
	_ =	sdelay $0x2  }
0x18b: {  	[tilespmem:$0x1EF90] =	vst v52;
	v52 =	vmul.f32 v15, v15;
	v15 =	vld.idx.msk [tilespmem:v19+s14+$0x0], $0xffff  }
0x18c: {  	v19 =	vld.idx.msk [tilespmem:v19+s15+$0x0], $0xffff  }
0x18d: {  	[tilespmem:$0x1EFC0] =	vst v21;
	v22 =	vsel vm0, v0, v22;
	v0 =	vld [tilespmem:$0x1F810]  }
0x18e: {  	[tilespmem:$0x1EFD0] =	vst v22;
	v21 =	vcombine.low v22, v21;
	v22 =	vld [tilespmem:$0x1F820];
	_ =	sdelay $0x1  }
0x18f: {  	v5 =	vadd.f32 v16, v5;
	v16 =	vld.idx.msk [tilespmem:v61+s14+$0x0], $0xffff;
	_ =	sdelay $0x1  }
0x190: {  	[tilespmem:$0x1EF80] =	vst v23;
	v23 =	vld [tilespmem:$0x1F830];
	v4 =	vadd.f32 v17, v4  }
0x191: {  	v17 =	vmul.f32 v19, v15;
	v15 =	vmul.f32 v15, v15;
	v22 =	vsel vm0, v22, v0;
	v0 =	vld [tilespmem:$0x1F840];
	_ =	sdelay $0x1  }
0x192: {  	v14 =	vld.idx.msk [tilespmem:v61+s15+$0x0], $0xffff;
	v6 =	vadd.f32 v15, v6;
	v15 =	vmul.f32 v16, v16  }
0x193: {  	v20 =	vor.u32 v20, v27  }
0x194: {  	v8 =	vadd.f32 v15, v8;
	v15 =	vld [tilespmem:$0x1F860]  }
0x195: {  	v23 =	vsel vm0, v0, v23;
	v0 =	vld [tilespmem:$0x1F850];
	_ =	sdelay $0x1  }
0x196: {  	v10 =	vadd.f32 v17, v10;
	v17 =	vmul.f32 v14, v16  }
0x197: {  	v16 =	vld.idx.msk [tilespmem:v20+s14+$0x0], $0xffff  }
0x198: {  	v7 =	vadd.f32 v17, v7;
	v17 =	vld.idx.msk [tilespmem:v20+s15+$0x0], $0xffff  }
0x199: {  	v20 =	vsel vm0, v15, v0;
	v15 =	vld [tilespmem:$0x1F870]  }
0x19a: {  	v12 =	vmul.f32 v12, v12;
	v0 =	vld [tilespmem:$0x1F880]  }
0x19b: {  	v18 =	vmul.f32 v18, v18  }
0x19c: {  	v2 =	vadd.f32 v12, v2  }
0x19d: {  	v1 =	vadd.f32 v18, v1;
	v18 =	vmul.f32 v19, v19;
	[tilespmem:$0x1EFE0] =	vst v22;
	v22 =	vcombine.low v23, v22;
	_ =	sdelay $0x1  }
0x19e: {  	v2 =	vadd.f32 v18, v2;
	v18 =	vor.u32 v22, v27;
	[tilespmem:$0x1F000] =	vst v20;
	v22 =	vsel vm0, v0, v15;
	v0 =	vld [tilespmem:$0x1F890]  }
0x19f: {  	[tilespmem:$0x1F010] =	vst v22;
	v20 =	vcombine.low v22, v20;
	v22 =	vld [tilespmem:$0x1F8A0];
	_ =	sdelay $0x3  }
0x1a0: {  	[tilespmem:$0x1EFF0] =	vst v23;
	v23 =	vld [tilespmem:$0x1F8B0]  }
0x1a1: {  	v22 =	vsel vm0, v22, v0;
	v0 =	vld [tilespmem:$0x1F8C0];
	_ =	sdelay $0x1  }
0x1a2: {  	v21 =	vor.u32 v21, v27  }
0x1a3: {  	v61 =	vld [tilespmem:$0x1F8E0]  }
0x1a4: {  	v19 =	vld.idx.msk [tilespmem:v53+s14+$0x0], $0xffff  }
0x1a5: {  	v23 =	vsel vm0, v0, v23;
	v0 =	vld [tilespmem:$0x1F8D0]  }
0x1a6: {  	v12 =	vld.idx.msk [tilespmem:v53+s15+$0x0], $0xffff  }
0x1a7: {  	v15 =	vld.idx.msk [tilespmem:v21+s14+$0x0], $0xffff  }
0x1a8: {  	v21 =	vld.idx.msk [tilespmem:v21+s15+$0x0], $0xffff  }
0x1a9: {  	v53 =	vld [tilespmem:$0x1F8F0]  }
0x1aa: {  	v9 =	vadd.f32 v52, v9;
	v52 =	vsel vm0, v61, v0;
	v0 =	vld [tilespmem:$0x1F900]  }
0x1ab: {  	v3 =	vadd.f32 v55, v3;
	v55 =	vmul.f32 v12, v19;
	_ =	sdelay $0x1  }
0x1ac: {  	v13 =	vadd.f32 v55, v13;
	v55 =	vmul.f32 v21, v15  }
0x1ad: {  	v61 =	vmul.f32 v15, v15;
	v15 =	vmul.f32 v21, v21;
	v21 =	vld [tilespmem:$0x1F920]  }
0x1ae: {  	v53 =	vsel vm0, v0, v53;
	v0 =	vld [tilespmem:$0x1F910];
	_ =	sdelay $0x2  }
0x1af: {  	v19 =	vmul.f32 v19, v19  }
0x1b0: {  	v14 =	vmul.f32 v14, v14;
	v20 =	vor.u32 v20, v27;
	[tilespmem:$0x1F020] =	vst v22;
	v22 =	vcombine.low v23, v22  }
0x1b1: {  	v9 =	vadd.f32 v19, v9;
	[tilespmem:$0x1F040] =	vst v52;
	v19 =	vcombine.low v53, v52;
	v52 =	vsel vm0, v21, v0;
	v21 =	vld [tilespmem:$0x1F930]  }
0x1b2: {  	v22 =	vor.u32 v22, v27;
	v0 =	vld [tilespmem:$0x1F940]  }
0x1b3: {  	v3 =	vadd.f32 v14, v3;
	v14 =	vmul.f32 v17, v16;
	[tilespmem:$0x1F030] =	vst v23;
	v23 =	vld.idx.msk [tilespmem:v18+s14+$0x0], $0xffff  }
0x1b4: {  	v17 =	vmul.f32 v17, v17;
	v18 =	vld.idx.msk [tilespmem:v18+s15+$0x0], $0xffff  }
0x1b5: {  	v11 =	vadd.f32 v14, v11;
	v14 =	vld.idx.msk [tilespmem:v20+s14+$0x0], $0xffff  }
0x1b6: {  	v1 =	vadd.f32 v17, v1;
	v17 =	vld.idx.msk [tilespmem:v20+s15+$0x0], $0xffff  }
0x1b7: {  	v16 =	vmul.f32 v16, v16;
	v20 =	vld.idx.msk [tilespmem:v22+s14+$0x0], $0xffff;
	[tilespmem:$0x1F050] =	vst v53;
	v53 =	vsel vm0, v0, v21  }
0x1b8: {  	v21 =	vld.idx.msk [tilespmem:v22+s15+$0x0], $0xffff;
	v22 =	vcombine.low v53, v52  }
0x1b9: {  	v4 =	vadd.f32 v16, v4;
	v10 =	vadd.f32 v55, v10;
	v55 =	vmul.f32 v18, v18;
	v0 =	vld [tilespmem:$0x1F950]  }
0x1ba: {  	v16 =	vor.u32 v19, v27;
	v19 =	vmul.f32 v18, v23;
	v18 =	vor.u32 v22, v27;
	v22 =	vld [tilespmem:$0x1F960];
	_ =	sdelay $0x3  }
0x1bb: {  	v6 =	vadd.f32 v61, v6;
	v61 =	vmul.f32 v23, v23;
	v23 =	vld [tilespmem:$0x1F970]  }
0x1bc: {  	v22 =	vsel vm0, v22, v0;
	v0 =	vld [tilespmem:$0x1F980];
	_ =	sdelay $0x4  }
0x1bd: {  	v3 =	vadd.f32 v55, v3;
	v55 =	vld [tilespmem:$0x1F990];
	[tilespmem:$0x1F060] =	vst v52;
	v23 =	vsel vm0, v0, v23  }
0x1be: {  	[tilespmem:$0x1F080] =	vst v22;
	v52 =	vcombine.low v23, v22;
	v22 =	vld [tilespmem:$0x1F9A0];
	_ =	sdelay $0x3  }
0x1bf: {  	v8 =	vadd.f32 v61, v8;
	v61 =	vmul.f32 v14, v14;
	v0 =	vld [tilespmem:$0x1F9B0]  }
0x1c0: {  	v7 =	vadd.f32 v19, v7;
	v19 =	vmul.f32 v17, v14;
	v14 =	vcombine.low v22, v55;
	v22 =	vld [tilespmem:$0x1F9C0]  }
0x1c1: {  	v2 =	vadd.f32 v15, v2;
	v15 =	vld.idx.msk [tilespmem:v16+s14+$0x0], $0xffff  }
0x1c2: {  	v12 =	vmul.f32 v12, v12;
	v16 =	vld.idx.msk [tilespmem:v16+s15+$0x0], $0xffff;
	_ =	sdelay $0x1  }
0x1c3: {  	v5 =	vadd.f32 v12, v5;
	v17 =	vmul.f32 v17, v17;
	[tilespmem:$0x1F090] =	vst v23;
	v23 =	vld [tilespmem:$0x1F9D0]  }
0x1c4: {  	v13 =	vadd.f32 v19, v13;
	v22 =	vsel vm0, v22, v0;
	v0 =	vld [tilespmem:$0x1F9E0]  }
0x1c5: {  	v5 =	vadd.f32 v17, v5;
	v17 =	vmul.f32 v20, v20;
	v19 =	vmul.f32 v21, v20  }
0x1c6: {  	v20 =	vmul.f32 v21, v21;
	v21 =	vmul.f32 v16, v15;
	_ =	sdelay $0x1  }
0x1c7: {  	v10 =	vadd.f32 v21, v10;
	v21 =	vld [tilespmem:$0x1FA00]  }
0x1c8: {  	v23 =	vsel vm0, v0, v23;
	v0 =	vld [tilespmem:$0x1F9F0];
	_ =	sdelay $0x4  }
0x1c9: {  	v4 =	vadd.f32 v17, v4;
	[tilespmem:$0x1F0B0] =	vst v22;
	v17 =	vcombine.low v23, v22;
	v22 =	vsel vm0, v21, v0;
	v21 =	vld [tilespmem:$0x1FA10]  }
0x1ca: {  	v0 =	vld [tilespmem:$0x1FA20];
	_ =	sdelay $0x4  }
0x1cb: {  	[tilespmem:$0x1F0D0] =	vst v22;
	v21 =	vsel vm0, v0, v21;
	v0 =	vld [tilespmem:$0x1FA30]  }
0x1cc: {  	[tilespmem:$0x1F0C0] =	vst v21;
	v21 =	vcombine.low v21, v22;
	v22 =	vld [tilespmem:$0x1FA40];
	_ =	sdelay $0x1  }
0x1cd: {  	v11 =	vadd.f32 v19, v11;
	v19 =	vld.idx.msk [tilespmem:v18+s14+$0x0], $0xffff  }
0x1ce: {  	v18 =	vld.idx.msk [tilespmem:v18+s15+$0x0], $0xffff  }
0x1cf: {  	[tilespmem:$0x1F0A0] =	vst v23;
	v23 =	vld [tilespmem:$0x1FA50]  }
0x1d0: {  	v22 =	vsel vm0, v22, v0;
	v0 =	vld [tilespmem:$0x1FA60];
	_ =	sdelay $0x1  }
0x1d1: {  	v15 =	vmul.f32 v15, v15  }
0x1d2: {  	[tilespmem:$0x1F070] =	vst v53;
	v53 =	vor.u32 v52, v27  }
0x1d3: {  	v6 =	vadd.f32 v15, v6;
	v15 =	vmul.f32 v18, v19  }
0x1d4: {  	v23 =	vsel vm0, v0, v23;
	v0 =	vld [tilespmem:$0x1FA70]  }
0x1d5: {  	v7 =	vadd.f32 v15, v7;
	[tilespmem:$0x1F0F0] =	vst v22;
	v15 =	vcombine.low v23, v22;
	v22 =	vld [tilespmem:$0x1FA80];
	_ =	sdelay $0x1  }
0x1d6: {  	v1 =	vadd.f32 v20, v1;
	v20 =	vld.idx.msk [tilespmem:v53+s14+$0x0], $0xffff  }
0x1d7: {  	v12 =	vld.idx.msk [tilespmem:v53+s15+$0x0], $0xffff  }
0x1d8: {  	[tilespmem:$0x1F0E0] =	vst v23;
	v23 =	vld [tilespmem:$0x1FA90]  }
0x1d9: {  	v16 =	vmul.f32 v16, v16;
	v22 =	vsel vm0, v22, v0;
	v0 =	vld [tilespmem:$0x1FAA0];
	_ =	sdelay $0x1  }
0x1da: {  	v2 =	vadd.f32 v16, v2;
	v16 =	vmul.f32 v19, v19;
	_ =	sdelay $0x1  }
0x1db: {  	v8 =	vadd.f32 v16, v8;
	v16 =	vmul.f32 v12, v20  }
0x1dc: {  	v23 =	vsel vm0, v0, v23;
	v0 =	vld [tilespmem:$0x1FAB0]  }
0x1dd: {  	v13 =	vadd.f32 v16, v13;
	[tilespmem:$0x1F100] =	vst v23;
	v16 =	vcombine.low v23, v22;
	v23 =	vld [tilespmem:$0x1FAC0];
	_ =	sdelay $0x2  }
0x1de: {  	v14 =	vand.u32 $0xF, v14  }
0x1df: {  	v9 =	vadd.f32 v61, v9;
	v61 =	vld [tilespmem:$0x1FAD0];
	v14 =	vor.u32 v14, v27  }
0x1e0: {  	v23 =	vsel vm0, v23, v0;
	v0 =	vld [tilespmem:$0x1FAE0];
	_ =	sdelay $0x2  }
0x1e1: {  	v17 =	vor.u32 v17, v27  }
0x1e2: {  	v19 =	vld.idx.msk [tilespmem:v14+s14+$0x0], $0xffff  }
0x1e3: {  	v21 =	vor.u32 v21, v27;
	v52 =	vsel vm0, v0, v61;
	v0 =	vld [tilespmem:$0x1FAF0]  }
0x1e4: {  	v18 =	vmul.f32 v18, v18;
	v61 =	vld [tilespmem:$0x1FB00]  }
0x1e5: {  	v14 =	vld.idx.msk [tilespmem:v14+s15+$0x0], $0xffff  }
0x1e6: {  	v3 =	vadd.f32 v18, v3;
	v18 =	vmul.f32 v20, v20;
	v20 =	vld.idx.msk [tilespmem:v17+s14+$0x0], $0xffff  }
0x1e7: {  	v17 =	vld.idx.msk [tilespmem:v17+s15+$0x0], $0xffff  }
0x1e8: {  	v15 =	vor.u32 v15, v27;
	[tilespmem:$0x1F110] =	vst v22;
	v22 =	vld.idx.msk [tilespmem:v21+s14+$0x0], $0xffff  }
0x1e9: {  	[tilespmem:$0x1F120] =	vst v52;
	v55 =	vcombine.low v52, v23;
	v52 =	vsel vm0, v61, v0;
	v61 =	vld [tilespmem:$0x1FB10]  }
0x1ea: {  	v0 =	vld [tilespmem:$0x1FB20]  }
0x1eb: {  	v12 =	vmul.f32 v12, v12;
	v21 =	vld.idx.msk [tilespmem:v21+s15+$0x0], $0xffff  }
0x1ec: {  	v9 =	vadd.f32 v18, v9;
	v18 =	vmul.f32 v14, v19  }
0x1ed: {  	v5 =	vadd.f32 v12, v5;
	v19 =	vmul.f32 v19, v19;
	[tilespmem:$0x1F130] =	vst v23;
	v23 =	vld.idx.msk [tilespmem:v15+s14+$0x0], $0xffff  }
0x1ee: {  	v12 =	vmul.f32 v14, v14;
	v11 =	vadd.f32 v18, v11;
	v16 =	vor.u32 v16, v27;
	v15 =	vld.idx.msk [tilespmem:v15+s15+$0x0], $0xffff  }
0x1ef: {  	v18 =	vmul.f32 v17, v20;
	v14 =	vor.u32 v55, v27;
	v55 =	vld [tilespmem:$0x1FB40];
	v53 =	vsel vm0, v0, v61  }
0x1f0: {  	v4 =	vadd.f32 v19, v4;
	[tilespmem:$0x1F150] =	vst v52;
	v61 =	vmul.f32 v21, v22;
	v19 =	vcombine.low v53, v52;
	v52 =	vld [tilespmem:$0x1FB50]  }
0x1f1: {  	v1 =	vadd.f32 v12, v1;
	v17 =	vmul.f32 v17, v17;
	[tilespmem:$0x1F140] =	vst v53;
	v53 =	vld [tilespmem:$0x1FB60]  }
0x1f2: {  	v20 =	vmul.f32 v20, v20;
	v10 =	vadd.f32 v18, v10;
	v7 =	vadd.f32 v61, v7;
	v61 =	vld [tilespmem:$0x1FB30]  }
0x1f3: {  	v2 =	vadd.f32 v17, v2;
	v12 =	vmul.f32 v22, v22;
	v18 =	vld.idx.msk [tilespmem:v16+s14+$0x0], $0xffff;
	v17 =	vor.u32 v19, v27  }
0x1f4: {  	v30 =	vsel vm0, v31, v30;
	v31 =	vsel vm0, v29, v32;
	v16 =	vld.idx.msk [tilespmem:v16+s15+$0x0], $0xffff  }
0x1f5: {  	v32 =	vsel vm0, v35, v34;
	v6 =	vadd.f32 v20, v6;
	v8 =	vadd.f32 v12, v8;
	v12 =	vld.idx.msk [tilespmem:v14+s15+$0x0], $0xffff  }
0x1f6: {  	v20 =	vmul.f32 v15, v23;
	v19 =	vmul.f32 v21, v21;
	v21 =	vld.idx.msk [tilespmem:v14+s14+$0x0], $0xffff;
	v0 =	vsel vm0, v53, v52  }
0x1f7: {  	v33 =	vsel vm0, v33, v36;
	v15 =	vmul.f32 v15, v15;
	v22 =	vsel vm0, v55, v61;
	[tilespmem:$0x1F160] =	vst v0  }
0x1f8: {  	v13 =	vadd.f32 v20, v13;
	[tilespmem:$0x1F170] =	vst v22;
	v14 =	vcombine.low v0, v22;
	v22 =	vld.idx.msk [tilespmem:v17+s14+$0x0], $0xffff  }
0x1f9: {  	v20 =	vmul.f32 v16, v18;
	v18 =	vmul.f32 v18, v18;
	v5 =	vadd.f32 v15, v5;
	v15 =	vld.idx.msk [tilespmem:v17+s15+$0x0], $0xffff  }
0x1fa: {  	v36 =	vcombine.low v33, v32;
	v3 =	vadd.f32 v19, v3;
	v19 =	vmul.f32 v23, v23;
	v0 =	vld [tilespmem:$0x1FB70]  }
0x1fb: {  	v4 =	vadd.f32 v18, v4;
	v18 =	vmul.f32 v12, v21;
	v12 =	vmul.f32 v12, v12;
	v17 =	vld [tilespmem:$0x1FB80]  }
0x1fc: {  	v35 =	vsel vm0, v51, v48;
	v9 =	vadd.f32 v19, v9  }
0x1fd: {  	v19 =	vmul.f32 v21, v21;
	v2 =	vadd.f32 v12, v2;
	v12 =	vor.u32 v36, v27  }
0x1fe: {  	v36 =	vsel vm0, v37, v28;
	v37 =	vsel vm0, v50, v54;
	v21 =	vmul.f32 v22, v22  }
0x1ff: {  	v10 =	vadd.f32 v18, v10;
	v18 =	vmul.f32 v15, v22;
	v22 =	vcombine.low v37, v35  }
0x200: {  	v17 =	vcombine.low v17, v0;
	v0 =	vld [tilespmem:$0x1FE30]  }
0x201: {  	v54 =	vor.u32 v22, v27;
	v22 =	vld [tilespmem:$0x1FE20];
	_ =	sdelay $0x4  }
0x202: {  	v34 =	vsel vm0, v39, v38;
	v38 =	vsel vm0, v0, v22;
	v0 =	vld [tilespmem:$0x1FE40]  }
0x203: {  	v22 =	vld [tilespmem:$0x1FE10];
	_ =	sdelay $0x3  }
0x204: {  	v23 =	vld [tilespmem:$0x1FE60];
	v14 =	vor.u32 v14, v27  }
0x205: {  	v39 =	vsel vm0, v22, v0;
	v0 =	vld [tilespmem:$0x1FE70];
	_ =	sdelay $0x1  }
0x206: {  	v16 =	vmul.f32 v16, v16  }
0x207: {  	v29 =	vld [tilespmem:$0x1FBA0];
	v17 =	vand.u32 $0xF, v17  }
0x208: {  	v1 =	vadd.f32 v16, v1;
	v16 =	vld.idx.msk [tilespmem:v14+s14+$0x0], $0xffff;
	v17 =	vor.u32 v17, v27  }
0x209: {  	v11 =	vadd.f32 v20, v11;
	v20 =	vcombine.low v31, v30;
	v48 =	vsel vm0, v0, v23;
	v0 =	vld [tilespmem:$0x1FE80]  }
0x20a: {  	v23 =	vld [tilespmem:$0x1FE50]  }
0x20b: {  	v20 =	vor.u32 v20, v27;
	v14 =	vld.idx.msk [tilespmem:v14+s15+$0x0], $0xffff  }
0x20c: {  	v28 =	vld [tilespmem:$0x1FEA0]  }
0x20d: {  	v7 =	vadd.f32 v18, v7;
	v18 =	vld.idx.msk [tilespmem:v17+s14+$0x0], $0xffff  }
0x20e: {  	v6 =	vadd.f32 v19, v6;
	v15 =	vmul.f32 v15, v15;
	v17 =	vld.idx.msk [tilespmem:v17+s15+$0x0], $0xffff  }
0x20f: {  	v19 =	vcombine.low v36, v34;
	v8 =	vadd.f32 v21, v8;
	v50 =	vsel vm0, v23, v0;
	v0 =	vld [tilespmem:$0x1FEB0]  }
0x210: {  	v21 =	vld.idx.msk [tilespmem:v20+s14+$0x0], $0xffff;
	v3 =	vadd.f32 v15, v3;
	v15 =	vmul.f32 v14, v16;
	v16 =	vmul.f32 v16, v16  }
0x211: {  	v20 =	vld.idx.msk [tilespmem:v20+s15+$0x0], $0xffff  }
0x212: {  	v19 =	vor.u32 v19, v27;
	v9 =	vadd.f32 v16, v9;
	v16 =	vld.idx.msk [tilespmem:v12+s14+$0x0], $0xffff  }
0x213: {  	v13 =	vadd.f32 v15, v13;
	v12 =	vld.idx.msk [tilespmem:v12+s15+$0x0], $0xffff;
	v15 =	vmul.f32 v17, v18  }
0x214: {  	v14 =	vmul.f32 v14, v14;
	v18 =	vmul.f32 v18, v18;
	v51 =	vsel vm0, v0, v28;
	v0 =	vld [tilespmem:$0x1FEC0]  }
0x215: {  	v11 =	vadd.f32 v15, v11;
	v15 =	vmul.f32 v17, v17;
	v17 =	vcombine.low v39, v38;
	v28 =	vld [tilespmem:$0x1FE90]  }
0x216: {  	v5 =	vadd.f32 v14, v5;
	v14 =	vld.idx.msk [tilespmem:v54+s15+$0x0], $0xffff  }
0x217: {  	v22 =	vld.idx.msk [tilespmem:v19+s14+$0x0], $0xffff;
	v4 =	vadd.f32 v18, v4;
	v18 =	vmul.f32 v20, v21;
	v17 =	vor.u32 v17, v27  }
0x218: {  	v19 =	vld.idx.msk [tilespmem:v19+s15+$0x0], $0xffff;
	v21 =	vmul.f32 v21, v21  }
0x219: {  	v1 =	vadd.f32 v15, v1;
	v15 =	vmul.f32 v20, v20;
	v20 =	vld.idx.msk [tilespmem:v54+s14+$0x0], $0xffff;
	v10 =	vadd.f32 v18, v10  }
0x21a: {  	v18 =	vmul.f32 v12, v16;
	v16 =	vmul.f32 v16, v16;
	v54 =	vsel vm0, v28, v0;
	v0 =	vld [tilespmem:$0x1FB90]  }
0x21b: {  	v6 =	vadd.f32 v21, v6;
	v12 =	vmul.f32 v12, v12;
	v23 =	vcombine.low v50, v48  }
0x21c: {  	v21 =	vmul.f32 v22, v22;
	v2 =	vadd.f32 v15, v2;
	v8 =	vadd.f32 v16, v8;
	v16 =	vld.idx.msk [tilespmem:v17+s14+$0x0], $0xffff  }
0x21d: {  	v7 =	vadd.f32 v18, v7;
	v18 =	vmul.f32 v19, v22;
	v17 =	vld.idx.msk [tilespmem:v17+s15+$0x0], $0xffff;
	v23 =	vor.u32 v23, v27  }
0x21e: {  	v3 =	vadd.f32 v12, v3;
	v12 =	vmul.f32 v19, v19;
	v15 =	vcombine.low v54, v51  }
0x21f: {  	v13 =	vadd.f32 v18, v13;
	v18 =	vmul.f32 v20, v20;
	v22 =	vcombine.low v29, v0  }
0x220: {  	v5 =	vadd.f32 v12, v5;
	v12 =	vmul.f32 v14, v14;
	v15 =	vor.u32 v15, v27  }
0x221: {  	v19 =	vmul.f32 v14, v20;
	v4 =	vadd.f32 v18, v4;
	v18 =	vand.u32 $0xF, v22  }
0x222: {  	v1 =	vadd.f32 v12, v1;
	v20 =	vld.idx.msk [tilespmem:v23+s14+$0x0], $0xffff;
	v12 =	vor.u32 v18, v27;
	v18 =	vmul.f32 v17, v16  }
0x223: {  	v9 =	vadd.f32 v21, v9;
	v21 =	vsel vm0, v60, v59;
	v14 =	vld.idx.msk [tilespmem:v23+s15+$0x0], $0xffff;
	v22 =	vsel vm0, v58, v26  }
0x224: {  	[tilespmem:$0x1F190] =	vst v21;
	v10 =	vadd.f32 v18, v10;
	v18 =	vcombine.low v22, v21;
	v21 =	vld [tilespmem:$0x1F640]  }
0x225: {  	v11 =	vadd.f32 v19, v11;
	v19 =	vld.idx.msk [tilespmem:v15+s14+$0x0], $0xffff  }
0x226: {  	v16 =	vmul.f32 v16, v16;
	v15 =	vld.idx.msk [tilespmem:v15+s15+$0x0], $0xffff;
	_ =	sdelay $0x1  }
0x227: {  	v6 =	vadd.f32 v16, v6;
	v16 =	vmul.f32 v14, v20;
	v18 =	vor.u32 v18, v27  }
0x228: {  	v20 =	vmul.f32 v20, v20;
	v21 =	vsel vm0, v21, v63;
	v63 =	vld [tilespmem:$0x1FFF0]  }
0x229: {  	v7 =	vadd.f32 v16, v7;
	v16 =	vld.idx.msk [tilespmem:v12+s14+$0x0], $0xffff  }
0x22a: {  	v8 =	vadd.f32 v20, v8;
	v12 =	vld.idx.msk [tilespmem:v12+s15+$0x0], $0xffff;
	v20 =	vmul.f32 v15, v19;
	_ =	sdelay $0x1  }
0x22b: {  	v17 =	vmul.f32 v17, v17;
	v13 =	vadd.f32 v20, v13;
	v20 =	vld.idx.msk [tilespmem:v18+s14+$0x0], $0xffff  }
0x22c: {  	[tilespmem:$0x1F180] =	vst v22;
	v19 =	vmul.f32 v19, v19;
	v18 =	vld.idx.msk [tilespmem:v18+s15+$0x0], $0xffff;
	v22 =	vsel vm0, v63, v25  }
0x22d: {  	v2 =	vadd.f32 v17, v2;
	v17 =	vcombine.low v22, v21  }
0x22e: {  	v9 =	vadd.f32 v19, v9;
	v19 =	vmul.f32 v12, v16  }
0x22f: {  	v16 =	vmul.f32 v16, v16;
	v17 =	vor.u32 v17, v27  }
0x230: {  	v11 =	vadd.f32 v19, v11  }
0x231: {  	v4 =	vadd.f32 v16, v4;
	v16 =	vmul.f32 v18, v20;
	v19 =	vmul.f32 v20, v20;
	v20 =	vld [tilespmem:$0x1F730];
	_ =	sdelay $0x1  }
0x232: {  	v15 =	vmul.f32 v15, v15  }
0x233: {  	v62 =	vsel vm0, v62, v40;
	v40 =	vsel vm0, v24, v42;
	[tilespmem:$0x1F1A0] =	vst v22;
	v22 =	vld.idx.msk [tilespmem:v17+s14+$0x0], $0xffff  }
0x234: {  	v24 =	vsel vm0, v49, v45;
	v23 =	vsel vm0, v43, v46;
	v5 =	vadd.f32 v15, v5;
	v15 =	vld.idx.msk [tilespmem:v17+s15+$0x0], $0xffff  }
0x235: {  	[tilespmem:$0x1F1D0] =	vst v23;
	v17 =	vcombine.low v24, v23;
	v23 =	vsel vm0, v57, v20;
	v20 =	vld [tilespmem:$0x1F720]  }
0x236: {  	[tilespmem:$0x1F1C0] =	vst v24;
	v24 =	vld [tilespmem:$0x1F750]  }
0x237: {  	v41 =	vsel vm0, v47, v41  }
0x238: {  	[tilespmem:$0x1F1B0] =	vst v21;
	v21 =	vcombine.low v41, v40;
	_ =	sdelay $0x1  }
0x239: {  	v21 =	vor.u32 v21, v27  }
0x23a: {  	[tilespmem:$0x1F1F0] =	vst v23;
	v20 =	vsel vm0, v20, v24;
	v24 =	vld [tilespmem:$0x1F790]  }
0x23b: {  	[tilespmem:$0x1F1E0] =	vst v20;
	v20 =	vcombine.low v20, v23;
	v23 =	vld [tilespmem:$0x1F770]  }
0x23c: {  	v44 =	vsel vm0, v44, v56  }
0x23d: {  	v58 =	vcombine.low v44, v62;
	v14 =	vmul.f32 v14, v14;
	v25 =	vld [tilespmem:$0x1F7A0];
	v59 =	vor.u32 v17, v27  }
0x23e: {  	v10 =	vadd.f32 v16, v10;
	v16 =	vmul.f32 v18, v18;
	v18 =	vld.idx.msk [tilespmem:v21+s14+$0x0], $0xffff  }
0x23f: {  	v3 =	vadd.f32 v14, v3;
	v14 =	vor.u32 v58, v27;
	v21 =	vld.idx.msk [tilespmem:v21+s15+$0x0], $0xffff  }
0x240: {  	v12 =	vmul.f32 v12, v12;
	v23 =	vsel vm0, v24, v23;
	v24 =	vld [tilespmem:$0x1F760];
	_ =	sdelay $0x1  }
0x241: {  	v1 =	vadd.f32 v12, v1;
	v2 =	vadd.f32 v16, v2;
	v16 =	vld.idx.msk [tilespmem:v59+s14+$0x0], $0xffff  }
0x242: {  	v6 =	vadd.f32 v19, v6;
	v19 =	vmul.f32 v15, v22;
	v15 =	vmul.f32 v15, v15;
	v12 =	vld.idx.msk [tilespmem:v59+s15+$0x0], $0xffff  }
0x243: {  	v17 =	vld.idx.msk [tilespmem:v14+s14+$0x0], $0xffff  }
0x244: {  	v14 =	vld.idx.msk [tilespmem:v14+s15+$0x0], $0xffff;
	v3 =	vadd.f32 v15, v3;
	v15 =	vmul.f32 v21, v18;
	v24 =	vsel vm0, v24, v25  }
0x245: {  	v7 =	vadd.f32 v19, v7;
	[tilespmem:$0x1F210] =	vst v23;
	v19 =	vcombine.low v24, v23;
	v23 =	vld [tilespmem:$0x1F7E0]  }
0x246: {  	v11 =	vadd.f32 v15, v11;
	v15 =	vmul.f32 v18, v18;
	[tilespmem:$0x1F200] =	vst v24;
	v24 =	vld [tilespmem:$0x1F7F0]  }
0x247: {  	v18 =	vmul.f32 v21, v21;
	v21 =	vmul.f32 v12, v16;
	v19 =	vor.u32 v19, v27  }
0x248: {  	v22 =	vmul.f32 v22, v22  }
0x249: {  	v10 =	vadd.f32 v21, v10;
	v21 =	vld [tilespmem:$0x1F830]  }
0x24a: {  	v8 =	vadd.f32 v22, v8;
	v22 =	vmul.f32 v14, v17;
	v25 =	vld [tilespmem:$0x1F800]  }
0x24b: {  	v20 =	vor.u32 v20, v27;
	v23 =	vsel vm0, v24, v23;
	v24 =	vld [tilespmem:$0x1F7D0]  }
0x24c: {  	v13 =	vadd.f32 v22, v13;
	v22 =	vld.idx.msk [tilespmem:v19+s14+$0x0], $0xffff  }
0x24d: {  	v4 =	vadd.f32 v15, v4;
	v15 =	vld.idx.msk [tilespmem:v19+s15+$0x0], $0xffff  }
0x24e: {  	v19 =	vld [tilespmem:$0x1F820];
	_ =	sdelay $0x1  }
0x24f: {  	v60 =	vld.idx.msk [tilespmem:v20+s14+$0x0], $0xffff  }
0x250: {  	v20 =	vld.idx.msk [tilespmem:v20+s15+$0x0], $0xffff;
	v24 =	vsel vm0, v24, v25  }
0x251: {  	v1 =	vadd.f32 v18, v1;
	[tilespmem:$0x1F230] =	vst v23;
	v18 =	vcombine.low v24, v23;
	v23 =	vld [tilespmem:$0x1F840]  }
0x252: {  	v19 =	vsel vm0, v21, v19;
	v21 =	vld [tilespmem:$0x1F810];
	_ =	sdelay $0x1  }
0x253: {  	v16 =	vmul.f32 v16, v16;
	_ =	sdelay $0x1  }
0x254: {  	v6 =	vadd.f32 v16, v6;
	v16 =	vor.u32 v18, v27;
	v18 =	vmul.f32 v20, v60  }
0x255: {  	v43 =	vmul.f32 v20, v20;
	v20 =	vld [tilespmem:$0x1F860];
	v21 =	vsel vm0, v21, v23  }
0x256: {  	v7 =	vadd.f32 v18, v7;
	[tilespmem:$0x1F240] =	vst v21;
	v18 =	vcombine.low v21, v19;
	v21 =	vld [tilespmem:$0x1F870];
	_ =	sdelay $0x3  }
0x257: {  	v23 =	vld [tilespmem:$0x1F880]  }
0x258: {  	v20 =	vsel vm0, v21, v20;
	v21 =	vld [tilespmem:$0x1F850];
	_ =	sdelay $0x3  }
0x259: {  	v28 =	vld [tilespmem:$0x1FBC0];
	[tilespmem:$0x1F250] =	vst v19;
	v19 =	vmul.f32 v15, v22  }
0x25a: {  	v26 =	vld [tilespmem:$0x1FBB0];
	v21 =	vsel vm0, v21, v23  }
0x25b: {  	v13 =	vadd.f32 v19, v13;
	[tilespmem:$0x1F260] =	vst v21;
	v19 =	vcombine.low v21, v20;
	v21 =	vld [tilespmem:$0x1F8A0]  }
0x25c: {  	[tilespmem:$0x1F270] =	vst v20;
	v20 =	vmul.f32 v22, v22;
	v22 =	vld [tilespmem:$0x1F8B0]  }
0x25d: {  	v17 =	vmul.f32 v17, v17;
	_ =	sdelay $0x1  }
0x25e: {  	v9 =	vadd.f32 v17, v9;
	v17 =	vcombine.low v28, v26  }
0x25f: {  	v23 =	vld [tilespmem:$0x1F8C0]  }
0x260: {  	v17 =	vand.u32 $0xF, v17;
	v22 =	vsel vm0, v22, v21;
	v21 =	vld [tilespmem:$0x1F890]  }
0x261: {  	v17 =	vor.u32 v17, v27;
	_ =	sdelay $0x2  }
0x262: {  	[tilespmem:$0x1F220] =	vst v24;
	v24 =	vld [tilespmem:$0x1F8F0]  }
0x263: {  	v21 =	vsel vm0, v21, v23;
	v23 =	vld [tilespmem:$0x1F8E0]  }
0x264: {  	v42 =	vld.idx.msk [tilespmem:v17+s14+$0x0], $0xffff  }
0x265: {  	v17 =	vld.idx.msk [tilespmem:v17+s15+$0x0], $0xffff  }
0x266: {  	v14 =	vmul.f32 v14, v14;
	v18 =	vor.u32 v18, v27  }
0x267: {  	v25 =	vld [tilespmem:$0x1F900]  }
0x268: {  	v5 =	vadd.f32 v14, v5;
	v15 =	vmul.f32 v15, v15;
	v23 =	vsel vm0, v24, v23;
	v24 =	vld [tilespmem:$0x1F8D0];
	_ =	sdelay $0x1  }
0x269: {  	v5 =	vadd.f32 v15, v5;
	v15 =	vmul.f32 v17, v17  }
0x26a: {  	v9 =	vadd.f32 v20, v9;
	v20 =	vmul.f32 v17, v42;
	v17 =	vld.idx.msk [tilespmem:v18+s15+$0x0], $0xffff;
	[tilespmem:$0x1F290] =	vst v22  }
0x26b: {  	[tilespmem:$0x1F280] =	vst v21;
	v21 =	vcombine.low v21, v22;
	v22 =	vld.idx.msk [tilespmem:v18+s14+$0x0], $0xffff  }
0x26c: {  	v24 =	vsel vm0, v24, v25;
	v25 =	vld [tilespmem:$0x1F930]  }
0x26d: {  	[tilespmem:$0x1F2A0] =	vst v24;
	v18 =	vcombine.low v24, v23;
	v24 =	vld [tilespmem:$0x1F920]  }
0x26e: {  	v45 =	vld.idx.msk [tilespmem:v16+s14+$0x0], $0xffff  }
0x26f: {  	v16 =	vld.idx.msk [tilespmem:v16+s15+$0x0], $0xffff  }
0x270: {  	v19 =	vor.u32 v19, v27  }
0x271: {  	v46 =	vld [tilespmem:$0x1F940]  }
0x272: {  	v24 =	vsel vm0, v25, v24;
	v25 =	vld [tilespmem:$0x1F910];
	_ =	sdelay $0x1  }
0x273: {  	v11 =	vadd.f32 v20, v11;
	v20 =	vmul.f32 v16, v45  }
0x274: {  	v47 =	vld.idx.msk [tilespmem:v19+s15+$0x0], $0xffff  }
0x275: {  	v10 =	vadd.f32 v20, v10;
	v21 =	vor.u32 v21, v27;
	[tilespmem:$0x1F2B0] =	vst v23;
	v23 =	vld.idx.msk [tilespmem:v19+s14+$0x0], $0xffff  }
0x276: {  	v20 =	vmul.f32 v22, v22;
	v19 =	vmul.f32 v17, v22;
	v22 =	vld [tilespmem:$0x1F960];
	v25 =	vsel vm0, v25, v46  }
0x277: {  	v1 =	vadd.f32 v15, v1;
	[tilespmem:$0x1F2D0] =	vst v24;
	v15 =	vcombine.low v25, v24;
	v24 =	vld [tilespmem:$0x1F970];
	_ =	sdelay $0x1  }
0x278: {  	v18 =	vor.u32 v18, v27  }
0x279: {  	v49 =	vmul.f32 v16, v16;
	v16 =	vld.idx.msk [tilespmem:v21+s14+$0x0], $0xffff  }
0x27a: {  	[tilespmem:$0x1F2C0] =	vst v25;
	v25 =	vld [tilespmem:$0x1F980]  }
0x27b: {  	v14 =	vmul.f32 v60, v60;
	v15 =	vor.u32 v15, v27;
	v22 =	vsel vm0, v24, v22;
	v24 =	vld [tilespmem:$0x1F950]  }
0x27c: {  	v3 =	vadd.f32 v43, v3;
	v21 =	vld.idx.msk [tilespmem:v21+s15+$0x0], $0xffff;
	v17 =	vmul.f32 v17, v17  }
0x27d: {  	v8 =	vadd.f32 v14, v8;
	v56 =	vld.idx.msk [tilespmem:v18+s14+$0x0], $0xffff  }
0x27e: {  	v3 =	vadd.f32 v17, v3;
	v17 =	vld.idx.msk [tilespmem:v18+s15+$0x0], $0xffff  }
0x27f: {  	v8 =	vadd.f32 v20, v8;
	v20 =	vmul.f32 v23, v23;
	v18 =	vmul.f32 v47, v23;
	v23 =	vld [tilespmem:$0x1F9D0]  }
0x280: {  	v57 =	vld.idx.msk [tilespmem:v15+s15+$0x0], $0xffff;
	v24 =	vsel vm0, v24, v25  }
0x281: {  	v7 =	vadd.f32 v19, v7;
	[tilespmem:$0x1F2F0] =	vst v22;
	v19 =	vcombine.low v24, v22;
	v22 =	vld.idx.msk [tilespmem:v15+s14+$0x0], $0xffff  }
0x282: {  	v13 =	vadd.f32 v18, v13;
	v18 =	vmul.f32 v21, v16;
	v15 =	vmul.f32 v21, v21;
	v21 =	vld [tilespmem:$0x1F9C0];
	_ =	sdelay $0x1  }
0x283: {  	v12 =	vmul.f32 v12, v12;
	_ =	sdelay $0x1  }
0x284: {  	v2 =	vadd.f32 v12, v2;
	v12 =	vmul.f32 v42, v42;
	[tilespmem:$0x1F2E0] =	vst v24;
	v24 =	vld [tilespmem:$0x1F9E0]  }
0x285: {  	v21 =	vsel vm0, v23, v21;
	v23 =	vld [tilespmem:$0x1F9B0]  }
0x286: {  	v4 =	vadd.f32 v12, v4;
	v16 =	vmul.f32 v16, v16  }
0x287: {  	v2 =	vadd.f32 v49, v2  }
0x288: {  	v4 =	vadd.f32 v16, v4;
	v16 =	vmul.f32 v17, v56;
	v17 =	vmul.f32 v17, v17;
	_ =	sdelay $0x1  }
0x289: {  	v2 =	vadd.f32 v17, v2;
	v17 =	vld [tilespmem:$0x1FA00];
	v23 =	vsel vm0, v23, v24  }
0x28a: {  	v1 =	vadd.f32 v15, v1;
	v15 =	vcombine.low v23, v21;
	v21 =	vld [tilespmem:$0x1FA10];
	_ =	sdelay $0x3  }
0x28b: {  	v10 =	vadd.f32 v16, v10;
	v58 =	vmul.f32 v57, v22;
	v16 =	vmul.f32 v22, v22;
	v22 =	vld [tilespmem:$0x1FA20]  }
0x28c: {  	v17 =	vsel vm0, v21, v17;
	v21 =	vld [tilespmem:$0x1F9F0];
	_ =	sdelay $0x3  }
0x28d: {  	v11 =	vadd.f32 v18, v11;
	v18 =	vld [tilespmem:$0x1F780];
	v19 =	vor.u32 v19, v27  }
0x28e: {  	v21 =	vsel vm0, v21, v22;
	v22 =	vld [tilespmem:$0x1FA50]  }
0x28f: {  	v8 =	vadd.f32 v16, v8;
	v16 =	vcombine.low v21, v17;
	v21 =	vld [tilespmem:$0x1FA40];
	_ =	sdelay $0x2  }
0x290: {  	v9 =	vadd.f32 v20, v9;
	v20 =	vld.idx.msk [tilespmem:v19+s14+$0x0], $0xffff  }
0x291: {  	v23 =	vld [tilespmem:$0x1FA60]  }
0x292: {  	v18 =	vor.u32 v18, v27;
	v21 =	vsel vm0, v22, v21;
	v22 =	vld [tilespmem:$0x1FA30]  }
0x293: {  	v19 =	vld.idx.msk [tilespmem:v19+s15+$0x0], $0xffff;
	_ =	sdelay $0x3  }
0x294: {  	v59 =	vld.idx.msk [tilespmem:v18+s14+$0x0], $0xffff;
	v22 =	vsel vm0, v22, v23  }
0x295: {  	v17 =	vld.idx.msk [tilespmem:v18+s15+$0x0], $0xffff;
	v18 =	vmul.f32 v19, v20;
	v21 =	vcombine.low v22, v21  }
0x296: {  	v22 =	vld [tilespmem:$0x1FA90]  }
0x297: {  	v60 =	vadd.f32 v18, v13;
	v18 =	vmul.f32 v19, v19;
	v19 =	vor.u32 v21, v27;
	v21 =	vld [tilespmem:$0x1FA80];
	_ =	sdelay $0x3  }
0x298: {  	v23 =	vld [tilespmem:$0x1FAA0]  }
0x299: {  	v21 =	vsel vm0, v22, v21;
	v22 =	vld [tilespmem:$0x1FA70];
	_ =	sdelay $0x4  }
0x29a: {  	v22 =	vsel vm0, v22, v23;
	v23 =	vld [tilespmem:$0x1FAD0]  }
0x29b: {  	v21 =	vcombine.low v22, v21;
	v22 =	vld [tilespmem:$0x1FAC0];
	_ =	sdelay $0x3  }
0x29c: {  	v24 =	vld [tilespmem:$0x1FAE0]  }
0x29d: {  	v22 =	vsel vm0, v23, v22;
	v23 =	vld [tilespmem:$0x1FAB0];
	_ =	sdelay $0x1  }
0x29e: {  	v15 =	vor.u32 v15, v27;
	_ =	sdelay $0x1  }
0x29f: {  	v25 =	vld [tilespmem:$0x1FB10]  }
0x2a0: {  	v23 =	vsel vm0, v23, v24;
	v24 =	vld [tilespmem:$0x1FB00];
	_ =	sdelay $0x1  }
0x2a1: {  	v14 =	vmul.f32 v45, v45;
	v45 =	vld.idx.msk [tilespmem:v15+s14+$0x0], $0xffff  }
0x2a2: {  	v12 =	vmul.f32 v47, v47;
	v15 =	vld.idx.msk [tilespmem:v15+s15+$0x0], $0xffff;
	v16 =	vor.u32 v16, v27  }
0x2a3: {  	v46 =	vld [tilespmem:$0x1FB20];
	v20 =	vmul.f32 v20, v20  }
0x2a4: {  	v5 =	vadd.f32 v12, v5;
	v24 =	vsel vm0, v25, v24;
	v25 =	vld [tilespmem:$0x1FAF0]  }
0x2a5: {  	v9 =	vadd.f32 v20, v9;
	v20 =	vmul.f32 v17, v59  }
0x2a6: {  	v43 =	vld [tilespmem:$0x1EF40];
	v6 =	vadd.f32 v14, v6;
	v5 =	vadd.f32 v18, v5;
	v17 =	vmul.f32 v17, v17  }
0x2a7: {  	v11 =	vadd.f32 v20, v11;
	v20 =	vld.idx.msk [tilespmem:v16+s14+$0x0], $0xffff;
	v18 =	vcombine.low v23, v22;
	v22 =	vmul.f32 v15, v45  }
0x2a8: {  	v14 =	vmul.f32 v56, v56;
	v16 =	vld.idx.msk [tilespmem:v16+s15+$0x0], $0xffff;
	v1 =	vadd.f32 v17, v1;
	v21 =	vor.u32 v21, v27  }
0x2a9: {  	v23 =	vld.idx.msk [tilespmem:v19+s14+$0x0], $0xffff;
	v10 =	vadd.f32 v22, v10;
	v17 =	vor.u32 v18, v27;
	v25 =	vsel vm0, v25, v46  }
0x2aa: {  	v19 =	vld.idx.msk [tilespmem:v19+s15+$0x0], $0xffff;
	v22 =	vsel vm0, v52, v55;
	v47 =	vcombine.low v25, v24;
	v24 =	vsel vm0, v61, v53  }
0x2ab: {  	v12 =	vmul.f32 v57, v57;
	v56 =	vcombine.low v24, v22;
	v22 =	vld [tilespmem:$0x1F630]  }
0x2ac: {  	v6 =	vadd.f32 v14, v6;
	v14 =	vmul.f32 v59, v59;
	v49 =	vmul.f32 v15, v15;
	v24 =	vld [tilespmem:$0x1FF20]  }
0x2ad: {  	v15 =	vmul.f32 v16, v20;
	v20 =	vmul.f32 v20, v20;
	v18 =	vld.idx.msk [tilespmem:v21+s14+$0x0], $0xffff  }
0x2ae: {  	v4 =	vadd.f32 v14, v4;
	v7 =	vadd.f32 v58, v7;
	v21 =	vld.idx.msk [tilespmem:v21+s15+$0x0], $0xffff;
	v14 =	vor.u32 v47, v27  }
0x2af: {  	v3 =	vadd.f32 v12, v3;
	v8 =	vadd.f32 v20, v8;
	v20 =	vld.idx.msk [tilespmem:v17+s14+$0x0], $0xffff  }
0x2b0: {  	v7 =	vadd.f32 v15, v7;
	v15 =	vmul.f32 v16, v16;
	v16 =	vmul.f32 v19, v23;
	v25 =	vld [tilespmem:$0x1FBE0]  }
0x2b1: {  	v22 =	vcombine.low v22, v24;
	v24 =	vld [tilespmem:$0x1FBD0]  }
0x2b2: {  	v3 =	vadd.f32 v15, v3;
	v12 =	vadd.f32 v16, v60;
	v15 =	vld.idx.msk [tilespmem:v17+s15+$0x0], $0xffff;
	v16 =	vmul.f32 v23, v23  }
0x2b3: {  	v13 =	vmul.f32 v45, v45;
	v17 =	vmul.f32 v19, v19;
	v19 =	vand.u32 $0xF, v22;
	v22 =	vld.idx.msk [tilespmem:v14+s14+$0x0], $0xffff  }
0x2b4: {  	v2 =	vadd.f32 v49, v2;
	v23 =	vmul.f32 v21, v18;
	v9 =	vadd.f32 v16, v9;
	v14 =	vld.idx.msk [tilespmem:v14+s15+$0x0], $0xffff  }
0x2b5: {  	v42 =	vld [tilespmem:$0x1EF00];
	v5 =	vadd.f32 v17, v5;
	v16 =	vmul.f32 v18, v18;
	v17 =	vmul.f32 v21, v21  }
0x2b6: {  	v6 =	vadd.f32 v13, v6;
	v55 =	vld [tilespmem:$0x1F7C0];
	v11 =	vadd.f32 v23, v11;
	v24 =	vcombine.low v24, v25  }
0x2b7: {  	v23 =	vld [tilespmem:$0x1FBF0];
	v4 =	vadd.f32 v16, v4;
	v1 =	vadd.f32 v17, v1;
	v13 =	vor.u32 v56, v27  }
0x2b8: {  	v16 =	vmul.f32 v15, v20;
	v15 =	vmul.f32 v15, v15;
	v18 =	vor.u32 v24, v27;
	v24 =	vld [tilespmem:$0x1FC00]  }
0x2b9: {  	v61 =	vld [tilespmem:$0x1FEE0];
	v17 =	vmul.f32 v20, v20;
	v19 =	vor.u32 v19, v27;
	v20 =	vmul.f32 v14, v22  }
0x2ba: {  	v2 =	vadd.f32 v15, v2;
	v15 =	vmul.f32 v22, v22;
	v22 =	vld [tilespmem:$0x1FC20]  }
0x2bb: {  	v7 =	vadd.f32 v20, v7;
	v20 =	vld [tilespmem:$0x1FC10]  }
0x2bc: {  	v21 =	vld.idx.msk [tilespmem:v13+s14+$0x0], $0xffff  }
0x2bd: {  	v13 =	vld.idx.msk [tilespmem:v13+s15+$0x0], $0xffff;
	v23 =	vcombine.low v23, v24  }
0x2be: {  	v6 =	vadd.f32 v17, v6;
	v17 =	vld.idx.msk [tilespmem:v19+s15+$0x0], $0xffff  }
0x2bf: {  	v10 =	vadd.f32 v16, v10;
	v16 =	vor.u32 v23, v27;
	v23 =	vld.idx.msk [tilespmem:v19+s14+$0x0], $0xffff  }
0x2c0: {  	v19 =	vld.idx.msk [tilespmem:v18+s14+$0x0], $0xffff;
	v20 =	vcombine.low v20, v22  }
0x2c1: {  	v22 =	vld [tilespmem:$0x1FC50]  }
0x2c2: {  	v57 =	vor.u32 v20, v27;
	v20 =	vld [tilespmem:$0x1FC40]  }
0x2c3: {  	v18 =	vld.idx.msk [tilespmem:v18+s15+$0x0], $0xffff  }
0x2c4: {  	v53 =	vld [tilespmem:$0x1F7B0];
	v8 =	vadd.f32 v15, v8;
	v15 =	vmul.f32 v13, v21;
	v21 =	vmul.f32 v21, v21  }
0x2c5: {  	v24 =	vld [tilespmem:$0x1FCE0]  }
0x2c6: {  	v12 =	vadd.f32 v15, v12;
	v9 =	vadd.f32 v21, v9;
	v15 =	vld.idx.msk [tilespmem:v16+s14+$0x0], $0xffff;
	v21 =	vmul.f32 v17, v23  }
0x2c7: {  	v58 =	vmul.f32 v17, v17;
	v17 =	vld [tilespmem:$0x1FC70];
	v20 =	vcombine.low v20, v22  }
0x2c8: {  	v22 =	vmul.f32 v23, v23;
	v23 =	vld [tilespmem:$0x1FC80];
	v11 =	vadd.f32 v21, v11;
	v21 =	vmul.f32 v18, v19  }
0x2c9: {  	v16 =	vld.idx.msk [tilespmem:v16+s15+$0x0], $0xffff  }
0x2ca: {  	v18 =	vmul.f32 v18, v18;
	v10 =	vadd.f32 v21, v10;
	v21 =	vld [tilespmem:$0x1FCA0]  }
0x2cb: {  	v20 =	vor.u32 v20, v27;
	v4 =	vadd.f32 v22, v4;
	v22 =	vld [tilespmem:$0x1FCB0]  }
0x2cc: {  	v2 =	vadd.f32 v18, v2;
	v18 =	vld [tilespmem:$0x1FED0]  }
0x2cd: {  	v14 =	vmul.f32 v14, v14;
	v17 =	vcombine.low v17, v23;
	v23 =	vld [tilespmem:$0x1FCD0]  }
0x2ce: {  	v59 =	vmul.f32 v19, v19;
	v19 =	vld.idx.msk [tilespmem:v57+s14+$0x0], $0xffff  }
0x2cf: {  	v3 =	vadd.f32 v14, v3;
	v14 =	vld.idx.msk [tilespmem:v57+s15+$0x0], $0xffff  }
0x2d0: {  	v13 =	vmul.f32 v13, v13;
	v21 =	vcombine.low v21, v22;
	v22 =	vld.idx.msk [tilespmem:v20+s14+$0x0], $0xffff  }
0x2d1: {  	v60 =	vmul.f32 v16, v15;
	v15 =	vmul.f32 v15, v15;
	v20 =	vld.idx.msk [tilespmem:v20+s15+$0x0], $0xffff  }
0x2d2: {  	v25 =	vld [tilespmem:$0x1EF30];
	v5 =	vadd.f32 v13, v5;
	v13 =	vcombine.low v18, v61;
	v23 =	vcombine.low v23, v24  }
0x2d3: {  	v8 =	vadd.f32 v15, v8;
	v17 =	vor.u32 v17, v27;
	v24 =	vld [tilespmem:$0x1EEF0]  }
0x2d4: {  	v18 =	vmul.f32 v14, v19;
	v13 =	vand.u32 $0xF, v13;
	v15 =	vor.u32 v23, v27;
	v23 =	vld [tilespmem:$0x1EEE0]  }
0x2d5: {  	v1 =	vadd.f32 v58, v1;
	v58 =	vld [tilespmem:$0x1EFC0];
	v16 =	vmul.f32 v16, v16;
	v13 =	vor.u32 v13, v27  }
0x2d6: {  	v6 =	vadd.f32 v59, v6;
	v59 =	vld [tilespmem:$0x1EFD0];
	v12 =	vadd.f32 v18, v12;
	v18 =	vmul.f32 v20, v22  }
0x2d7: {  	v3 =	vadd.f32 v16, v3;
	v61 =	vld [tilespmem:$0x1EFE0]  }
0x2d8: {  	v21 =	vor.u32 v21, v27;
	v16 =	vld.idx.msk [tilespmem:v17+s14+$0x0], $0xffff;
	v11 =	vadd.f32 v18, v11;
	v18 =	vmul.f32 v22, v22  }
0x2d9: {  	v23 =	vcombine.low v23, v24;
	v24 =	vld [tilespmem:$0x1EF10]  }
0x2da: {  	v4 =	vadd.f32 v18, v4;
	v18 =	vld.idx.msk [tilespmem:v13+s14+$0x0], $0xffff  }
0x2db: {  	v19 =	vmul.f32 v19, v19;
	v14 =	vmul.f32 v14, v14;
	v13 =	vld.idx.msk [tilespmem:v13+s15+$0x0], $0xffff  }
0x2dc: {  	v17 =	vld.idx.msk [tilespmem:v17+s15+$0x0], $0xffff  }
0x2dd: {  	v9 =	vadd.f32 v19, v9;
	v5 =	vadd.f32 v14, v5;
	v19 =	vld.idx.msk [tilespmem:v21+s14+$0x0], $0xffff  }
0x2de: {  	v20 =	vmul.f32 v20, v20;
	v23 =	vor.u32 v23, v27;
	v14 =	vcombine.low v42, v24;
	v24 =	vld [tilespmem:$0x1EF20]  }
0x2df: {  	v21 =	vld.idx.msk [tilespmem:v21+s15+$0x0], $0xffff  }
0x2e0: {  	v1 =	vadd.f32 v20, v1;
	v20 =	vld [tilespmem:$0x1EF50];
	v57 =	vmul.f32 v13, v18  }
0x2e1: {  	v22 =	vld.idx.msk [tilespmem:v15+s14+$0x0], $0xffff;
	v14 =	vor.u32 v14, v27  }
0x2e2: {  	v15 =	vld.idx.msk [tilespmem:v15+s15+$0x0], $0xffff;
	v11 =	vadd.f32 v57, v11  }
0x2e3: {  	v45 =	vld.idx.msk [tilespmem:v23+s14+$0x0], $0xffff;
	v24 =	vcombine.low v24, v25;
	v25 =	vmul.f32 v17, v16  }
0x2e4: {  	[tilespmem:$0x1F3F0] =	vst v11;
	v11 =	vcombine.low v58, v59;
	v58 =	vld [tilespmem:$0x1F040]  }
0x2e5: {  	v16 =	vmul.f32 v16, v16;
	v10 =	vadd.f32 v25, v10;
	v25 =	vld [tilespmem:$0x1EF70]  }
0x2e6: {  	v7 =	vadd.f32 v60, v7;
	v46 =	vmul.f32 v21, v21;
	v47 =	vld.idx.msk [tilespmem:v14+s15+$0x0], $0xffff  }
0x2e7: {  	v6 =	vadd.f32 v16, v6;
	v16 =	vmul.f32 v17, v17;
	v17 =	vmul.f32 v21, v19;
	v21 =	vld [tilespmem:$0x1EFB0]  }
0x2e8: {  	v52 =	vmul.f32 v15, v22;
	[tilespmem:$0x1F320] =	vst v10;
	v10 =	vcombine.low v43, v20;
	v20 =	vor.u32 v24, v27;
	v24 =	vld [tilespmem:$0x1EF60]  }
0x2e9: {  	v15 =	vmul.f32 v15, v15;
	v19 =	vmul.f32 v19, v19;
	v2 =	vadd.f32 v16, v2;
	v16 =	vld [tilespmem:$0x1EF80]  }
0x2ea: {  	v7 =	vadd.f32 v17, v7;
	v17 =	vld [tilespmem:$0x1EF90]  }
0x2eb: {  	v5 =	vadd.f32 v15, v5;
	v15 =	vmul.f32 v18, v18;
	v8 =	vadd.f32 v19, v8;
	v19 =	vld [tilespmem:$0x1EFA0]  }
0x2ec: {  	v43 =	vld [tilespmem:$0x1EFF0]  }
0x2ed: {  	v4 =	vadd.f32 v15, v4;
	[tilespmem:$0x1F340] =	vst v47;
	v15 =	vmul.f32 v47, v47;
	v47 =	vld [tilespmem:$0x1F000]  }
0x2ee: {  	v24 =	vcombine.low v24, v25;
	v25 =	vld.idx.msk [tilespmem:v23+s15+$0x0], $0xffff  }
0x2ef: {  	v10 =	vor.u32 v10, v27;
	v23 =	vld.idx.msk [tilespmem:v14+s14+$0x0], $0xffff  }
0x2f0: {  	v3 =	vadd.f32 v46, v3;
	v16 =	vcombine.low v16, v17;
	v17 =	vmul.f32 v22, v22;
	v22 =	vld.idx.msk [tilespmem:v20+s14+$0x0], $0xffff  }
0x2f1: {  	v13 =	vmul.f32 v13, v13;
	[tilespmem:$0x1F390] =	vst v7;
	v7 =	vadd.f32 v52, v12;
	v20 =	vld.idx.msk [tilespmem:v20+s15+$0x0], $0xffff  }
0x2f2: {  	v3 =	vadd.f32 v15, v3;
	v15 =	vld [tilespmem:$0x1F030];
	v49 =	vor.u32 v24, v27  }
0x2f3: {  	v1 =	vadd.f32 v13, v1;
	[tilespmem:$0x1F3E0] =	vst v7;
	v13 =	vcombine.low v61, v43;
	v61 =	vld [tilespmem:$0x1F060]  }
0x2f4: {  	v19 =	vcombine.low v19, v21;
	v16 =	vor.u32 v16, v27;
	v7 =	vadd.f32 v17, v9;
	v17 =	vld.idx.msk [tilespmem:v10+s14+$0x0], $0xffff  }
0x2f5: {  	v21 =	vld.idx.msk [tilespmem:v10+s15+$0x0], $0xffff  }
0x2f6: {  	v9 =	vcombine.low v53, v55;
	v56 =	vor.u32 v19, v27;
	v53 =	vld [tilespmem:$0x1F020]  }
0x2f7: {  	v18 =	vld.idx.msk [tilespmem:v49+s14+$0x0], $0xffff  }
0x2f8: {  	v19 =	vld.idx.msk [tilespmem:v49+s15+$0x0], $0xffff  }
0x2f9: {  	v11 =	vor.u32 v11, v27;
	v24 =	vld.idx.msk [tilespmem:v16+s14+$0x0], $0xffff  }
0x2fa: {  	[tilespmem:$0x1F300] =	vst v45;
	v43 =	vld.idx.msk [tilespmem:v16+s15+$0x0], $0xffff  }
0x2fb: {  	[tilespmem:$0x1F330] =	vst v23;
	v46 =	vmul.f32 v23, v23;
	v23 =	vld.idx.msk [tilespmem:v56+s14+$0x0], $0xffff  }
0x2fc: {  	v60 =	vmul.f32 v45, v45;
	v9 =	vand.u32 $0xF, v9;
	[tilespmem:$0x1F310] =	vst v25;
	v16 =	vld [tilespmem:$0x1F010]  }
0x2fd: {  	v9 =	vor.u32 v9, v27;
	v45 =	vmul.f32 v25, v25;
	[tilespmem:$0x1F370] =	vst v17;
	v25 =	vld.idx.msk [tilespmem:v56+s15+$0x0], $0xffff  }
0x2fe: {  	v49 =	vor.u32 v13, v27;
	v13 =	vcombine.low v53, v15;
	v57 =	vmul.f32 v17, v17;
	v17 =	vld.idx.msk [tilespmem:v11+s14+$0x0], $0xffff  }
0x2ff: {  	[tilespmem:$0x1F360] =	vst v20;
	v56 =	vmul.f32 v20, v20;
	v15 =	vmul.f32 v21, v21;
	v20 =	vld.idx.msk [tilespmem:v11+s15+$0x0], $0xffff  }
0x300: {  	v53 =	vld [tilespmem:$0x1F990]  }
0x301: {  	v1 =	vadd.f32 v15, v1;
	v15 =	vld [tilespmem:$0x1F070]  }
0x302: {  	[tilespmem:$0x1F350] =	vst v22;
	v52 =	vmul.f32 v22, v22;
	v22 =	vld.idx.msk [tilespmem:v9+s14+$0x0], $0xffff  }
0x303: {  	v59 =	vor.u32 v13, v27;
	v14 =	vcombine.low v47, v16;
	v16 =	vld [tilespmem:$0x1F050]  }
0x304: {  	v6 =	vadd.f32 v60, v6;
	v42 =	vld.idx.msk [tilespmem:v9+s15+$0x0], $0xffff  }
0x305: {  	v7 =	vadd.f32 v52, v7;
	[tilespmem:$0x1F3A0] =	vst v18;
	v60 =	vmul.f32 v18, v18;
	v18 =	vld.idx.msk [tilespmem:v49+s14+$0x0], $0xffff  }
0x306: {  	[tilespmem:$0x1F380] =	vst v21;
	v5 =	vadd.f32 v56, v5;
	v4 =	vadd.f32 v57, v4;
	v21 =	vld.idx.msk [tilespmem:v49+s15+$0x0], $0xffff  }
0x307: {  	v57 =	vmul.f32 v25, v25;
	v55 =	vor.u32 v14, v27;
	v13 =	vcombine.low v61, v15;
	v15 =	vld [tilespmem:$0x1F080]  }
0x308: {  	[tilespmem:$0x1F3D0] =	vst v43;
	v52 =	vmul.f32 v43, v43;
	v43 =	vld.idx.msk [tilespmem:v59+s15+$0x0], $0xffff;
	v14 =	vcombine.low v58, v16  }
0x309: {  	v2 =	vadd.f32 v45, v2;
	v5 =	vadd.f32 v57, v5;
	v57 =	vld [tilespmem:$0x1F110]  }
0x30a: {  	v6 =	vadd.f32 v60, v6;
	[tilespmem:$0x1F430] =	vst v42;
	v60 =	vmul.f32 v42, v42;
	v42 =	vld [tilespmem:$0x1F0C0];
	v45 =	vor.u32 v14, v27  }
0x30b: {  	v16 =	vld [tilespmem:$0x1F090]  }
0x30c: {  	v8 =	vadd.f32 v46, v8;
	[tilespmem:$0x1F3B0] =	vst v19;
	v46 =	vmul.f32 v19, v19;
	v19 =	vld.idx.msk [tilespmem:v55+s14+$0x0], $0xffff  }
0x30d: {  	[tilespmem:$0x1F3C0] =	vst v24;
	v47 =	vmul.f32 v24, v24;
	v24 =	vld.idx.msk [tilespmem:v55+s15+$0x0], $0xffff  }
0x30e: {  	v55 =	vld [tilespmem:$0x1F9A0]  }
0x30f: {  	[tilespmem:$0x1F420] =	vst v22;
	v49 =	vor.u32 v13, v27;
	v58 =	vmul.f32 v22, v22;
	v22 =	vld.idx.msk [tilespmem:v45+s14+$0x0], $0xffff  }
0x310: {  	[tilespmem:$0x1F410] =	vst v25;
	v15 =	vcombine.low v15, v16;
	v25 =	vld.idx.msk [tilespmem:v45+s15+$0x0], $0xffff  }
0x311: {  	v16 =	vmul.f32 v23, v23;
	v45 =	vld [tilespmem:$0x1F0D0]  }
0x312: {  	v56 =	vor.u32 v15, v27;
	v15 =	vld [tilespmem:$0x1F0A0]  }
0x313: {  	v12 =	vcombine.low v53, v55;
	v7 =	vadd.f32 v16, v7;
	v16 =	vld [tilespmem:$0x1F0B0]  }
0x314: {  	[tilespmem:$0x1F440] =	vst v17;
	v61 =	vmul.f32 v17, v17;
	v17 =	vld.idx.msk [tilespmem:v49+s14+$0x0], $0xffff  }
0x315: {  	[tilespmem:$0x1F400] =	vst v23;
	v23 =	vld.idx.msk [tilespmem:v59+s14+$0x0], $0xffff;
	v12 =	vand.u32 $0xF, v12  }
0x316: {  	v59 =	vor.u32 v12, v27;
	v12 =	vcombine.low v45, v42;
	v42 =	vld.idx.msk [tilespmem:v49+s15+$0x0], $0xffff  }
0x317: {  	[tilespmem:$0x1F460] =	vst v18;
	v49 =	vmul.f32 v18, v18;
	v18 =	vld.idx.msk [tilespmem:v56+s14+$0x0], $0xffff  }
0x318: {  	v15 =	vcombine.low v16, v15;
	v16 =	vld [tilespmem:$0x1F0F0]  }
0x319: {  	[tilespmem:$0x1F450] =	vst v20;
	v8 =	vadd.f32 v47, v8;
	v47 =	vmul.f32 v20, v20;
	v20 =	vld.idx.msk [tilespmem:v56+s15+$0x0], $0xffff  }
0x31a: {  	v2 =	vadd.f32 v46, v2;
	v56 =	vld [tilespmem:$0x1F100];
	v46 =	vor.u32 v15, v27  }
0x31b: {  	v15 =	vld [tilespmem:$0x1F0E0]  }
0x31c: {  	v34 =	vcombine.low v34, v36;
	v3 =	vadd.f32 v52, v3;
	v2 =	vadd.f32 v47, v2;
	v47 =	vld [tilespmem:$0x1F150]  }
0x31d: {  	v6 =	vadd.f32 v61, v6;
	[tilespmem:$0x1F480] =	vst v19;
	v55 =	vmul.f32 v19, v19;
	v19 =	vld.idx.msk [tilespmem:v59+s14+$0x0], $0xffff  }
0x31e: {  	[tilespmem:$0x1F470] =	vst v21;
	v1 =	vadd.f32 v60, v1;
	v53 =	vmul.f32 v21, v21;
	v21 =	vld.idx.msk [tilespmem:v59+s15+$0x0], $0xffff  }
0x31f: {  	v4 =	vadd.f32 v58, v4;
	[tilespmem:$0x1F4A0] =	vst v23;
	v60 =	vmul.f32 v23, v23;
	v23 =	vld.idx.msk [tilespmem:v46+s14+$0x0], $0xffff  }
0x320: {  	[tilespmem:$0x1F4B0] =	vst v43;
	v52 =	vor.u32 v12, v27;
	v12 =	vcombine.low v57, v56;
	v15 =	vcombine.low v16, v15;
	v16 =	vld [tilespmem:$0x1F130]  }
0x321: {  	v43 =	vmul.f32 v43, v43;
	[tilespmem:$0x1F490] =	vst v24;
	v59 =	vmul.f32 v24, v24;
	v24 =	vld.idx.msk [tilespmem:v46+s15+$0x0], $0xffff  }
0x322: {  	v3 =	vadd.f32 v53, v3;
	v45 =	vmul.f32 v22, v22;
	v61 =	vor.u32 v12, v27;
	v46 =	vld [tilespmem:$0x1F140]  }
0x323: {  	v53 =	vmul.f32 v17, v17;
	v8 =	vadd.f32 v49, v8;
	v58 =	vor.u32 v15, v27;
	v15 =	vld [tilespmem:$0x1F120]  }
0x324: {  	v7 =	vadd.f32 v55, v7;
	v6 =	vadd.f32 v45, v6;
	v57 =	vld [tilespmem:$0x1FB80];
	v45 =	vmul.f32 v18, v18  }
0x325: {  	v1 =	vadd.f32 v43, v1;
	[tilespmem:$0x1F4C0] =	vst v22;
	v8 =	vadd.f32 v53, v8;
	v22 =	vld.idx.msk [tilespmem:v52+s14+$0x0], $0xffff  }
0x326: {  	v53 =	vcombine.low v32, v33;
	v43 =	vld.idx.msk [tilespmem:v52+s15+$0x0], $0xffff;
	v7 =	vadd.f32 v45, v7;
	v45 =	vor.u32 v34, v27  }
0x327: {  	[tilespmem:$0x1F4D0] =	vst v25;
	v52 =	vmul.f32 v25, v25;
	v12 =	vcombine.low v47, v46;
	v25 =	vld.idx.msk [tilespmem:v61+s14+$0x0], $0xffff  }
0x328: {  	[tilespmem:$0x1F4F0] =	vst v42;
	v56 =	vmul.f32 v42, v42;
	v42 =	vld.idx.msk [tilespmem:v61+s15+$0x0], $0xffff;
	v15 =	vcombine.low v16, v15  }
0x329: {  	v2 =	vadd.f32 v52, v2;
	v52 =	vmul.f32 v21, v21;
	v16 =	vld [tilespmem:$0x1F170];
	v55 =	vor.u32 v12, v27  }
0x32a: {  	[tilespmem:$0x1F4E0] =	vst v17;
	v49 =	vor.u32 v15, v27;
	v15 =	vld [tilespmem:$0x1F160]  }
0x32b: {  	v9 =	vor.u32 v53, v27;
	v1 =	vadd.f32 v52, v1;
	v32 =	vmul.f32 v23, v23;
	v53 =	vld.idx.msk [tilespmem:v45+s14+$0x0], $0xffff  }
0x32c: {  	[tilespmem:$0x1F570] =	vst v43;
	v36 =	vmul.f32 v43, v43;
	v43 =	vcombine.low v35, v37;
	v52 =	vld.idx.msk [tilespmem:v45+s15+$0x0], $0xffff  }
0x32d: {  	[tilespmem:$0x1F510] =	vst v20;
	v17 =	vld.idx.msk [tilespmem:v58+s14+$0x0], $0xffff  }
0x32e: {  	v46 =	vmul.f32 v20, v20;
	v6 =	vadd.f32 v32, v6;
	v32 =	vor.u32 v43, v27;
	v20 =	vld.idx.msk [tilespmem:v55+s14+$0x0], $0xffff  }
0x32f: {  	v47 =	vcombine.low v30, v31;
	v15 =	vcombine.low v16, v15;
	v16 =	vld.idx.msk [tilespmem:v58+s15+$0x0], $0xffff  }
0x330: {  	v33 =	vmul.f32 v24, v24;
	v58 =	vld [tilespmem:$0x1FB70]  }
0x331: {  	[tilespmem:$0x1F530] =	vst v21;
	v21 =	vld.idx.msk [tilespmem:v55+s15+$0x0], $0xffff;
	v55 =	vor.u32 v47, v27  }
0x332: {  	v2 =	vadd.f32 v33, v2;
	[tilespmem:$0x1F5B0] =	vst v42;
	v33 =	vmul.f32 v42, v42;
	v42 =	vcombine.low v0, v29;
	v0 =	vld [tilespmem:$0x1F180]  }
0x333: {  	v4 =	vadd.f32 v60, v4;
	[tilespmem:$0x1F500] =	vst v18;
	v34 =	vcombine.low v48, v50;
	v50 =	vld.idx.msk [tilespmem:v32+s15+$0x0], $0xffff  }
0x334: {  	v5 =	vadd.f32 v59, v5;
	v18 =	vld.idx.msk [tilespmem:v49+s14+$0x0], $0xffff;
	v59 =	vor.u32 v15, v27;
	v15 =	vmul.f32 v19, v19  }
0x335: {  	[tilespmem:$0x1F520] =	vst v19;
	v19 =	vld.idx.msk [tilespmem:v49+s15+$0x0], $0xffff;
	v13 =	vcombine.low v58, v57  }
0x336: {  	v3 =	vadd.f32 v56, v3;
	v56 =	vld.idx.msk [tilespmem:v55+s15+$0x0], $0xffff;
	v4 =	vadd.f32 v15, v4;
	v15 =	vmul.f32 v22, v22  }
0x337: {  	v57 =	vld.idx.msk [tilespmem:v55+s14+$0x0], $0xffff;
	v13 =	vand.u32 $0xF, v13  }
0x338: {  	v55 =	vld.idx.msk [tilespmem:v9+s14+$0x0], $0xffff;
	v8 =	vadd.f32 v15, v8;
	v15 =	vmul.f32 v25, v25;
	v49 =	vor.u32 v13, v27  }
0x339: {  	v61 =	vld.idx.msk [tilespmem:v59+s14+$0x0], $0xffff  }
0x33a: {  	v60 =	vld.idx.msk [tilespmem:v59+s15+$0x0], $0xffff;
	v4 =	vadd.f32 v15, v4;
	v15 =	vcombine.low v51, v54  }
0x33b: {  	v54 =	vld.idx.msk [tilespmem:v9+s15+$0x0], $0xffff  }
0x33c: {  	v12 =	vand.u32 $0xF, v42;
	v43 =	vor.u32 v15, v27;
	v15 =	vld [tilespmem:$0x1F190]  }
0x33d: {  	v9 =	vor.u32 v12, v27;
	v59 =	vld.idx.msk [tilespmem:v49+s14+$0x0], $0xffff  }
0x33e: {  	v58 =	vld.idx.msk [tilespmem:v49+s15+$0x0], $0xffff;
	v49 =	vcombine.low v38, v39  }
0x33f: {  	v51 =	vld.idx.msk [tilespmem:v32+s14+$0x0], $0xffff;
	v38 =	vor.u32 v34, v27  }
0x340: {  	v5 =	vadd.f32 v46, v5;
	v47 =	vmul.f32 v16, v16;
	v34 =	vld [tilespmem:$0x1F1B0];
	v35 =	vor.u32 v49, v27  }
0x341: {  	v15 =	vcombine.low v15, v0;
	v0 =	vld [tilespmem:$0x1F1A0]  }
0x342: {  	v5 =	vadd.f32 v47, v5;
	v47 =	vmul.f32 v60, v60;
	v42 =	vld.idx.msk [tilespmem:v9+s15+$0x0], $0xffff  }
0x343: {  	v46 =	vmul.f32 v17, v17;
	v45 =	vld.idx.msk [tilespmem:v43+s14+$0x0], $0xffff  }
0x344: {  	v5 =	vadd.f32 v47, v5;
	v47 =	vld.idx.msk [tilespmem:v38+s14+$0x0], $0xffff  }
0x345: {  	v7 =	vadd.f32 v46, v7;
	v46 =	vmul.f32 v61, v61;
	v49 =	vld.idx.msk [tilespmem:v35+s14+$0x0], $0xffff  }
0x346: {  	v32 =	vmul.f32 v59, v59;
	v12 =	vcombine.low v34, v0;
	v0 =	vld [tilespmem:$0x1F1C0]  }
0x347: {  	v34 =	vld [tilespmem:$0x1F1D0]  }
0x348: {  	v7 =	vadd.f32 v46, v7;
	v48 =	vld.idx.msk [tilespmem:v35+s15+$0x0], $0xffff;
	v4 =	vadd.f32 v32, v4  }
0x349: {  	v35 =	vor.u32 v15, v27;
	v15 =	vcombine.low v62, v44;
	v44 =	vld.idx.msk [tilespmem:v43+s15+$0x0], $0xffff;
	v32 =	vmul.f32 v53, v53  }
0x34a: {  	v3 =	vadd.f32 v36, v3;
	v1 =	vadd.f32 v33, v1;
	v43 =	vld.idx.msk [tilespmem:v9+s14+$0x0], $0xffff  }
0x34b: {  	[tilespmem:$0x1F590] =	vst v16;
	v36 =	vmul.f32 v18, v18;
	v16 =	vmul.f32 v21, v21;
	v7 =	vadd.f32 v32, v7;
	v32 =	vld [tilespmem:$0x1F1F0]  }
0x34c: {  	v37 =	vmul.f32 v19, v19;
	v9 =	vor.u32 v15, v27;
	v15 =	vcombine.low v34, v0;
	v0 =	vld [tilespmem:$0x1F1E0]  }
0x34d: {  	v6 =	vadd.f32 v36, v6;
	v33 =	vmul.f32 v58, v58;
	v46 =	vld.idx.msk [tilespmem:v38+s15+$0x0], $0xffff;
	v10 =	vor.u32 v12, v27  }
0x34e: {  	v3 =	vadd.f32 v16, v3;
	v39 =	vmul.f32 v20, v20;
	v62 =	vcombine.low v40, v41;
	v41 =	vld.idx.msk [tilespmem:v35+s14+$0x0], $0xffff  }
0x34f: {  	v2 =	vadd.f32 v37, v2;
	v1 =	vadd.f32 v33, v1;
	v33 =	vmul.f32 v52, v52;
	v40 =	vld.idx.msk [tilespmem:v35+s15+$0x0], $0xffff  }
0x350: {  	v37 =	vmul.f32 v56, v56;
	v8 =	vadd.f32 v39, v8;
	v39 =	vmul.f32 v54, v54;
	v34 =	vld [tilespmem:$0x1F210]  }
0x351: {  	[tilespmem:$0x1F580] =	vst v17;
	v38 =	vmul.f32 v55, v55;
	v5 =	vadd.f32 v33, v5;
	v33 =	vcombine.low v32, v0;
	v0 =	vld [tilespmem:$0x1F200]  }
0x352: {  	v36 =	vmul.f32 v57, v57;
	v2 =	vadd.f32 v37, v2;
	v3 =	vadd.f32 v39, v3;
	v39 =	vld.idx.msk [tilespmem:v10+s14+$0x0], $0xffff  }
0x353: {  	v17 =	vadd.f32 v38, v8;
	v11 =	vor.u32 v62, v27;
	v12 =	vmul.f32 v48, v48;
	v38 =	vld.idx.msk [tilespmem:v10+s15+$0x0], $0xffff  }
0x354: {  	v35 =	vmul.f32 v51, v51;
	v10 =	vor.u32 v15, v27;
	v37 =	vld.idx.msk [tilespmem:v9+s14+$0x0], $0xffff  }
0x355: {  	v6 =	vadd.f32 v36, v6;
	v8 =	vadd.f32 v12, v2;
	v2 =	vld [tilespmem:$0x1F230]  }
0x356: {  	v4 =	vadd.f32 v35, v4;
	v35 =	vmul.f32 v49, v49;
	v13 =	vcombine.low v34, v0;
	v0 =	vld [tilespmem:$0x1F220]  }
0x357: {  	v36 =	vld.idx.msk [tilespmem:v9+s15+$0x0], $0xffff  }
0x358: {  	v6 =	vadd.f32 v35, v6;
	v35 =	vld.idx.msk [tilespmem:v11+s14+$0x0], $0xffff  }
0x359: {  	v9 =	vor.u32 v33, v27;
	v33 =	vld.idx.msk [tilespmem:v10+s14+$0x0], $0xffff  }
0x35a: {  	v16 =	vcombine.low v26, v28;
	v32 =	vld.idx.msk [tilespmem:v10+s15+$0x0], $0xffff  }
0x35b: {  	v62 =	vmul.f32 v50, v50;
	v14 =	vcombine.low v2, v0;
	v0 =	vld [tilespmem:$0x1F240]  }
0x35c: {  	v15 =	vmul.f32 v47, v47;
	v2 =	vld [tilespmem:$0x1F250]  }
0x35d: {  	[tilespmem:$0x1F5C0] =	vst v18;
	v1 =	vadd.f32 v62, v1;
	v12 =	vand.u32 $0xF, v16;
	v34 =	vld.idx.msk [tilespmem:v11+s15+$0x0], $0xffff  }
0x35e: {  	v18 =	vadd.f32 v15, v17;
	v15 =	vmul.f32 v42, v42;
	v11 =	vor.u32 v13, v27;
	v31 =	vld.idx.msk [tilespmem:v9+s14+$0x0], $0xffff  }
0x35f: {  	v10 =	vor.u32 v12, v27;
	v12 =	vmul.f32 v44, v44;
	v30 =	vld.idx.msk [tilespmem:v9+s15+$0x0], $0xffff  }
0x360: {  	v9 =	vor.u32 v14, v27;
	v14 =	vadd.f32 v15, v1;
	v1 =	vld [tilespmem:$0x1F270]  }
0x361: {  	v5 =	vadd.f32 v12, v5;
	v12 =	vcombine.low v2, v0;
	v0 =	vld [tilespmem:$0x1F260];
	_ =	sdelay $0x1  }
0x362: {  	v62 =	vmul.f32 v46, v46;
	v29 =	vld.idx.msk [tilespmem:v11+s14+$0x0], $0xffff  }
0x363: {  	v28 =	vld.idx.msk [tilespmem:v11+s15+$0x0], $0xffff  }
0x364: {  	v3 =	vadd.f32 v62, v3;
	v62 =	vmul.f32 v45, v45;
	v11 =	vld [tilespmem:$0x1F290]  }
0x365: {  	v2 =	vcombine.low v1, v0;
	v0 =	vld [tilespmem:$0x1F280]  }
0x366: {  	v7 =	vadd.f32 v62, v7;
	v62 =	vmul.f32 v43, v43  }
0x367: {  	v1 =	vmul.f32 v38, v38  }
0x368: {  	v16 =	vadd.f32 v62, v4;
	v4 =	vmul.f32 v40, v40  }
0x369: {  	[tilespmem:$0x1F5E0] =	vst v20;
	v20 =	vadd.f32 v1, v3;
	v1 =	vld [tilespmem:$0x1F2B0]  }
0x36a: {  	[tilespmem:$0x1F5D0] =	vst v19;
	v19 =	vadd.f32 v4, v8;
	v8 =	vcombine.low v11, v0;
	v0 =	vld [tilespmem:$0x1F2A0];
	_ =	sdelay $0x3  }
0x36b: {  	v11 =	vld [tilespmem:$0x1F2D0]  }
0x36c: {  	v13 =	vmul.f32 v39, v39;
	v4 =	vcombine.low v1, v0;
	v0 =	vld [tilespmem:$0x1F2C0]  }
0x36d: {  	v62 =	vmul.f32 v41, v41  }
0x36e: {  	[tilespmem:$0x1F5A0] =	vst v25;
	v26 =	vld.idx.msk [tilespmem:v10+s15+$0x0], $0xffff;
	v17 =	vadd.f32 v13, v18  }
0x36f: {  	v13 =	vmul.f32 v36, v36;
	v15 =	vadd.f32 v62, v6;
	v62 =	vld.idx.msk [tilespmem:v10+s14+$0x0], $0xffff;
	v12 =	vor.u32 v12, v27  }
0x370: {  	v10 =	vmul.f32 v35, v35;
	v25 =	vld.idx.msk [tilespmem:v9+s14+$0x0], $0xffff;
	v2 =	vor.u32 v2, v27;
	v1 =	vmul.f32 v34, v34  }
0x371: {  	v13 =	vadd.f32 v13, v5;
	v5 =	vcombine.low v11, v0;
	v0 =	vld [tilespmem:$0x1F2E0]  }
0x372: {  	v3 =	vor.u32 v8, v27;
	v11 =	vadd.f32 v10, v16;
	v10 =	vadd.f32 v1, v14;
	v1 =	vld [tilespmem:$0x1F2F0]  }
0x373: {  	[tilespmem:$0x1F550] =	vst v24;
	v24 =	vld.idx.msk [tilespmem:v9+s15+$0x0], $0xffff  }
0x374: {  	[tilespmem:$0x1F540] =	vst v23;
	v18 =	vmul.f32 v37, v37;
	v23 =	vld.idx.msk [tilespmem:v12+s14+$0x0], $0xffff  }
0x375: {  	[tilespmem:$0x1F5F0] =	vst v21;
	v21 =	vld.idx.msk [tilespmem:v2+s14+$0x0], $0xffff;
	v4 =	vor.u32 v4, v27;
	v14 =	vmul.f32 v33, v33  }
0x376: {  	v9 =	vadd.f32 v18, v7;
	v18 =	vld.idx.msk [tilespmem:v2+s15+$0x0], $0xffff;
	v2 =	vmul.f32 v30, v30;
	v6 =	vor.u32 v5, v27  }
0x377: {  	v5 =	vmul.f32 v32, v32;
	v15 =	vadd.f32 v14, v15;
	v14 =	vld.idx.msk [tilespmem:v3+s15+$0x0], $0xffff;
	v8 =	vcombine.low v1, v0  }
0x378: {  	[tilespmem:$0x1F560] =	vst v22;
	v20 =	vadd.f32 v2, v20;
	v16 =	vld.idx.msk [tilespmem:v3+s14+$0x0], $0xffff;
	v3 =	vmul.f32 v29, v29  }
0x379: {  	v22 =	vld.idx.msk [tilespmem:v12+s15+$0x0], $0xffff;
	v19 =	vadd.f32 v5, v19;
	v1 =	vmul.f32 v31, v31;
	v5 =	vor.u32 v8, v27  }
0x37a: {  	v12 =	vld.idx.msk [tilespmem:v4+s14+$0x0], $0xffff;
	v9 =	vadd.f32 v3, v9;
	v3 =	vmul.f32 v26, v26;
	v0 =	vmul.f32 v25, v25  }
0x37b: {  	v2 =	vmul.f32 v62, v62;
	v17 =	vadd.f32 v1, v17;
	v1 =	vmul.f32 v28, v28;
	v8 =	vld.idx.msk [tilespmem:v4+s15+$0x0], $0xffff  }
0x37c: {  	v10 =	vadd.f32 v3, v10;
	v7 =	vld.idx.msk [tilespmem:v6+s15+$0x0], $0xffff;
	v15 =	vadd.f32 v0, v15;
	v0 =	vmul.f32 v14, v14  }
0x37d: {  	v4 =	vadd.f32 v1, v13;
	v1 =	vmul.f32 v24, v24;
	v13 =	vld.idx.msk [tilespmem:v6+s14+$0x0], $0xffff  }
0x37e: {  	v11 =	vadd.f32 v2, v11;
	v6 =	vmul.f32 v23, v23;
	v0 =	vadd.f32 v0, v10;
	v3 =	vld.idx.msk [tilespmem:v5+s14+$0x0], $0xffff  }
0x37f: {  	v1 =	vadd.f32 v1, v19;
	v19 =	vmul.f32 v22, v22;
	v2 =	vld.idx.msk [tilespmem:v5+s15+$0x0], $0xffff;
	v5 =	vmul.f32 v21, v21  }
0x380: {  	v6 =	vadd.f32 v6, v17;
	v17 =	vmul.f32 v18, v18;
	v10 =	vmul.f32 v8, v8  }
0x381: {  	v19 =	vadd.f32 v19, v20;
	v5 =	vadd.f32 v5, v9;
	v9 =	vmul.f32 v12, v12  }
0x382: {  	v20 =	vmul.f32 v16, v16;
	v4 =	vadd.f32 v17, v4;
	v1 =	vadd.f32 v10, v1  }
0x383: {  	v9 =	vadd.f32 v9, v15;
	v15 =	vmul.f32 v13, v13;
	v17 =	vmul.f32 v3, v3  }
0x384: {  	v10 =	vmul.f32 v7, v7;
	v11 =	vadd.f32 v20, v11;
	v20 =	vmul.f32 v2, v2  }
0x385: {  	v6 =	vadd.f32 v15, v6;
	v15 =	vld [tilespmem:$0x1F300];
	v5 =	vadd.f32 v17, v5  }
0x386: {  	v10 =	vadd.f32 v10, v19;
	v4 =	vadd.f32 v20, v4;
	v17 =	vld [tilespmem:$0x1F310]  }
0x387: {  	v5 =	vadd.f32 v5, v6;
	v6 =	vld [tilespmem:$0x1F330]  }
0x388: {  	v0 =	vadd.f32 v1, v0;
	v1 =	vadd.f32 v4, v10;
	v10 =	vld [tilespmem:$0x1F340]  }
0x389: {  	v9 =	vadd.f32 v9, v11;
	v11 =	vld [tilespmem:$0x1F320];
	_ =	sdelay $0x2  }
0x38a: {  	v0 =	vadd.f32 v1, v0;
	v1 =	vld [tilespmem:$0x1F390];
	v15 =	vmul.f32 v17, v15  }
0x38b: {  	v6 =	vmul.f32 v10, v6;
	v10 =	vld [tilespmem:$0x1F350]  }
0x38c: {  	v4 =	vadd.f32 v15, v11;
	v11 =	vld [tilespmem:$0x1F360];
	_ =	sdelay $0x1  }
0x38d: {  	v5 =	vadd.f32 v5, v9;
	v9 =	vld [tilespmem:$0x1F3B0]  }
0x38e: {  	v15 =	vld [tilespmem:$0x1F380]  }
0x38f: {  	v1 =	vadd.f32 v6, v1;
	v6 =	vld [tilespmem:$0x1F3A0]  }
0x390: {  	v10 =	vmul.f32 v11, v10;
	v11 =	vld [tilespmem:$0x1F370];
	_ =	sdelay $0x3  }
0x391: {  	v6 =	vmul.f32 v9, v6;
	v9 =	vld [tilespmem:$0x1F3C0]  }
0x392: {  	v11 =	vmul.f32 v15, v11;
	v15 =	vld [tilespmem:$0x1F3D0];
	_ =	sdelay $0x4  }
0x393: {  	v9 =	vmul.f32 v15, v9;
	v15 =	vld [tilespmem:$0x1F3E0];
	_ =	sdelay $0x4  }
0x394: {  	v10 =	vadd.f32 v10, v15;
	v15 =	vld [tilespmem:$0x1F3F0];
	_ =	sdelay $0x3  }
0x395: {  	v17 =	vld [tilespmem:$0x1F430]  }
0x396: {  	v11 =	vadd.f32 v11, v15;
	v15 =	vld [tilespmem:$0x1F420]  }
0x397: {  	v0 =	vmul.f32 v0, v5;
	v5 =	vld [tilespmem:$0x1F400]  }
0x398: {  	v1 =	vadd.f32 v9, v1;
	v9 =	vld [tilespmem:$0x1F410];
	_ =	sdelay $0x1  }
0x399: {  	v19 =	vld [tilespmem:$0x1F450]  }
0x39a: {  	v15 =	vmul.f32 v17, v15;
	v17 =	vld [tilespmem:$0x1F440];
	_ =	sdelay $0x1  }
0x39b: {  	v5 =	vmul.f32 v9, v5;
	_ =	sdelay $0x1  }
0x39c: {  	v5 =	vadd.f32 v5, v10;
	v10 =	vld [tilespmem:$0x1F460]  }
0x39d: {  	v17 =	vmul.f32 v19, v17;
	v19 =	vld [tilespmem:$0x1F470]  }
0x39e: {  	v4 =	vadd.f32 v6, v4  }
0x39f: {  	v11 =	vadd.f32 v15, v11;
	v15 =	vld [tilespmem:$0x1F480]  }
0x3a0: {  	v4 =	vadd.f32 v17, v4;
	v17 =	vld [tilespmem:$0x1F490];
	_ =	sdelay $0x1  }
0x3a1: {  	v10 =	vmul.f32 v19, v10;
	_ =	sdelay $0x1  }
0x3a2: {  	v1 =	vadd.f32 v10, v1;
	v10 =	vld [tilespmem:$0x1F4A0]  }
0x3a3: {  	v15 =	vmul.f32 v17, v15;
	v17 =	vld [tilespmem:$0x1F4B0]  }
0x3a4: {  	v6 =	vshra.s32 v0, $0x1;
	v9 =	vmul.f32 $5.000000000e-01, v0  }
0x3a5: {  	v6 =	vsub.s32 $0x5F3759DF, v6  }
0x3a6: {  	v19 =	vmul.f32 v6, v9  }
0x3a7: {  	v5 =	vadd.f32 v15, v5;
	v15 =	vld [tilespmem:$0x1F4C0]  }
0x3a8: {  	v10 =	vmul.f32 v17, v10;
	v17 =	vmul.f32 v6, v19;
	v19 =	vld [tilespmem:$0x1F4D0];
	_ =	sdelay $0x3  }
0x3a9: {  	v20 =	vld [tilespmem:$0x1F4F0]  }
0x3aa: {  	v15 =	vmul.f32 v19, v15;
	v19 =	vld [tilespmem:$0x1F4E0];
	_ =	sdelay $0x3  }
0x3ab: {  	v10 =	vadd.f32 v10, v11;
	v11 =	vld [tilespmem:$0x1F500]  }
0x3ac: {  	v19 =	vmul.f32 v20, v19;
	v20 =	vld [tilespmem:$0x1F510]  }
0x3ad: {  	v4 =	vadd.f32 v15, v4;
	v15 =	vld [tilespmem:$0x1F520]  }
0x3ae: {  	v1 =	vadd.f32 v19, v1;
	v19 =	vld [tilespmem:$0x1F530];
	_ =	sdelay $0x1  }
0x3af: {  	v17 =	vsub.f32 $1.500000000e+00, v17  }
0x3b0: {  	v11 =	vmul.f32 v20, v11  }
0x3b1: {  	v6 =	vmul.f32 v6, v17;
	v17 =	vld [tilespmem:$0x1F570]  }
0x3b2: {  	v15 =	vmul.f32 v19, v15;
	v5 =	vadd.f32 v11, v5;
	v11 =	vld [tilespmem:$0x1F540]  }
0x3b3: {  	v19 =	vld [tilespmem:$0x1F550]  }
0x3b4: {  	v10 =	vadd.f32 v15, v10;
	v15 =	vld [tilespmem:$0x1F560];
	_ =	sdelay $0x3  }
0x3b5: {  	v11 =	vmul.f32 v19, v11;
	v19 =	vld [tilespmem:$0x1F590]  }
0x3b6: {  	v15 =	vmul.f32 v17, v15;
	v17 =	vld [tilespmem:$0x1F580];
	_ =	sdelay $0x3  }
0x3b7: {  	v4 =	vadd.f32 v11, v4;
	v11 =	vld [tilespmem:$0x1F5A0]  }
0x3b8: {  	v17 =	vmul.f32 v19, v17;
	v19 =	vld [tilespmem:$0x1F5B0];
	_ =	sdelay $0x1  }
0x3b9: {  	v1 =	vadd.f32 v15, v1;
	v15 =	vld [tilespmem:$0x1F5C0]  }
0x3ba: {  	v5 =	vadd.f32 v17, v5;
	v17 =	vld [tilespmem:$0x1F5D0];
	_ =	sdelay $0x1  }
0x3bb: {  	v11 =	vmul.f32 v19, v11;
	_ =	sdelay $0x1  }
0x3bc: {  	v10 =	vadd.f32 v11, v10;
	v11 =	vld [tilespmem:$0x1F5E0]  }
0x3bd: {  	v15 =	vmul.f32 v17, v15;
	v17 =	vld [tilespmem:$0x1F5F0];
	_ =	sdelay $0x2  }
0x3be: {  	v19 =	vmul.f32 v6, v9  }
0x3bf: {  	v4 =	vadd.f32 v15, v4;
	v15 =	vmul.f32 v60, v61  }
0x3c0: {  	v11 =	vmul.f32 v17, v11;
	v17 =	vmul.f32 v19, v6  }
0x3c1: {  	v8 =	vmul.f32 v8, v12;
	v61 =	vmul.f32 v56, v57  }
0x3c2: {  	v5 =	vadd.f32 v15, v5;
	v15 =	vmul.f32 v54, v55;
	v17 =	vsub.f32 $1.500000000e+00, v17  }
0x3c3: {  	v54 =	vmul.f32 v52, v53;
	v55 =	vmul.f32 v46, v47  }
0x3c4: {  	v4 =	vadd.f32 v61, v4;
	v19 =	vmul.f32 v58, v59;
	v6 =	vmul.f32 v17, v6  }
0x3c5: {  	v61 =	vmul.f32 v42, v43;
	v46 =	vmul.f32 v32, v33;
	v1 =	vadd.f32 v11, v1  }
0x3c6: {  	v20 =	vld [tilespmem:$0x1FDC0];
	v52 =	vmul.f32 v18, v21;
	v10 =	vadd.f32 v19, v10;
	v9 =	vmul.f32 v6, v9  }
0x3c7: {  	v60 =	vld [tilespmem:$0x1FF10];
	v1 =	vadd.f32 v15, v1;
	v15 =	vmul.f32 v50, v51;
	v17 =	vmul.f32 v48, v49  }
0x3c8: {  	v56 =	vld [tilespmem:$0x1FEE0];
	v5 =	vadd.f32 v54, v5;
	v48 =	vmul.f32 v30, v31;
	v9 =	vmul.f32 v9, v6  }
0x3c9: {  	v57 =	vld [tilespmem:$0x1FED0];
	v49 =	vmul.f32 v26, v62;
	v10 =	vadd.f32 v15, v10;
	v15 =	vmul.f32 v44, v45  }
0x3ca: {  	v43 =	vld [tilespmem:$0x1FDF0];
	v50 =	vmul.f32 v24, v25;
	v4 =	vadd.f32 v17, v4;
	v9 =	vsub.f32 $1.500000000e+00, v9  }
0x3cb: {  	v42 =	vld [tilespmem:$0x1FDE0];
	v17 =	vmul.f32 v38, v39;
	v5 =	vadd.f32 v15, v5;
	v15 =	vmul.f32 v40, v41  }
0x3cc: {  	v33 =	vld [tilespmem:$0x1FD50];
	v1 =	vadd.f32 v55, v1;
	v45 =	vmul.f32 v36, v37;
	v6 =	vmul.f32 v9, v6  }
0x3cd: {  	v32 =	vld [tilespmem:$0x1FD40];
	v10 =	vadd.f32 v61, v10;
	v4 =	vadd.f32 v15, v4;
	v15 =	vmul.f32 v34, v35  }
0x3ce: {  	v59 =	vld [tilespmem:$0x1FF00];
	v51 =	vmul.f32 v22, v23;
	v1 =	vadd.f32 v17, v1;
	v0 =	vmul.f32 v6, v0  }
0x3cf: {  	v58 =	vld [tilespmem:$0x1FEF0];
	v5 =	vadd.f32 v45, v5;
	v47 =	vadd.f32 v15, v10;
	v15 =	vmul.f32 v28, v29  }
0x3d0: {  	v54 =	vld [tilespmem:$0x1F620];
	v1 =	vadd.f32 v48, v1;
	v4 =	vadd.f32 v46, v4;
	v0 =	vmax.f32 v0, $9.999999970e-07  }
0x3d1: {  	v31 =	vld [tilespmem:$0x1FD30];
	v5 =	vadd.f32 v15, v5;
	v9 =	vadd.f32 v49, v47;
	(erf) = vrcp.f32 v0  }
0x3d2: {  	v30 =	vld [tilespmem:$0x1FD20];
	v4 =	vadd.f32 v50, v4;
	v0 =	vadd.f32 v51, v1;
	v1 =	vmul.f32 v14, v16  }
0x3d3: {  	v2 =	vmul.f32 v2, v3;
	v53 =	vmul.f32 v7, v13;
	v26 =	vld [tilespmem:$0x1FFE0];
	v5 =	vadd.f32 v52, v5  }
0x3d4: {  	v62 =	vmov v63;
	v63 =	vld [tilespmem:$0x1FF30];
	v3 =	vadd.f32 v8, v4;
	v1 =	vadd.f32 v1, v9  }
0x3d5: {  	v44 =	vld [tilespmem:$0x1FE00];
	v2 =	vadd.f32 v2, v5;
	v0 =	vadd.f32 v53, v0  }
0x3d6: {  	v39 =	vld [tilespmem:$0x1FDB0];
	v1 =	vadd.f32 v3, v1  }
0x3d7: {  	v38 =	vld [tilespmem:$0x1FDA0];
	v0 =	vadd.f32 v2, v0  }
0x3d8: {  	v55 =	vld [tilespmem:$0x1F610]  }
0x3d9: {  	v61 =	vld [tilespmem:$0x1F600];
	v0 =	vadd.f32 v0, v1  }
0x3da: {  	v37 =	vld [tilespmem:$0x1FD90];
	v1 =	vpop (erf)  }
0x3db: {  	v36 =	vld [tilespmem:$0x1FD80];
	v0 =	vmul.f32 v1, v0  }
0x3dc: {  	p1 =	sne.s32 s23, $0x100;
	v41 =	vld [tilespmem:$0x1FDD0]  }
.Ltmp0:
0x3dd: {  	v35 =	vld [tilespmem:$0x1FD70];
	v0 =	vmul.f32 v0, v55;
	(pc) =	sbr.rel @p1 .LBB2_3-.Ltmp0, $4  }
0x3de: {  	v34 =	vld [tilespmem:$0x1FD60]  }
0x3df: {  	v29 =	vld [tilespmem:$0x1FD10];
	v0 =	vadd.f32 v0, v54  }
0x3e0: {  	s24 =	sshra.s32 s23, $0x2;
	v16 =	vld [tilespmem:$0x1FFD0]  }
0x3e1: {  	s22 =	sadd.s32 $0x10, s22;
	s23 =	sadd.s32 $0x40, s23;
	v1 =	vld [tilespmem:$0x1FF40];
	[tilespmem:v61+s24+$0x0 ss:$0x1] =	vst.idx.msk $0xffff, v0  }
0x3e2: {  	s21 =	sadd.s32 $0x1, s21  }
0x3e3: {  	p1 =	sne.s32 s21, $0x7D  }
.Ltmp1:
0x3e4: {  	_ = 	snop;
	(pc) =	sbr.rel @p1 .LBB2_2-.Ltmp1, $2  }
0x3e5: {  	_ =	sdelay $0x2  }
0x3e6: {  	s20 =	sadd.s32 $0x50, s20;
	p0 =	por !p0, !p0  }
0x3e7: {  	s19 =	sadd.s32 $0x1, s19  }
0x3e8: {  	p0 =	sne.s32 s19, s9  }
.Ltmp2:
0x3e9: {  	_ = 	snop;
	(pc) =	sbr.rel @p0 .LBB2_1-.Ltmp2, $4  }
0x3ea: {  	[hbm4b:s8+s5] =	stream.linear.scatter [tilespmem:s18], [sflag:$0x3], $0x2710, $0x38;
	[tilespmem:$0x11700] =	vst v63  }
0x3eb: {  	_ =	swait.ge [sflag:s10], $0x2710  }
0x3ec: {  	[sflag:s10] =	ssyncset.done $0x0  }
0x3ed: {  	[sflag:s10] =	ssyncadd.s32 $0xFFFFD8F0  }
0x3ee: {  	_ =	sfence.sel $0x180000  }
0x3ef: {  	[bflag:$0x0] =	sbarrier.arrive $0xFFFF  }
0x3f0: {  	p0 =	sne.s32 s3, $0x0;
	_ =	strace $0x90000047  }
0x3f1: {  	s0 =	sadd.s32 @!p0 $0x100000, s4;
	[bflag:$0x2] =	sbarrier.arrive $0xFFFF  }
0x3f2: {  	[sflag:s0] =	ssyncadd.tile.s32 @!p0 $0x1;
	_ =	shalt  }
.Lfunc_end2:
_tile_overlayer_lowered:
.L_overlay_start_2:
0x3f3: {  	(tag) =	ssettag $0x2  }
0x3f4: {  	s0 =	rddreg [dreg:$0x0];
	s2 =	stileid.u32  }
0x3f5: {  	s1 =	rddreg [dreg:$0x1];
	p0 =	sne.s32 s2, $0x0  }
0x3f6: {  	s3 =	rddreg [dreg:$0x2];
	[bflag:$0x3] =	sbarrier.arrive $0xFFFF;
	s2 =	simm.s32 @!p0 $0x1C03  }
0x3f7: {  	[timem:s3], [sflag:s2] =	dma.local @!p0 [hbm:s0], s1  }
0x3f8: {  	s0 =	simm.s32 @!p0 $0x3  }
0x3f9: {  	_ =	swait.ge @!p0 [sflag:s0], s1  }
0x3fa: {  	s1 =	ssub.s32 @!p0 $0x0, s1;
	[sflag:s0] =	ssyncset.done @!p0 $0x0  }
0x3fb: {  	[sflag:s0] =	ssyncadd.s32 @!p0 s1  }
0x3fc: {  	[bflag:$0x3] =	sbarrier.arrive $0xFFFF  }
0x3fd: {  	_ =	shalt  }

</sc_bundles>
